<compile_context>
chip_gen: v7x
topology: tpu7x:2x2x1
jax: 0.10.2.dev20260603
libtpu: 0.0.44.dev20260713+nightly
codegen_flags: <defaults>
</compile_context>

<pallas_src>
import jax
import jax.numpy as jnp
from jax import lax
from jax.experimental import pallas as pl
from jax.experimental.pallas import tpu as pltpu
from jax.experimental.pallas import tpu_sc as plsc

NN = 100000
NE = 1600000
CODES = 8450
NB = CODES * CODES
MEM_SHAPE = (65, 65, 2, 65, 65, 2)
TSHAPE = (65, 65, 2, 65, 2, 65)
PERM = (0, 1, 2, 3, 5, 4)

NC, NS = 2, 16

EPW = NE // (NC * NS)
ECH = 2000
NECH = EPW // ECH
ACH = 2000
NACH = NN // ACH
FPW = 102400
NF = NC * NS * FPW

BCH = 6656
NBCH = 16
TSL = BCH * NBCH
W = TSL * NS
NPASS = -(-NB // (2 * W))
HSZ = W + 64
SCH = 2048
FPT = NF // NS
NSCH = FPT // SCH
SBN = 2048
TAIL = NB - (2 * NPASS - 1) * W - 14 * TSL - 7 * BCH

_mesh = plsc.VectorSubcoreMesh(core_axis_name="c", subcore_axis_name="s")
_params = pltpu.CompilerParams(needs_layout_passes=False)


def _quant(y):
    r = (y + 0.5).astype(jnp.int32)
    rf = r.astype(jnp.float32)
    tie = (rf - y) == 0.5
    odd = (r & 1) == 1
    r = r - jnp.where(tie & odd, 1, 0)
    return jnp.clip(r, 0, 64)


def _k1_body(xs, ys, tex, ea, eb, flats, pv, xsv, ysv, txv, eav, ebv, f1v, f2v):
    wid = lax.axis_index("s") * NC + lax.axis_index("c")

    def a_chunk(ci, _):
        base = ci * ACH
        pltpu.sync_copy(xs.at[pl.ds(base, ACH)], xsv)
        pltpu.sync_copy(ys.at[pl.ds(base, ACH)], ysv)
        pltpu.sync_copy(tex.at[pl.ds(base, ACH)], txv)

        def vec(i, _):
            o = i * 16
            qx = _quant(xsv[pl.ds(o, 16)] + 32.0)
            qy = _quant(ysv[pl.ds(o, 16)] + 32.0)
            t = txv[pl.ds(o, 16)]
            tq = jnp.where(t >= 0.5, 1, 0).astype(jnp.int32)
            tq = jnp.where(t == 0.5, 0, tq)
            lcode = (qx * 65 + qy) * 2 + tq
            rcode = (qx * 2 + tq) * 65 + qy
            pv[pl.ds(base + o, 16)] = lcode * 16384 + rcode
            return 0

        lax.fori_loop(0, ACH // 16, vec, 0)
        return 0

    lax.fori_loop(0, NACH, a_chunk, 0)

    ebase = wid * EPW
    fbase = wid * FPW

    def b_chunk(ci, _):
        off = ci * ECH
        pltpu.sync_copy(ea.at[pl.ds(ebase + off, ECH)], eav)
        pltpu.sync_copy(eb.at[pl.ds(ebase + off, ECH)], ebv)

        def vec(i, _):
            o = i * 16
            pa = plsc.load_gather(pv, [eav[pl.ds(o, 16)]])
            pb = plsc.load_gather(pv, [ebv[pl.ds(o, 16)]])
            f1v[pl.ds(o, 16)] = (pa >> 14) * CODES + (pb & 16383)
            f2v[pl.ds(o, 16)] = (pb >> 14) * CODES + (pa & 16383)
            return 0

        lax.fori_loop(0, ECH // 16, vec, 0)
        pltpu.sync_copy(f1v, flats.at[pl.ds(fbase + off, ECH)])
        pltpu.sync_copy(f2v, flats.at[pl.ds(fbase + EPW + off, ECH)])
        return 0

    lax.fori_loop(0, NECH, b_chunk, 0)

    neg1 = jnp.full((16,), -1, jnp.int32)

    def fill(i, _):
        f1v[pl.ds(i * 16, 16)] = neg1
        return 0

    lax.fori_loop(0, ECH // 16, fill, 0)
    pltpu.sync_copy(f1v, flats.at[pl.ds(fbase + 2 * EPW, ECH)])
    pltpu.sync_copy(f1v.at[pl.ds(0, 400)],
                    flats.at[pl.ds(fbase + 2 * EPW + ECH, 400)])


def _k2_body(flats, memf, outf, fv0, fv1, onesv, stg, sbuf, bnc0, bnc1, hist,
             dsem, ssem, msa, msb):
    core = lax.axis_index("c")
    sid = lax.axis_index("s")
    lane = lax.broadcasted_iota(jnp.int32, (16,), 0)

    def ones_init(i, _):
        onesv[pl.ds(i * 16, 16)] = jnp.full((16,), 1.0, jnp.float32)
        return 0

    lax.fori_loop(0, SCH // 16, ones_init, 0)

    bn = (bnc0, bnc1)

    def do_pass(p, _):
        wb = (p * 2 + core) * W

        def hbm_sl(ref, j, n=BCH):
            return ref.at[pl.ds(wb + sid * TSL + j * BCH, n)]

        def sp_sl(j, n=BCH):
            return hist.at[pl.ds(sid * TSL + j * BCH, n)]

        def move_async(to_hbm):
            h1 = [None, None]
            h2 = [None, None]

            def fire1(j, x):
                if to_hbm:
                    h1[x] = pltpu.async_copy(sp_sl(j), bn[x], msa)
                else:
                    h1[x] = pltpu.async_copy(hbm_sl(memf, j), bn[x], msa)

            def fire2(j, x):
                if to_hbm:
                    h2[x] = pltpu.async_copy(bn[x], hbm_sl(outf, j), msb)
                else:
                    h2[x] = pltpu.async_copy(bn[x], sp_sl(j), msb)

            for j in range(NBCH):
                x = j & 1
                if h2[x] is not None:
                    h2[x].wait()
                fire1(j, x)
                y = x ^ 1
                if h1[y] is not None:
                    h1[y].wait()
                    fire2(j - 1, y)
            x = (NBCH - 1) & 1
            h1[x].wait()
            fire2(NBCH - 1, x)
            h2[x ^ 1].wait()
            h2[x].wait()

        def move_sync(j, to_hbm):
            start = wb + sid * TSL + j * BCH
            full = start + BCH <= NB
            part = jnp.logical_and(start < NB, jnp.logical_not(full))

            @pl.when(full)
            def _():
                if to_hbm:
                    pltpu.sync_copy(sp_sl(j), bnc0)
                    pltpu.sync_copy(bnc0, hbm_sl(outf, j))
                else:
                    pltpu.sync_copy(hbm_sl(memf, j), bnc0)
                    pltpu.sync_copy(bnc0, sp_sl(j))

            @pl.when(part)
            def _():
                if to_hbm:
                    pltpu.sync_copy(sp_sl(j, TAIL), bnc0.at[pl.ds(0, TAIL)])
                    pltpu.sync_copy(bnc0.at[pl.ds(0, TAIL)],
                                    hbm_sl(outf, j, TAIL))
                else:
                    pltpu.sync_copy(hbm_sl(memf, j, TAIL),
                                    bnc0.at[pl.ds(0, TAIL)])
                    pltpu.sync_copy(bnc0.at[pl.ds(0, TAIL)], sp_sl(j, TAIL))

        @pl.when(p < NPASS - 1)
        def _():
            move_async(False)

        @pl.when(p == NPASS - 1)
        def _():
            def load_j(j, _):
                move_sync(j, False)
                return 0

            lax.fori_loop(0, NBCH, load_j, 0)

        plsc.subcore_barrier()

        @pl.when(wb < NB)
        def _():
            base = sid * FPT
            bufs = (fv0, fv1)

            def flush():
                def cp(i, _):
                    o = i * 16
                    sbuf[pl.ds(o, 16)] = stg[pl.ds(o, 16)]
                    return 0

                lax.fori_loop(0, SBN // 16, cp, 0)
                pltpu.async_copy(onesv, hist.at[sbuf], ssem, add=True).wait()

            def scan_buf(buf, cnt):
                def vec(i, cnt):
                    for u8 in range(4):
                        o = (i * 4 + u8) * 16
                        v = buf[pl.ds(o, 16)]
                        rel = v - wb
                        ok = (rel >= 0) & (rel < W)
                        plsc.store_compressed(stg.at[pl.ds(cnt, 16)], rel,
                                              mask=ok)
                        cnt = cnt + plsc.all_reduce_population_count(ok)[0]
                    do_flush = cnt >= SBN

                    @pl.when(do_flush)
                    def _():
                        flush()
                        for k in range(4):
                            left = stg[pl.ds(SBN + k * 16, 16)]
                            plsc.store_scatter(
                                stg, [lane + k * 16], left,
                                mask=(lane + k * 16) < (cnt - SBN))

                    return jnp.where(do_flush, cnt - SBN, cnt)

                return lax.fori_loop(0, SCH // 64, vec, cnt)

            def dma_start(ci, buf):
                pltpu.async_copy(flats.at[pl.ds(base + ci * SCH, SCH)], buf,
                                 dsem)

            def dma_drain(ci, buf):
                pltpu.make_async_copy(flats.at[pl.ds(base + ci * SCH, SCH)],
                                      buf, dsem).wait()

            dma_start(0, fv0)
            dma_start(1, fv1)

            def super_chunk(g, cnt):
                for u in range(2):
                    buf = bufs[u]
                    ci = g * 2 + u
                    dma_drain(ci, buf)
                    cnt = scan_buf(buf, cnt)

                    @pl.when(g < (NSCH // 2) - 1)
                    def _():
                        dma_start(ci + 2, buf)

                return cnt

            cnt = lax.fori_loop(0, NSCH // 2, super_chunk, 0)
            dumpvec = W + lane
            nk = (SBN - cnt + 15) >> 4

            def padv(k, _):
                stg[pl.ds(cnt + k * 16, 16)] = dumpvec
                return 0

            lax.fori_loop(0, nk, padv, 0)
            flush()

        plsc.subcore_barrier()

        @pl.when(p < NPASS - 1)
        def _():
            move_async(True)

        @pl.when(p == NPASS - 1)
        def _():
            def store_j(j, _):
                move_sync(j, True)
                return 0

            lax.fori_loop(0, NBCH, store_j, 0)

        return 0

    lax.fori_loop(0, NPASS, do_pass, 0)


_k1 = pl.kernel(
    _k1_body,
    out_type=jax.ShapeDtypeStruct((NF,), jnp.int32),
    mesh=_mesh,
    compiler_params=_params,
    scratch_types=[
        pltpu.VMEM((NN,), jnp.int32),
        pltpu.VMEM((ACH,), jnp.float32),
        pltpu.VMEM((ACH,), jnp.float32),
        pltpu.VMEM((ACH,), jnp.float32),
        pltpu.VMEM((ECH,), jnp.int32),
        pltpu.VMEM((ECH,), jnp.int32),
        pltpu.VMEM((ECH,), jnp.int32),
        pltpu.VMEM((ECH,), jnp.int32),
    ],
)

_k2 = pl.kernel(
    _k2_body,
    out_type=jax.ShapeDtypeStruct((NB,), jnp.float32),
    mesh=_mesh,
    compiler_params=_params,
    scratch_types=[
        pltpu.VMEM((SCH,), jnp.int32),
        pltpu.VMEM((SCH,), jnp.int32),
        pltpu.VMEM((SBN,), jnp.float32),
        pltpu.VMEM((SBN + 80,), jnp.int32),
        pltpu.VMEM((SBN,), jnp.int32),
        pltpu.VMEM((BCH,), jnp.float32),
        pltpu.VMEM((BCH,), jnp.float32),
        pltpu.VMEM_SHARED((HSZ,), jnp.float32),
        pltpu.SemaphoreType.DMA,
        pltpu.SemaphoreType.DMA,
        pltpu.SemaphoreType.DMA,
        pltpu.SemaphoreType.DMA,
    ],
)


@jax.jit
def kernel(pts, tex, edges, mem):
    xs = pts[:, 0]
    ys = pts[:, 1]
    ea = edges[:, 0]
    eb = edges[:, 1]
    memf = mem.transpose(PERM).reshape(-1)
    flats = _k1(xs, ys, tex, ea, eb)
    outp = _k2(flats, memf)
    return outp.reshape(TSHAPE).transpose(PERM)

# --- scband reference (transcript-rebuilt; emitter-appended) ---
"""Pipeline reference for scband-deep-mem-abs-locs-40089224741406 (READ-ONLY COPY).

The authoritative reference and input builder live on the scoring server;
editing this copy changes nothing except your own understanding.
"""

import jax, jax.numpy as jnp
import numpy as np

N_NODES = 100000
N_EDGES = 1600000
MEM_SHAPE = (65, 65, 2, 65, 65, 2)


def setup_inputs(seed: int = 0) -> dict:
    key = jax.random.key(seed)
    k1, k2, k3 = jax.random.split(key, 3)
    # point locations roughly centered like the original (locs in ~[-32, 32])
    pts = jax.random.uniform(k1, (N_NODES, 2), dtype=jnp.float32, minval=-32.0, maxval=32.0)
    # texture values in [0, 1]; thresholded to binary inside forward
    tex = jax.random.uniform(k2, (N_NODES,), dtype=jnp.float32)
    # FRNN edge list stand-in (the custom t.ops.my_ops.frnn_ts_kernel output)
    edges = jax.random.randint(k3, (N_EDGES, 2), 0, N_NODES, dtype=jnp.int32)
    # persistent associative memory buffer
    mem = jnp.zeros(MEM_SHAPE, dtype=jnp.float32)
    return {"pts": pts, "tex": tex, "edges": edges, "mem": mem}


def reference(pts, tex, edges, mem):
    # symmetrize edges: edges = cat([edges, flip(edges)])
    edges2 = jnp.concatenate([edges, jnp.stack([edges[:, 1], edges[:, 0]], axis=1)], axis=0)
    # l_tex = tex.round().long().clamp(0, 1)
    l_tex = jnp.clip(jnp.round(tex), 0.0, 1.0).astype(jnp.int32)
    tex_lf = jnp.take(l_tex, edges2[:, 0], axis=0)
    tex_rt = jnp.take(l_tex, edges2[:, 1], axis=0)
    locs = pts[:, :2]
    locs_lf = jnp.take(locs, edges2[:, 0], axis=0)
    locs_rt = jnp.take(locs, edges2[:, 1], axis=0)
    # rel_vec = cat([locs_lf, locs_rt], 1) + 32; round; clamp(0, 64)
    rel_vec = jnp.concatenate([locs_lf, locs_rt], axis=1) + 32.0
    rel_vec = jnp.clip(jnp.round(rel_vec), 0.0, 64.0).astype(jnp.int32)
    # mem.index_put_((i0, i1, tex_lf, i2, i3, tex_rt), ones, accumulate=True)
    new_mem = mem.at[rel_vec[:, 0], rel_vec[:, 1], tex_lf,
                     rel_vec[:, 2], rel_vec[:, 3], tex_rt].add(
        jnp.ones((rel_vec.shape[0],), dtype=jnp.float32))
    return new_mem

if __name__ == "__main__":
    import jax
    _d = setup_inputs()
    print(jax.jit(kernel)(*tuple(_d.values())))

</pallas_src>

<mosaic_0001>
#map = affine_map<(d0, d1) -> (0)>
module attributes {stable_mosaic.version = 14 : i64} {
  func.func @_k1_body(%arg0: i32, %arg1: i32, %arg2: memref<100000xf32, #tpu.memory_space<hbm>>, %arg3: memref<100000xf32, #tpu.memory_space<hbm>>, %arg4: memref<100000xf32, #tpu.memory_space<hbm>>, %arg5: memref<1600000xi32, #tpu.memory_space<hbm>>, %arg6: memref<1600000xi32, #tpu.memory_space<hbm>>, %arg7: memref<3276800xi32, #tpu.memory_space<hbm>>, %arg8: memref<100000xi32, #tpu.memory_space<vmem>>, %arg9: memref<2000xf32, #tpu.memory_space<vmem>>, %arg10: memref<2000xf32, #tpu.memory_space<vmem>>, %arg11: memref<2000xf32, #tpu.memory_space<vmem>>, %arg12: memref<2000xi32, #tpu.memory_space<vmem>>, %arg13: memref<2000xi32, #tpu.memory_space<vmem>>, %arg14: memref<2000xi32, #tpu.memory_space<vmem>>, %arg15: memref<2000xi32, #tpu.memory_space<vmem>>) attributes {dimension_semantics = [#tpu.dimension_semantics<core_parallel>, #tpu.dimension_semantics<subcore_parallel>], iteration_bounds = array<i64: 2, 16>, scalar_prefetch = 0 : i64, scratch_operands = 8 : i64, tpu.core_type = #tpu.core_type<sc_vector_subcore>, window_params = [{transform_indices = #map}, {transform_indices = #map}, {transform_indices = #map}, {transform_indices = #map}, {transform_indices = #map}, {transform_indices = #map}]} {
    %mul3A = arith.constant 2 : i32
    %mul3A_0 = arith.muli %arg1, %mul3A : i32
    %add3A = arith.addi %mul3A_0, %arg0 : i32
    %scan3A = arith.constant 0 : i32
    %scan3A_1 = arith.constant 0 : i32
    %scan3A_2 = arith.constant 50 : i32
    %scan3A_3 = arith.addi %scan3A_1, %scan3A_2 : i32
    %scan3A_4 = arith.constant 1 : i32
    %scan3A_5 = scf.for %scan3A_32 = %scan3A_1 to %scan3A_3 step %scan3A_4 iter_args(%scan3A_33 = %scan3A) -> (i32)  : i32 {
      %mul3A_34 = arith.constant 2000 : i32
      %mul3A_35 = arith.muli %scan3A_32, %mul3A_34 : i32
      "tpu.region"() ({
        %run_scoped3A = tpu.sem_alloc : memref<!tpu.dma_semaphore, #tpu.memory_space<semaphore_mem>>
        %dma_start3A = tpu.memref_slice %arg2[%mul3A_35] : memref<100000xf32, #tpu.memory_space<hbm>> -> memref<2000xf32, #tpu.memory_space<hbm>>
        %dma_start3A_44 = tpu.memref_slice %arg2[%mul3A_35] : memref<100000xf32, #tpu.memory_space<hbm>> -> memref<2000xf32, #tpu.memory_space<hbm>>
        tpu.enqueue_dma source(%dma_start3A_44 : memref<2000xf32, #tpu.memory_space<hbm>>) target(%arg9 : memref<2000xf32, #tpu.memory_space<vmem>>) target_semaphore(%run_scoped3A : memref<!tpu.dma_semaphore, #tpu.memory_space<semaphore_mem>>)
        %dma_wait3A = tpu.memref_slice %arg2[%mul3A_35] : memref<100000xf32, #tpu.memory_space<hbm>> -> memref<2000xf32, #tpu.memory_space<hbm>>
        %dma_wait3A_45 = tpu.memref_slice %arg2[%mul3A_35] : memref<100000xf32, #tpu.memory_space<hbm>> -> memref<2000xf32, #tpu.memory_space<hbm>>
        tpu.wait_dma2 semaphore(%run_scoped3A : memref<!tpu.dma_semaphore, #tpu.memory_space<semaphore_mem>>) src(%dma_wait3A_45 : memref<2000xf32, #tpu.memory_space<hbm>>) dst(%arg9 : memref<2000xf32, #tpu.memory_space<vmem>>)
        tpu.yield
      }) : () -> ()
      "tpu.region"() ({
        %run_scoped3A = tpu.sem_alloc : memref<!tpu.dma_semaphore, #tpu.memory_space<semaphore_mem>>
        %dma_start3A = tpu.memref_slice %arg3[%mul3A_35] : memref<100000xf32, #tpu.memory_space<hbm>> -> memref<2000xf32, #tpu.memory_space<hbm>>
        %dma_start3A_44 = tpu.memref_slice %arg3[%mul3A_35] : memref<100000xf32, #tpu.memory_space<hbm>> -> memref<2000xf32, #tpu.memory_space<hbm>>
        tpu.enqueue_dma source(%dma_start3A_44 : memref<2000xf32, #tpu.memory_space<hbm>>) target(%arg10 : memref<2000xf32, #tpu.memory_space<vmem>>) target_semaphore(%run_scoped3A : memref<!tpu.dma_semaphore, #tpu.memory_space<semaphore_mem>>)
        %dma_wait3A = tpu.memref_slice %arg3[%mul3A_35] : memref<100000xf32, #tpu.memory_space<hbm>> -> memref<2000xf32, #tpu.memory_space<hbm>>
        %dma_wait3A_45 = tpu.memref_slice %arg3[%mul3A_35] : memref<100000xf32, #tpu.memory_space<hbm>> -> memref<2000xf32, #tpu.memory_space<hbm>>
        tpu.wait_dma2 semaphore(%run_scoped3A : memref<!tpu.dma_semaphore, #tpu.memory_space<semaphore_mem>>) src(%dma_wait3A_45 : memref<2000xf32, #tpu.memory_space<hbm>>) dst(%arg10 : memref<2000xf32, #tpu.memory_space<vmem>>)
        tpu.yield
      }) : () -> ()
      "tpu.region"() ({
        %run_scoped3A = tpu.sem_alloc : memref<!tpu.dma_semaphore, #tpu.memory_space<semaphore_mem>>
        %dma_start3A = tpu.memref_slice %arg4[%mul3A_35] : memref<100000xf32, #tpu.memory_space<hbm>> -> memref<2000xf32, #tpu.memory_space<hbm>>
        %dma_start3A_44 = tpu.memref_slice %arg4[%mul3A_35] : memref<100000xf32, #tpu.memory_space<hbm>> -> memref<2000xf32, #tpu.memory_space<hbm>>
        tpu.enqueue_dma source(%dma_start3A_44 : memref<2000xf32, #tpu.memory_space<hbm>>) target(%arg11 : memref<2000xf32, #tpu.memory_space<vmem>>) target_semaphore(%run_scoped3A : memref<!tpu.dma_semaphore, #tpu.memory_space<semaphore_mem>>)
        %dma_wait3A = tpu.memref_slice %arg4[%mul3A_35] : memref<100000xf32, #tpu.memory_space<hbm>> -> memref<2000xf32, #tpu.memory_space<hbm>>
        %dma_wait3A_45 = tpu.memref_slice %arg4[%mul3A_35] : memref<100000xf32, #tpu.memory_space<hbm>> -> memref<2000xf32, #tpu.memory_space<hbm>>
        tpu.wait_dma2 semaphore(%run_scoped3A : memref<!tpu.dma_semaphore, #tpu.memory_space<semaphore_mem>>) src(%dma_wait3A_45 : memref<2000xf32, #tpu.memory_space<hbm>>) dst(%arg11 : memref<2000xf32, #tpu.memory_space<vmem>>)
        tpu.yield
      }) : () -> ()
      %scan3A_36 = arith.constant 0 : i32
      %scan3A_37 = arith.constant 0 : i32
      %scan3A_38 = arith.constant 125 : i32
      %scan3A_39 = arith.addi %scan3A_37, %scan3A_38 : i32
      %scan3A_40 = arith.constant 1 : i32
      %scan3A_41 = scf.for %scan3A_44 = %scan3A_37 to %scan3A_39 step %scan3A_40 iter_args(%scan3A_45 = %scan3A_36) -> (i32)  : i32 {
        %mul3A_46 = arith.constant 16 : i32
        %mul3A_47 = arith.muli %scan3A_44, %mul3A_46 : i32
        %get3A = arith.index_cast %mul3A_47 : i32 to index
        %get3A_48 = tpu.vector_load %arg9[%get3A] {strides = array<i32>} : memref<2000xf32, #tpu.memory_space<vmem>>, vector<16xf32>,
        %add3A_49 = arith.constant 3.200000e+01 : f32
        %add3A_50 = vector.broadcast %add3A_49 : f32 to vector<16xf32>
        %add3A_51 = arith.addf %get3A_48, %add3A_50 : vector<16xf32>
        %add3A_52 = arith.constant 5.000000e-01 : f32
        %add3A_53 = vector.broadcast %add3A_52 : f32 to vector<16xf32>
        %add3A_54 = arith.addf %add3A_51, %add3A_53 : vector<16xf32>
        %convert_element_type3A = arith.fptosi %add3A_54 : vector<16xf32> to vector<16xi32>
        %convert_element_type3A_55 = arith.sitofp %convert_element_type3A : vector<16xi32> to vector<16xf32>
        %sub3A = arith.subf %convert_element_type3A_55, %add3A_51 : vector<16xf32>
        %eq3A = arith.constant 5.000000e-01 : f32
        %eq3A_56 = vector.broadcast %eq3A : f32 to vector<16xf32>
        %eq3A_57 = arith.cmpf oeq, %sub3A, %eq3A_56 : vector<16xf32>
        %and3A = arith.constant 1 : i32
        %and3A_58 = vector.broadcast %and3A : i32 to vector<16xi32>
        %and3A_59 = arith.andi %convert_element_type3A, %and3A_58 : vector<16xi32>
        %eq3A_60 = arith.constant 1 : i32
        %eq3A_61 = vector.broadcast %eq3A_60 : i32 to vector<16xi32>
        %eq3A_62 = arith.cmpi eq, %and3A_59, %eq3A_61 : vector<16xi32>
        %and3A_63 = arith.andi %eq3A_57, %eq3A_62 : vector<16xi1>
        %jit3A = arith.constant 1 : i32
        %jit3A_64 = arith.constant 0 : i32
        %broadcast_in_dim3A_65 = vector.broadcast %jit3A : i32 to vector<16xi32>
        %broadcast_in_dim3A_66 = vector.broadcast %jit3A_64 : i32 to vector<16xi32>
        %select_n3A = arith.select %and3A_63, %broadcast_in_dim3A_65, %broadcast_in_dim3A_66 : vector<16xi1>, vector<16xi32>
        %sub3A_67 = arith.subi %convert_element_type3A, %select_n3A : vector<16xi32>
        %jit3A_68 = arith.constant 0 : i32
        %jit3A_69 = arith.constant 64 : i32
        %max3A = vector.broadcast %jit3A_68 : i32 to vector<16xi32>
        %max3A_70 = arith.maxsi %max3A, %sub3A_67 : vector<16xi32>
        %min3A = vector.broadcast %jit3A_69 : i32 to vector<16xi32>
        %min3A_71 = arith.minsi %min3A, %max3A_70 : vector<16xi32>
        %get3A_72 = arith.index_cast %mul3A_47 : i32 to index
        %get3A_73 = tpu.vector_load %arg10[%get3A_72] {strides = array<i32>} : memref<2000xf32, #tpu.memory_space<vmem>>, vector<16xf32>,
        %add3A_74 = arith.constant 3.200000e+01 : f32
        %add3A_75 = vector.broadcast %add3A_74 : f32 to vector<16xf32>
        %add3A_76 = arith.addf %get3A_73, %add3A_75 : vector<16xf32>
        %add3A_77 = arith.constant 5.000000e-01 : f32
        %add3A_78 = vector.broadcast %add3A_77 : f32 to vector<16xf32>
        %add3A_79 = arith.addf %add3A_76, %add3A_78 : vector<16xf32>
        %convert_element_type3A_80 = arith.fptosi %add3A_79 : vector<16xf32> to vector<16xi32>
        %convert_element_type3A_81 = arith.sitofp %convert_element_type3A_80 : vector<16xi32> to vector<16xf32>
        %sub3A_82 = arith.subf %convert_element_type3A_81, %add3A_76 : vector<16xf32>
        %eq3A_83 = arith.constant 5.000000e-01 : f32
        %eq3A_84 = vector.broadcast %eq3A_83 : f32 to vector<16xf32>
        %eq3A_85 = arith.cmpf oeq, %sub3A_82, %eq3A_84 : vector<16xf32>
        %and3A_86 = arith.constant 1 : i32
        %and3A_87 = vector.broadcast %and3A_86 : i32 to vector<16xi32>
        %and3A_88 = arith.andi %convert_element_type3A_80, %and3A_87 : vector<16xi32>
        %eq3A_89 = arith.constant 1 : i32
        %eq3A_90 = vector.broadcast %eq3A_89 : i32 to vector<16xi32>
        %eq3A_91 = arith.cmpi eq, %and3A_88, %eq3A_90 : vector<16xi32>
        %and3A_92 = arith.andi %eq3A_85, %eq3A_91 : vector<16xi1>
        %jit3A_93 = arith.constant 1 : i32
        %jit3A_94 = arith.constant 0 : i32
        %broadcast_in_dim3A_95 = vector.broadcast %jit3A_93 : i32 to vector<16xi32>
        %broadcast_in_dim3A_96 = vector.broadcast %jit3A_94 : i32 to vector<16xi32>
        %select_n3A_97 = arith.select %and3A_92, %broadcast_in_dim3A_95, %broadcast_in_dim3A_96 : vector<16xi1>, vector<16xi32>
        %sub3A_98 = arith.subi %convert_element_type3A_80, %select_n3A_97 : vector<16xi32>
        %jit3A_99 = arith.constant 0 : i32
        %jit3A_100 = arith.constant 64 : i32
        %max3A_101 = vector.broadcast %jit3A_99 : i32 to vector<16xi32>
        %max3A_102 = arith.maxsi %max3A_101, %sub3A_98 : vector<16xi32>
        %min3A_103 = vector.broadcast %jit3A_100 : i32 to vector<16xi32>
        %min3A_104 = arith.minsi %min3A_103, %max3A_102 : vector<16xi32>
        %get3A_105 = arith.index_cast %mul3A_47 : i32 to index
        %get3A_106 = tpu.vector_load %arg11[%get3A_105] {strides = array<i32>} : memref<2000xf32, #tpu.memory_space<vmem>>, vector<16xf32>,
        %ge3A = arith.constant 5.000000e-01 : f32
        %ge3A_107 = vector.broadcast %ge3A : f32 to vector<16xf32>
        %ge3A_108 = arith.cmpf oge, %get3A_106, %ge3A_107 : vector<16xf32>
        %jit3A_109 = arith.constant 1 : i32
        %jit3A_110 = arith.constant 0 : i32
        %broadcast_in_dim3A_111 = vector.broadcast %jit3A_109 : i32 to vector<16xi32>
        %broadcast_in_dim3A_112 = vector.broadcast %jit3A_110 : i32 to vector<16xi32>
        %select_n3A_113 = arith.select %ge3A_108, %broadcast_in_dim3A_111, %broadcast_in_dim3A_112 : vector<16xi1>, vector<16xi32>
        %eq3A_114 = arith.constant 5.000000e-01 : f32
        %eq3A_115 = vector.broadcast %eq3A_114 : f32 to vector<16xf32>
        %eq3A_116 = arith.cmpf oeq, %get3A_106, %eq3A_115 : vector<16xf32>
        %jit3A_117 = arith.constant 0 : i32
        %broadcast_in_dim3A_118 = vector.broadcast %jit3A_117 : i32 to vector<16xi32>
        %select_n3A_119 = arith.select %eq3A_116, %broadcast_in_dim3A_118, %select_n3A_113 : vector<16xi1>, vector<16xi32>
        %mul3A_120 = arith.constant 65 : i32
        %mul3A_121 = vector.broadcast %mul3A_120 : i32 to vector<16xi32>
        %mul3A_122 = arith.muli %min3A_71, %mul3A_121 : vector<16xi32>
        %add3A_123 = arith.addi %mul3A_122, %min3A_104 : vector<16xi32>
        %mul3A_124 = arith.constant 2 : i32
        %mul3A_125 = vector.broadcast %mul3A_124 : i32 to vector<16xi32>
        %mul3A_126 = arith.muli %add3A_123, %mul3A_125 : vector<16xi32>
        %add3A_127 = arith.addi %mul3A_126, %select_n3A_119 : vector<16xi32>
        %mul3A_128 = arith.constant 2 : i32
        %mul3A_129 = vector.broadcast %mul3A_128 : i32 to vector<16xi32>
        %mul3A_130 = arith.muli %min3A_71, %mul3A_129 : vector<16xi32>
        %add3A_131 = arith.addi %mul3A_130, %select_n3A_119 : vector<16xi32>
        %mul3A_132 = arith.constant 65 : i32
        %mul3A_133 = vector.broadcast %mul3A_132 : i32 to vector<16xi32>
        %mul3A_134 = arith.muli %add3A_131, %mul3A_133 : vector<16xi32>
        %add3A_135 = arith.addi %mul3A_134, %min3A_104 : vector<16xi32>
        %mul3A_136 = arith.constant 16384 : i32
        %mul3A_137 = vector.broadcast %mul3A_136 : i32 to vector<16xi32>
        %mul3A_138 = arith.muli %add3A_127, %mul3A_137 : vector<16xi32>
        %add3A_139 = arith.addi %mul3A_138, %add3A_135 : vector<16xi32>
        %add3A_140 = arith.addi %mul3A_35, %mul3A_47 : i32
        %swap3A = arith.index_cast %add3A_140 : i32 to index
        %swap3A_141 = tpu.vector_load %arg8[%swap3A] {strides = array<i32>} : memref<100000xi32, #tpu.memory_space<vmem>>, vector<16xi32>,
        tpu.vector_store %arg8[%swap3A], %add3A_139 {strides = array<i32>} : memref<100000xi32, #tpu.memory_space<vmem>>, vector<16xi32>,
        %scan3A_142 = arith.constant 0 : i32
        scf.yield %scan3A_142 : i32
      }
      %scan3A_42 = arith.constant 125 : i32
      %scan3A_43 = arith.constant 0 : i32
      scf.yield %scan3A_43 : i32
    }
    %scan3A_6 = arith.constant 50 : i32
    %mul3A_7 = arith.constant 50000 : i32
    %mul3A_8 = arith.muli %add3A, %mul3A_7 : i32
    %mul3A_9 = arith.constant 102400 : i32
    %mul3A_10 = arith.muli %add3A, %mul3A_9 : i32
    %scan3A_11 = arith.constant 0 : i32
    %scan3A_12 = arith.constant 0 : i32
    %scan3A_13 = arith.constant 25 : i32
    %scan3A_14 = arith.addi %scan3A_12, %scan3A_13 : i32
    %scan3A_15 = arith.constant 1 : i32
    %scan3A_16 = scf.for %scan3A_32 = %scan3A_12 to %scan3A_14 step %scan3A_15 iter_args(%scan3A_33 = %scan3A_11) -> (i32)  : i32 {
      %mul3A_34 = arith.constant 2000 : i32
      %mul3A_35 = arith.muli %scan3A_32, %mul3A_34 : i32
      %add3A_36 = arith.addi %mul3A_8, %mul3A_35 : i32
      "tpu.region"() ({
        %run_scoped3A = tpu.sem_alloc : memref<!tpu.dma_semaphore, #tpu.memory_space<semaphore_mem>>
        %dma_start3A = tpu.memref_slice %arg5[%add3A_36] : memref<1600000xi32, #tpu.memory_space<hbm>> -> memref<2000xi32, #tpu.memory_space<hbm>>
        %dma_start3A_50 = tpu.memref_slice %arg5[%add3A_36] : memref<1600000xi32, #tpu.memory_space<hbm>> -> memref<2000xi32, #tpu.memory_space<hbm>>
        tpu.enqueue_dma source(%dma_start3A_50 : memref<2000xi32, #tpu.memory_space<hbm>>) target(%arg12 : memref<2000xi32, #tpu.memory_space<vmem>>) target_semaphore(%run_scoped3A : memref<!tpu.dma_semaphore, #tpu.memory_space<semaphore_mem>>)
        %dma_wait3A = tpu.memref_slice %arg5[%add3A_36] : memref<1600000xi32, #tpu.memory_space<hbm>> -> memref<2000xi32, #tpu.memory_space<hbm>>
        %dma_wait3A_51 = tpu.memref_slice %arg5[%add3A_36] : memref<1600000xi32, #tpu.memory_space<hbm>> -> memref<2000xi32, #tpu.memory_space<hbm>>
        tpu.wait_dma2 semaphore(%run_scoped3A : memref<!tpu.dma_semaphore, #tpu.memory_space<semaphore_mem>>) src(%dma_wait3A_51 : memref<2000xi32, #tpu.memory_space<hbm>>) dst(%arg12 : memref<2000xi32, #tpu.memory_space<vmem>>)
        tpu.yield
      }) : () -> ()
      %add3A_37 = arith.addi %mul3A_8, %mul3A_35 : i32
      "tpu.region"() ({
        %run_scoped3A = tpu.sem_alloc : memref<!tpu.dma_semaphore, #tpu.memory_space<semaphore_mem>>
        %dma_start3A = tpu.memref_slice %arg6[%add3A_37] : memref<1600000xi32, #tpu.memory_space<hbm>> -> memref<2000xi32, #tpu.memory_space<hbm>>
        %dma_start3A_50 = tpu.memref_slice %arg6[%add3A_37] : memref<1600000xi32, #tpu.memory_space<hbm>> -> memref<2000xi32, #tpu.memory_space<hbm>>
        tpu.enqueue_dma source(%dma_start3A_50 : memref<2000xi32, #tpu.memory_space<hbm>>) target(%arg13 : memref<2000xi32, #tpu.memory_space<vmem>>) target_semaphore(%run_scoped3A : memref<!tpu.dma_semaphore, #tpu.memory_space<semaphore_mem>>)
        %dma_wait3A = tpu.memref_slice %arg6[%add3A_37] : memref<1600000xi32, #tpu.memory_space<hbm>> -> memref<2000xi32, #tpu.memory_space<hbm>>
        %dma_wait3A_51 = tpu.memref_slice %arg6[%add3A_37] : memref<1600000xi32, #tpu.memory_space<hbm>> -> memref<2000xi32, #tpu.memory_space<hbm>>
        tpu.wait_dma2 semaphore(%run_scoped3A : memref<!tpu.dma_semaphore, #tpu.memory_space<semaphore_mem>>) src(%dma_wait3A_51 : memref<2000xi32, #tpu.memory_space<hbm>>) dst(%arg13 : memref<2000xi32, #tpu.memory_space<vmem>>)
        tpu.yield
      }) : () -> ()
      %scan3A_38 = arith.constant 0 : i32
      %scan3A_39 = arith.constant 0 : i32
      %scan3A_40 = arith.constant 125 : i32
      %scan3A_41 = arith.addi %scan3A_39, %scan3A_40 : i32
      %scan3A_42 = arith.constant 1 : i32
      %scan3A_43 = scf.for %scan3A_50 = %scan3A_39 to %scan3A_41 step %scan3A_42 iter_args(%scan3A_51 = %scan3A_38) -> (i32)  : i32 {
        %mul3A_52 = arith.constant 16 : i32
        %mul3A_53 = arith.muli %scan3A_50, %mul3A_52 : i32
        %get3A = arith.index_cast %mul3A_53 : i32 to index
        %get3A_54 = tpu.vector_load %arg12[%get3A] {strides = array<i32>} : memref<2000xi32, #tpu.memory_space<vmem>>, vector<16xi32>,
        %gather3A = tpu.vector_load_idx %arg8[%get3A_54] : memref<100000xi32, #tpu.memory_space<vmem>>[vector<16xi32>], vector<16xi32>,
        %get3A_55 = arith.index_cast %mul3A_53 : i32 to index
        %get3A_56 = tpu.vector_load %arg13[%get3A_55] {strides = array<i32>} : memref<2000xi32, #tpu.memory_space<vmem>>, vector<16xi32>,
        %gather3A_57 = tpu.vector_load_idx %arg8[%get3A_56] : memref<100000xi32, #tpu.memory_space<vmem>>[vector<16xi32>], vector<16xi32>,
        %shift_right_arithmetic3A = arith.constant 14 : i32
        %shift_right_arithmetic3A_58 = vector.broadcast %shift_right_arithmetic3A : i32 to vector<16xi32>
        %shift_right_arithmetic3A_59 = arith.shrsi %gather3A, %shift_right_arithmetic3A_58 : vector<16xi32>
        %mul3A_60 = arith.constant 8450 : i32
        %mul3A_61 = vector.broadcast %mul3A_60 : i32 to vector<16xi32>
        %mul3A_62 = arith.muli %shift_right_arithmetic3A_59, %mul3A_61 : vector<16xi32>
        %and3A = arith.constant 16383 : i32
        %and3A_63 = vector.broadcast %and3A : i32 to vector<16xi32>
        %and3A_64 = arith.andi %gather3A_57, %and3A_63 : vector<16xi32>
        %add3A_65 = arith.addi %mul3A_62, %and3A_64 : vector<16xi32>
        %swap3A = arith.index_cast %mul3A_53 : i32 to index
        %swap3A_66 = tpu.vector_load %arg14[%swap3A] {strides = array<i32>} : memref<2000xi32, #tpu.memory_space<vmem>>, vector<16xi32>,
        tpu.vector_store %arg14[%swap3A], %add3A_65 {strides = array<i32>} : memref<2000xi32, #tpu.memory_space<vmem>>, vector<16xi32>,
        %shift_right_arithmetic3A_67 = arith.constant 14 : i32
        %shift_right_arithmetic3A_68 = vector.broadcast %shift_right_arithmetic3A_67 : i32 to vector<16xi32>
        %shift_right_arithmetic3A_69 = arith.shrsi %gather3A_57, %shift_right_arithmetic3A_68 : vector<16xi32>
        %mul3A_70 = arith.constant 8450 : i32
        %mul3A_71 = vector.broadcast %mul3A_70 : i32 to vector<16xi32>
        %mul3A_72 = arith.muli %shift_right_arithmetic3A_69, %mul3A_71 : vector<16xi32>
        %and3A_73 = arith.constant 16383 : i32
        %and3A_74 = vector.broadcast %and3A_73 : i32 to vector<16xi32>
        %and3A_75 = arith.andi %gather3A, %and3A_74 : vector<16xi32>
        %add3A_76 = arith.addi %mul3A_72, %and3A_75 : vector<16xi32>
        %swap3A_77 = arith.index_cast %mul3A_53 : i32 to index
        %swap3A_78 = tpu.vector_load %arg15[%swap3A_77] {strides = array<i32>} : memref<2000xi32, #tpu.memory_space<vmem>>, vector<16xi32>,
        tpu.vector_store %arg15[%swap3A_77], %add3A_76 {strides = array<i32>} : memref<2000xi32, #tpu.memory_space<vmem>>, vector<16xi32>,
        %scan3A_79 = arith.constant 0 : i32
        scf.yield %scan3A_79 : i32
      }
      %scan3A_44 = arith.constant 125 : i32
      %add3A_45 = arith.addi %mul3A_10, %mul3A_35 : i32
      "tpu.region"() ({
        %run_scoped3A = tpu.sem_alloc : memref<!tpu.dma_semaphore, #tpu.memory_space<semaphore_mem>>
        %dma_start3A = tpu.memref_slice %arg7[%add3A_45] : memref<3276800xi32, #tpu.memory_space<hbm>> -> memref<2000xi32, #tpu.memory_space<hbm>>
        %dma_start3A_50 = tpu.memref_slice %arg7[%add3A_45] : memref<3276800xi32, #tpu.memory_space<hbm>> -> memref<2000xi32, #tpu.memory_space<hbm>>
        tpu.enqueue_dma source(%arg14 : memref<2000xi32, #tpu.memory_space<vmem>>) target(%dma_start3A_50 : memref<2000xi32, #tpu.memory_space<hbm>>) target_semaphore(%run_scoped3A : memref<!tpu.dma_semaphore, #tpu.memory_space<semaphore_mem>>)
        %dma_wait3A = tpu.memref_slice %arg7[%add3A_45] : memref<3276800xi32, #tpu.memory_space<hbm>> -> memref<2000xi32, #tpu.memory_space<hbm>>
        %dma_wait3A_51 = tpu.memref_slice %arg7[%add3A_45] : memref<3276800xi32, #tpu.memory_space<hbm>> -> memref<2000xi32, #tpu.memory_space<hbm>>
        tpu.wait_dma2 semaphore(%run_scoped3A : memref<!tpu.dma_semaphore, #tpu.memory_space<semaphore_mem>>) src(%arg14 : memref<2000xi32, #tpu.memory_space<vmem>>) dst(%dma_wait3A_51 : memref<2000xi32, #tpu.memory_space<hbm>>)
        tpu.yield
      }) : () -> ()
      %add3A_46 = arith.constant 50000 : i32
      %add3A_47 = arith.addi %mul3A_10, %add3A_46 : i32
      %add3A_48 = arith.addi %add3A_47, %mul3A_35 : i32
      "tpu.region"() ({
        %run_scoped3A = tpu.sem_alloc : memref<!tpu.dma_semaphore, #tpu.memory_space<semaphore_mem>>
        %dma_start3A = tpu.memref_slice %arg7[%add3A_48] : memref<3276800xi32, #tpu.memory_space<hbm>> -> memref<2000xi32, #tpu.memory_space<hbm>>
        %dma_start3A_50 = tpu.memref_slice %arg7[%add3A_48] : memref<3276800xi32, #tpu.memory_space<hbm>> -> memref<2000xi32, #tpu.memory_space<hbm>>
        tpu.enqueue_dma source(%arg15 : memref<2000xi32, #tpu.memory_space<vmem>>) target(%dma_start3A_50 : memref<2000xi32, #tpu.memory_space<hbm>>) target_semaphore(%run_scoped3A : memref<!tpu.dma_semaphore, #tpu.memory_space<semaphore_mem>>)
        %dma_wait3A = tpu.memref_slice %arg7[%add3A_48] : memref<3276800xi32, #tpu.memory_space<hbm>> -> memref<2000xi32, #tpu.memory_space<hbm>>
        %dma_wait3A_51 = tpu.memref_slice %arg7[%add3A_48] : memref<3276800xi32, #tpu.memory_space<hbm>> -> memref<2000xi32, #tpu.memory_space<hbm>>
        tpu.wait_dma2 semaphore(%run_scoped3A : memref<!tpu.dma_semaphore, #tpu.memory_space<semaphore_mem>>) src(%arg15 : memref<2000xi32, #tpu.memory_space<vmem>>) dst(%dma_wait3A_51 : memref<2000xi32, #tpu.memory_space<hbm>>)
        tpu.yield
      }) : () -> ()
      %scan3A_49 = arith.constant 0 : i32
      scf.yield %scan3A_49 : i32
    }
    %scan3A_17 = arith.constant 25 : i32
    %broadcast_in_dim3A = arith.constant -1 : i32
    %broadcast_in_dim3A_18 = vector.broadcast %broadcast_in_dim3A : i32 to vector<16xi32>
    %scan3A_19 = arith.constant 0 : i32
    %scan3A_20 = arith.constant 0 : i32
    %scan3A_21 = arith.constant 125 : i32
    %scan3A_22 = arith.addi %scan3A_20, %scan3A_21 : i32
    %scan3A_23 = arith.constant 1 : i32
    %scan3A_24 = scf.for %scan3A_32 = %scan3A_20 to %scan3A_22 step %scan3A_23 iter_args(%scan3A_33 = %scan3A_19) -> (i32)  : i32 {
      %mul3A_34 = arith.constant 16 : i32
      %mul3A_35 = arith.muli %scan3A_32, %mul3A_34 : i32
      %swap3A = arith.index_cast %mul3A_35 : i32 to index
      %swap3A_36 = tpu.vector_load %arg14[%swap3A] {strides = array<i32>} : memref<2000xi32, #tpu.memory_space<vmem>>, vector<16xi32>,
      tpu.vector_store %arg14[%swap3A], %broadcast_in_dim3A_18 {strides = array<i32>} : memref<2000xi32, #tpu.memory_space<vmem>>, vector<16xi32>,
      %scan3A_37 = arith.constant 0 : i32
      scf.yield %scan3A_37 : i32
    }
    %scan3A_25 = arith.constant 125 : i32
    %add3A_26 = arith.constant 100000 : i32
    %add3A_27 = arith.addi %mul3A_10, %add3A_26 : i32
    "tpu.region"() ({
      %run_scoped3A = tpu.sem_alloc : memref<!tpu.dma_semaphore, #tpu.memory_space<semaphore_mem>>
      %dma_start3A = tpu.memref_slice %arg7[%add3A_27] : memref<3276800xi32, #tpu.memory_space<hbm>> -> memref<2000xi32, #tpu.memory_space<hbm>>
      %dma_start3A_32 = tpu.memref_slice %arg7[%add3A_27] : memref<3276800xi32, #tpu.memory_space<hbm>> -> memref<2000xi32, #tpu.memory_space<hbm>>
      tpu.enqueue_dma source(%arg14 : memref<2000xi32, #tpu.memory_space<vmem>>) target(%dma_start3A_32 : memref<2000xi32, #tpu.memory_space<hbm>>) target_semaphore(%run_scoped3A : memref<!tpu.dma_semaphore, #tpu.memory_space<semaphore_mem>>)
      %dma_wait3A = tpu.memref_slice %arg7[%add3A_27] : memref<3276800xi32, #tpu.memory_space<hbm>> -> memref<2000xi32, #tpu.memory_space<hbm>>
      %dma_wait3A_33 = tpu.memref_slice %arg7[%add3A_27] : memref<3276800xi32, #tpu.memory_space<hbm>> -> memref<2000xi32, #tpu.memory_space<hbm>>
      tpu.wait_dma2 semaphore(%run_scoped3A : memref<!tpu.dma_semaphore, #tpu.memory_space<semaphore_mem>>) src(%arg14 : memref<2000xi32, #tpu.memory_space<vmem>>) dst(%dma_wait3A_33 : memref<2000xi32, #tpu.memory_space<hbm>>)
      tpu.yield
    }) : () -> ()
    %add3A_28 = arith.constant 100000 : i32
    %add3A_29 = arith.addi %mul3A_10, %add3A_28 : i32
    %add3A_30 = arith.constant 2000 : i32
    %add3A_31 = arith.addi %add3A_29, %add3A_30 : i32
    "tpu.region"() ({
      %run_scoped3A = tpu.sem_alloc : memref<!tpu.dma_semaphore, #tpu.memory_space<semaphore_mem>>
      %dma_start3A = arith.constant 0 : i32
      %dma_start3A_32 = tpu.memref_slice %arg14[%dma_start3A] : memref<2000xi32, #tpu.memory_space<vmem>> -> memref<400xi32, #tpu.memory_space<vmem>>
      %dma_start3A_33 = tpu.memref_slice %arg7[%add3A_31] : memref<3276800xi32, #tpu.memory_space<hbm>> -> memref<400xi32, #tpu.memory_space<hbm>>
      %dma_start3A_34 = tpu.memref_slice %arg7[%add3A_31] : memref<3276800xi32, #tpu.memory_space<hbm>> -> memref<400xi32, #tpu.memory_space<hbm>>
      %dma_start3A_35 = arith.constant 0 : i32
      %dma_start3A_36 = tpu.memref_slice %arg14[%dma_start3A_35] : memref<2000xi32, #tpu.memory_space<vmem>> -> memref<400xi32, #tpu.memory_space<vmem>>
      tpu.enqueue_dma source(%dma_start3A_36 : memref<400xi32, #tpu.memory_space<vmem>>) target(%dma_start3A_34 : memref<400xi32, #tpu.memory_space<hbm>>) target_semaphore(%run_scoped3A : memref<!tpu.dma_semaphore, #tpu.memory_space<semaphore_mem>>)
      %dma_wait3A = arith.constant 0 : i32
      %dma_wait3A_37 = tpu.memref_slice %arg14[%dma_wait3A] : memref<2000xi32, #tpu.memory_space<vmem>> -> memref<400xi32, #tpu.memory_space<vmem>>
      %dma_wait3A_38 = tpu.memref_slice %arg7[%add3A_31] : memref<3276800xi32, #tpu.memory_space<hbm>> -> memref<400xi32, #tpu.memory_space<hbm>>
      %dma_wait3A_39 = tpu.memref_slice %arg7[%add3A_31] : memref<3276800xi32, #tpu.memory_space<hbm>> -> memref<400xi32, #tpu.memory_space<hbm>>
      %dma_wait3A_40 = arith.constant 0 : i32
      %dma_wait3A_41 = tpu.memref_slice %arg14[%dma_wait3A_40] : memref<2000xi32, #tpu.memory_space<vmem>> -> memref<400xi32, #tpu.memory_space<vmem>>
      tpu.wait_dma2 semaphore(%run_scoped3A : memref<!tpu.dma_semaphore, #tpu.memory_space<semaphore_mem>>) src(%dma_wait3A_41 : memref<400xi32, #tpu.memory_space<vmem>>) dst(%dma_wait3A_39 : memref<400xi32, #tpu.memory_space<hbm>>)
      tpu.yield
    }) : () -> ()
    return
  }
}

#map = affine_map<(d0, d1) -> (0)>
module attributes {stable_mosaic.version = 14 : i64} {
  func.func @_k2_body(%arg0: i32, %arg1: i32, %arg2: memref<3276800xi32, #tpu.memory_space<hbm>>, %arg3: memref<71402500xf32, #tpu.memory_space<hbm>>, %arg4: memref<71402500xf32, #tpu.memory_space<hbm>>, %arg5: memref<2048xi32, #tpu.memory_space<vmem>>, %arg6: memref<2048xi32, #tpu.memory_space<vmem>>, %arg7: memref<2048xf32, #tpu.memory_space<vmem>>, %arg8: memref<2128xi32, #tpu.memory_space<vmem>>, %arg9: memref<2048xi32, #tpu.memory_space<vmem>>, %arg10: memref<6656xf32, #tpu.memory_space<vmem>>, %arg11: memref<6656xf32, #tpu.memory_space<vmem>>, %arg12: memref<1704000xf32, #tpu.memory_space<vmem_shared>>, %arg13: memref<!tpu.dma_semaphore, #tpu.memory_space<semaphore_mem>>, %arg14: memref<!tpu.dma_semaphore, #tpu.memory_space<semaphore_mem>>, %arg15: memref<!tpu.dma_semaphore, #tpu.memory_space<semaphore_mem>>, %arg16: memref<!tpu.dma_semaphore, #tpu.memory_space<semaphore_mem>>) attributes {dimension_semantics = [#tpu.dimension_semantics<core_parallel>, #tpu.dimension_semantics<subcore_parallel>], iteration_bounds = array<i64: 2, 16>, scalar_prefetch = 0 : i64, scratch_operands = 12 : i64, tpu.core_type = #tpu.core_type<sc_vector_subcore>, window_params = [{transform_indices = #map}, {transform_indices = #map}, {transform_indices = #map}]} {
    %iota3A = tpu.iota {dimensions = array<i32: 0>} : vector<16xi32>
    %scan3A = arith.constant 0 : i32
    %scan3A_0 = arith.constant 0 : i32
    %scan3A_1 = arith.constant 128 : i32
    %scan3A_2 = arith.addi %scan3A_0, %scan3A_1 : i32
    %scan3A_3 = arith.constant 1 : i32
    %scan3A_4 = scf.for %scan3A_13 = %scan3A_0 to %scan3A_2 step %scan3A_3 iter_args(%scan3A_14 = %scan3A) -> (i32)  : i32 {
      %broadcast_in_dim3A = arith.constant 1.000000e+00 : f32
      %broadcast_in_dim3A_15 = vector.broadcast %broadcast_in_dim3A : f32 to vector<16xf32>
      %mul3A = arith.constant 16 : i32
      %mul3A_16 = arith.muli %scan3A_13, %mul3A : i32
      %swap3A = arith.index_cast %mul3A_16 : i32 to index
      %swap3A_17 = tpu.vector_load %arg7[%swap3A] {strides = array<i32>} : memref<2048xf32, #tpu.memory_space<vmem>>, vector<16xf32>,
      tpu.vector_store %arg7[%swap3A], %broadcast_in_dim3A_15 {strides = array<i32>} : memref<2048xf32, #tpu.memory_space<vmem>>, vector<16xf32>,
      %scan3A_18 = arith.constant 0 : i32
      scf.yield %scan3A_18 : i32
    }
    %scan3A_5 = arith.constant 128 : i32
    %scan3A_6 = arith.constant 0 : i32
    %scan3A_7 = arith.constant 0 : i32
    %scan3A_8 = arith.constant 21 : i32
    %scan3A_9 = arith.addi %scan3A_7, %scan3A_8 : i32
    %scan3A_10 = arith.constant 1 : i32
    %scan3A_11 = scf.for %scan3A_13 = %scan3A_7 to %scan3A_9 step %scan3A_10 iter_args(%scan3A_14 = %scan3A_6) -> (i32)  : i32 {
      %mul3A = arith.constant 2 : i32
      %mul3A_15 = arith.muli %scan3A_13, %mul3A : i32
      %add3A = arith.addi %mul3A_15, %arg0 : i32
      %mul3A_16 = arith.constant 1703936 : i32
      %mul3A_17 = arith.muli %add3A, %mul3A_16 : i32
      %lt3A = arith.constant 20 : i32
      %lt3A_18 = arith.cmpi slt, %scan3A_13, %lt3A : i32
      %convert_element_type3A = arith.extui %lt3A_18 : i1 to i32
      %cond3A = arith.constant 0 : i32
      %cond3A_19 = arith.cmpi ne, %convert_element_type3A, %cond3A : i32
      scf.if %cond3A_19 {
        %mul3A_41 = arith.constant 106496 : i32
        %mul3A_42 = arith.muli %arg1, %mul3A_41 : i32
        %add3A_43 = arith.addi %mul3A_17, %mul3A_42 : i32
        %add3A_44 = arith.constant 0 : i32
        %add3A_45 = arith.addi %add3A_43, %add3A_44 : i32
        %dma_start3A = tpu.memref_slice %arg3[%add3A_45] : memref<71402500xf32, #tpu.memory_space<hbm>> -> memref<6656xf32, #tpu.memory_space<hbm>>
        %dma_start3A_46 = tpu.memref_slice %arg3[%add3A_45] : memref<71402500xf32, #tpu.memory_space<hbm>> -> memref<6656xf32, #tpu.memory_space<hbm>>
        tpu.enqueue_dma source(%dma_start3A_46 : memref<6656xf32, #tpu.memory_space<hbm>>) target(%arg10 : memref<6656xf32, #tpu.memory_space<vmem>>) target_semaphore(%arg15 : memref<!tpu.dma_semaphore, #tpu.memory_space<semaphore_mem>>)
        %mul3A_47 = arith.constant 106496 : i32
        %mul3A_48 = arith.muli %arg1, %mul3A_47 : i32
        %add3A_49 = arith.addi %mul3A_17, %mul3A_48 : i32
        %add3A_50 = arith.constant 6656 : i32
        %add3A_51 = arith.addi %add3A_49, %add3A_50 : i32
        %dma_start3A_52 = tpu.memref_slice %arg3[%add3A_51] : memref<71402500xf32, #tpu.memory_space<hbm>> -> memref<6656xf32, #tpu.memory_space<hbm>>
        %dma_start3A_53 = tpu.memref_slice %arg3[%add3A_51] : memref<71402500xf32, #tpu.memory_space<hbm>> -> memref<6656xf32, #tpu.memory_space<hbm>>
        tpu.enqueue_dma source(%dma_start3A_53 : memref<6656xf32, #tpu.memory_space<hbm>>) target(%arg11 : memref<6656xf32, #tpu.memory_space<vmem>>) target_semaphore(%arg15 : memref<!tpu.dma_semaphore, #tpu.memory_space<semaphore_mem>>)
        %dma_wait3A = tpu.memref_slice %arg3[%add3A_45] : memref<71402500xf32, #tpu.memory_space<hbm>> -> memref<6656xf32, #tpu.memory_space<hbm>>
        %dma_wait3A_54 = tpu.memref_slice %arg3[%add3A_45] : memref<71402500xf32, #tpu.memory_space<hbm>> -> memref<6656xf32, #tpu.memory_space<hbm>>
        tpu.wait_dma2 semaphore(%arg15 : memref<!tpu.dma_semaphore, #tpu.memory_space<semaphore_mem>>) src(%dma_wait3A_54 : memref<6656xf32, #tpu.memory_space<hbm>>) dst(%arg10 : memref<6656xf32, #tpu.memory_space<vmem>>)
        %mul3A_55 = arith.constant 106496 : i32
        %mul3A_56 = arith.muli %arg1, %mul3A_55 : i32
        %add3A_57 = arith.constant 0 : i32
        %add3A_58 = arith.addi %mul3A_56, %add3A_57 : i32
        %dma_start3A_59 = tpu.memref_slice %arg12[%add3A_58] : memref<1704000xf32, #tpu.memory_space<vmem_shared>> -> memref<6656xf32, #tpu.memory_space<vmem_shared>>
        %dma_start3A_60 = tpu.memref_slice %arg12[%add3A_58] : memref<1704000xf32, #tpu.memory_space<vmem_shared>> -> memref<6656xf32, #tpu.memory_space<vmem_shared>>
        tpu.enqueue_dma source(%arg10 : memref<6656xf32, #tpu.memory_space<vmem>>) target(%dma_start3A_60 : memref<6656xf32, #tpu.memory_space<vmem_shared>>) target_semaphore(%arg16 : memref<!tpu.dma_semaphore, #tpu.memory_space<semaphore_mem>>)
        %dma_wait3A_61 = tpu.memref_slice %arg12[%add3A_58] : memref<1704000xf32, #tpu.memory_space<vmem_shared>> -> memref<6656xf32, #tpu.memory_space<vmem_shared>>
        %dma_wait3A_62 = tpu.memref_slice %arg12[%add3A_58] : memref<1704000xf32, #tpu.memory_space<vmem_shared>> -> memref<6656xf32, #tpu.memory_space<vmem_shared>>
        tpu.wait_dma2 semaphore(%arg16 : memref<!tpu.dma_semaphore, #tpu.memory_space<semaphore_mem>>) src(%arg10 : memref<6656xf32, #tpu.memory_space<vmem>>) dst(%dma_wait3A_62 : memref<6656xf32, #tpu.memory_space<vmem_shared>>)
        %mul3A_63 = arith.constant 106496 : i32
        %mul3A_64 = arith.muli %arg1, %mul3A_63 : i32
        %add3A_65 = arith.addi %mul3A_17, %mul3A_64 : i32
        %add3A_66 = arith.constant 13312 : i32
        %add3A_67 = arith.addi %add3A_65, %add3A_66 : i32
        %dma_start3A_68 = tpu.memref_slice %arg3[%add3A_67] : memref<71402500xf32, #tpu.memory_space<hbm>> -> memref<6656xf32, #tpu.memory_space<hbm>>
        %dma_start3A_69 = tpu.memref_slice %arg3[%add3A_67] : memref<71402500xf32, #tpu.memory_space<hbm>> -> memref<6656xf32, #tpu.memory_space<hbm>>
        tpu.enqueue_dma source(%dma_start3A_69 : memref<6656xf32, #tpu.memory_space<hbm>>) target(%arg10 : memref<6656xf32, #tpu.memory_space<vmem>>) target_semaphore(%arg15 : memref<!tpu.dma_semaphore, #tpu.memory_space<semaphore_mem>>)
        %dma_wait3A_70 = tpu.memref_slice %arg3[%add3A_51] : memref<71402500xf32, #tpu.memory_space<hbm>> -> memref<6656xf32, #tpu.memory_space<hbm>>
        %dma_wait3A_71 = tpu.memref_slice %arg3[%add3A_51] : memref<71402500xf32, #tpu.memory_space<hbm>> -> memref<6656xf32, #tpu.memory_space<hbm>>
        tpu.wait_dma2 semaphore(%arg15 : memref<!tpu.dma_semaphore, #tpu.memory_space<semaphore_mem>>) src(%dma_wait3A_71 : memref<6656xf32, #tpu.memory_space<hbm>>) dst(%arg11 : memref<6656xf32, #tpu.memory_space<vmem>>)
        %mul3A_72 = arith.constant 106496 : i32
        %mul3A_73 = arith.muli %arg1, %mul3A_72 : i32
        %add3A_74 = arith.constant 6656 : i32
        %add3A_75 = arith.addi %mul3A_73, %add3A_74 : i32
        %dma_start3A_76 = tpu.memref_slice %arg12[%add3A_75] : memref<1704000xf32, #tpu.memory_space<vmem_shared>> -> memref<6656xf32, #tpu.memory_space<vmem_shared>>
        %dma_start3A_77 = tpu.memref_slice %arg12[%add3A_75] : memref<1704000xf32, #tpu.memory_space<vmem_shared>> -> memref<6656xf32, #tpu.memory_space<vmem_shared>>
        tpu.enqueue_dma source(%arg11 : memref<6656xf32, #tpu.memory_space<vmem>>) target(%dma_start3A_77 : memref<6656xf32, #tpu.memory_space<vmem_shared>>) target_semaphore(%arg16 : memref<!tpu.dma_semaphore, #tpu.memory_space<semaphore_mem>>)
        %dma_wait3A_78 = tpu.memref_slice %arg12[%add3A_75] : memref<1704000xf32, #tpu.memory_space<vmem_shared>> -> memref<6656xf32, #tpu.memory_space<vmem_shared>>
        %dma_wait3A_79 = tpu.memref_slice %arg12[%add3A_75] : memref<1704000xf32, #tpu.memory_space<vmem_shared>> -> memref<6656xf32, #tpu.memory_space<vmem_shared>>
        tpu.wait_dma2 semaphore(%arg16 : memref<!tpu.dma_semaphore, #tpu.memory_space<semaphore_mem>>) src(%arg11 : memref<6656xf32, #tpu.memory_space<vmem>>) dst(%dma_wait3A_79 : memref<6656xf32, #tpu.memory_space<vmem_shared>>)
        %mul3A_80 = arith.constant 106496 : i32
        %mul3A_81 = arith.muli %arg1, %mul3A_80 : i32
        %add3A_82 = arith.addi %mul3A_17, %mul3A_81 : i32
        %add3A_83 = arith.constant 19968 : i32
        %add3A_84 = arith.addi %add3A_82, %add3A_83 : i32
        %dma_start3A_85 = tpu.memref_slice %arg3[%add3A_84] : memref<71402500xf32, #tpu.memory_space<hbm>> -> memref<6656xf32, #tpu.memory_space<hbm>>
        %dma_start3A_86 = tpu.memref_slice %arg3[%add3A_84] : memref<71402500xf32, #tpu.memory_space<hbm>> -> memref<6656xf32, #tpu.memory_space<hbm>>
        tpu.enqueue_dma source(%dma_start3A_86 : memref<6656xf32, #tpu.memory_space<hbm>>) target(%arg11 : memref<6656xf32, #tpu.memory_space<vmem>>) target_semaphore(%arg15 : memref<!tpu.dma_semaphore, #tpu.memory_space<semaphore_mem>>)
        %dma_wait3A_87 = tpu.memref_slice %arg3[%add3A_67] : memref<71402500xf32, #tpu.memory_space<hbm>> -> memref<6656xf32, #tpu.memory_space<hbm>>
        %dma_wait3A_88 = tpu.memref_slice %arg3[%add3A_67] : memref<71402500xf32, #tpu.memory_space<hbm>> -> memref<6656xf32, #tpu.memory_space<hbm>>
        tpu.wait_dma2 semaphore(%arg15 : memref<!tpu.dma_semaphore, #tpu.memory_space<semaphore_mem>>) src(%dma_wait3A_88 : memref<6656xf32, #tpu.memory_space<hbm>>) dst(%arg10 : memref<6656xf32, #tpu.memory_space<vmem>>)
        %mul3A_89 = arith.constant 106496 : i32
        %mul3A_90 = arith.muli %arg1, %mul3A_89 : i32
        %add3A_91 = arith.constant 13312 : i32
        %add3A_92 = arith.addi %mul3A_90, %add3A_91 : i32
        %dma_start3A_93 = tpu.memref_slice %arg12[%add3A_92] : memref<1704000xf32, #tpu.memory_space<vmem_shared>> -> memref<6656xf32, #tpu.memory_space<vmem_shared>>
        %dma_start3A_94 = tpu.memref_slice %arg12[%add3A_92] : memref<1704000xf32, #tpu.memory_space<vmem_shared>> -> memref<6656xf32, #tpu.memory_space<vmem_shared>>
        tpu.enqueue_dma source(%arg10 : memref<6656xf32, #tpu.memory_space<vmem>>) target(%dma_start3A_94 : memref<6656xf32, #tpu.memory_space<vmem_shared>>) target_semaphore(%arg16 : memref<!tpu.dma_semaphore, #tpu.memory_space<semaphore_mem>>)
        %dma_wait3A_95 = tpu.memref_slice %arg12[%add3A_92] : memref<1704000xf32, #tpu.memory_space<vmem_shared>> -> memref<6656xf32, #tpu.memory_space<vmem_shared>>
        %dma_wait3A_96 = tpu.memref_slice %arg12[%add3A_92] : memref<1704000xf32, #tpu.memory_space<vmem_shared>> -> memref<6656xf32, #tpu.memory_space<vmem_shared>>
        tpu.wait_dma2 semaphore(%arg16 : memref<!tpu.dma_semaphore, #tpu.memory_space<semaphore_mem>>) src(%arg10 : memref<6656xf32, #tpu.memory_space<vmem>>) dst(%dma_wait3A_96 : memref<6656xf32, #tpu.memory_space<vmem_shared>>)
        %mul3A_97 = arith.constant 106496 : i32
        %mul3A_98 = arith.muli %arg1, %mul3A_97 : i32
        %add3A_99 = arith.addi %mul3A_17, %mul3A_98 : i32
        %add3A_100 = arith.constant 26624 : i32
        %add3A_101 = arith.addi %add3A_99, %add3A_100 : i32
        %dma_start3A_102 = tpu.memref_slice %arg3[%add3A_101] : memref<71402500xf32, #tpu.memory_space<hbm>> -> memref<6656xf32, #tpu.memory_space<hbm>>
        %dma_start3A_103 = tpu.memref_slice %arg3[%add3A_101] : memref<71402500xf32, #tpu.memory_space<hbm>> -> memref<6656xf32, #tpu.memory_space<hbm>>
        tpu.enqueue_dma source(%dma_start3A_103 : memref<6656xf32, #tpu.memory_space<hbm>>) target(%arg10 : memref<6656xf32, #tpu.memory_space<vmem>>) target_semaphore(%arg15 : memref<!tpu.dma_semaphore, #tpu.memory_space<semaphore_mem>>)
        %dma_wait3A_104 = tpu.memref_slice %arg3[%add3A_84] : memref<71402500xf32, #tpu.memory_space<hbm>> -> memref<6656xf32, #tpu.memory_space<hbm>>
        %dma_wait3A_105 = tpu.memref_slice %arg3[%add3A_84] : memref<71402500xf32, #tpu.memory_space<hbm>> -> memref<6656xf32, #tpu.memory_space<hbm>>
        tpu.wait_dma2 semaphore(%arg15 : memref<!tpu.dma_semaphore, #tpu.memory_space<semaphore_mem>>) src(%dma_wait3A_105 : memref<6656xf32, #tpu.memory_space<hbm>>) dst(%arg11 : memref<6656xf32, #tpu.memory_space<vmem>>)
        %mul3A_106 = arith.constant 106496 : i32
        %mul3A_107 = arith.muli %arg1, %mul3A_106 : i32
        %add3A_108 = arith.constant 19968 : i32
        %add3A_109 = arith.addi %mul3A_107, %add3A_108 : i32
        %dma_start3A_110 = tpu.memref_slice %arg12[%add3A_109] : memref<1704000xf32, #tpu.memory_space<vmem_shared>> -> memref<6656xf32, #tpu.memory_space<vmem_shared>>
        %dma_start3A_111 = tpu.memref_slice %arg12[%add3A_109] : memref<1704000xf32, #tpu.memory_space<vmem_shared>> -> memref<6656xf32, #tpu.memory_space<vmem_shared>>
        tpu.enqueue_dma source(%arg11 : memref<6656xf32, #tpu.memory_space<vmem>>) target(%dma_start3A_111 : memref<6656xf32, #tpu.memory_space<vmem_shared>>) target_semaphore(%arg16 : memref<!tpu.dma_semaphore, #tpu.memory_space<semaphore_mem>>)
        %dma_wait3A_112 = tpu.memref_slice %arg12[%add3A_109] : memref<1704000xf32, #tpu.memory_space<vmem_shared>> -> memref<6656xf32, #tpu.memory_space<vmem_shared>>
        %dma_wait3A_113 = tpu.memref_slice %arg12[%add3A_109] : memref<1704000xf32, #tpu.memory_space<vmem_shared>> -> memref<6656xf32, #tpu.memory_space<vmem_shared>>
        tpu.wait_dma2 semaphore(%arg16 : memref<!tpu.dma_semaphore, #tpu.memory_space<semaphore_mem>>) src(%arg11 : memref<6656xf32, #tpu.memory_space<vmem>>) dst(%dma_wait3A_113 : memref<6656xf32, #tpu.memory_space<vmem_shared>>)
        %mul3A_114 = arith.constant 106496 : i32
        %mul3A_115 = arith.muli %arg1, %mul3A_114 : i32
        %add3A_116 = arith.addi %mul3A_17, %mul3A_115 : i32
        %add3A_117 = arith.constant 33280 : i32
        %add3A_118 = arith.addi %add3A_116, %add3A_117 : i32
        %dma_start3A_119 = tpu.memref_slice %arg3[%add3A_118] : memref<71402500xf32, #tpu.memory_space<hbm>> -> memref<6656xf32, #tpu.memory_space<hbm>>
        %dma_start3A_120 = tpu.memref_slice %arg3[%add3A_118] : memref<71402500xf32, #tpu.memory_space<hbm>> -> memref<6656xf32, #tpu.memory_space<hbm>>
        tpu.enqueue_dma source(%dma_start3A_120 : memref<6656xf32, #tpu.memory_space<hbm>>) target(%arg11 : memref<6656xf32, #tpu.memory_space<vmem>>) target_semaphore(%arg15 : memref<!tpu.dma_semaphore, #tpu.memory_space<semaphore_mem>>)
        %dma_wait3A_121 = tpu.memref_slice %arg3[%add3A_101] : memref<71402500xf32, #tpu.memory_space<hbm>> -> memref<6656xf32, #tpu.memory_space<hbm>>
        %dma_wait3A_122 = tpu.memref_slice %arg3[%add3A_101] : memref<71402500xf32, #tpu.memory_space<hbm>> -> memref<6656xf32, #tpu.memory_space<hbm>>
        tpu.wait_dma2 semaphore(%arg15 : memref<!tpu.dma_semaphore, #tpu.memory_space<semaphore_mem>>) src(%dma_wait3A_122 : memref<6656xf32, #tpu.memory_space<hbm>>) dst(%arg10 : memref<6656xf32, #tpu.memory_space<vmem>>)
        %mul3A_123 = arith.constant 106496 : i32
        %mul3A_124 = arith.muli %arg1, %mul3A_123 : i32
        %add3A_125 = arith.constant 26624 : i32
        %add3A_126 = arith.addi %mul3A_124, %add3A_125 : i32
        %dma_start3A_127 = tpu.memref_slice %arg12[%add3A_126] : memref<1704000xf32, #tpu.memory_space<vmem_shared>> -> memref<6656xf32, #tpu.memory_space<vmem_shared>>
        %dma_start3A_128 = tpu.memref_slice %arg12[%add3A_126] : memref<1704000xf32, #tpu.memory_space<vmem_shared>> -> memref<6656xf32, #tpu.memory_space<vmem_shared>>
        tpu.enqueue_dma source(%arg10 : memref<6656xf32, #tpu.memory_space<vmem>>) target(%dma_start3A_128 : memref<6656xf32, #tpu.memory_space<vmem_shared>>) target_semaphore(%arg16 : memref<!tpu.dma_semaphore, #tpu.memory_space<semaphore_mem>>)
        %dma_wait3A_129 = tpu.memref_slice %arg12[%add3A_126] : memref<1704000xf32, #tpu.memory_space<vmem_shared>> -> memref<6656xf32, #tpu.memory_space<vmem_shared>>
        %dma_wait3A_130 = tpu.memref_slice %arg12[%add3A_126] : memref<1704000xf32, #tpu.memory_space<vmem_shared>> -> memref<6656xf32, #tpu.memory_space<vmem_shared>>
        tpu.wait_dma2 semaphore(%arg16 : memref<!tpu.dma_semaphore, #tpu.memory_space<semaphore_mem>>) src(%arg10 : memref<6656xf32, #tpu.memory_space<vmem>>) dst(%dma_wait3A_130 : memref<6656xf32, #tpu.memory_space<vmem_shared>>)
        %mul3A_131 = arith.constant 106496 : i32
        %mul3A_132 = arith.muli %arg1, %mul3A_131 : i32
        %add3A_133 = arith.addi %mul3A_17, %mul3A_132 : i32
        %add3A_134 = arith.constant 39936 : i32
        %add3A_135 = arith.addi %add3A_133, %add3A_134 : i32
        %dma_start3A_136 = tpu.memref_slice %arg3[%add3A_135] : memref<71402500xf32, #tpu.memory_space<hbm>> -> memref<6656xf32, #tpu.memory_space<hbm>>
        %dma_start3A_137 = tpu.memref_slice %arg3[%add3A_135] : memref<71402500xf32, #tpu.memory_space<hbm>> -> memref<6656xf32, #tpu.memory_space<hbm>>
        tpu.enqueue_dma source(%dma_start3A_137 : memref<6656xf32, #tpu.memory_space<hbm>>) target(%arg10 : memref<6656xf32, #tpu.memory_space<vmem>>) target_semaphore(%arg15 : memref<!tpu.dma_semaphore, #tpu.memory_space<semaphore_mem>>)
        %dma_wait3A_138 = tpu.memref_slice %arg3[%add3A_118] : memref<71402500xf32, #tpu.memory_space<hbm>> -> memref<6656xf32, #tpu.memory_space<hbm>>
        %dma_wait3A_139 = tpu.memref_slice %arg3[%add3A_118] : memref<71402500xf32, #tpu.memory_space<hbm>> -> memref<6656xf32, #tpu.memory_space<hbm>>
        tpu.wait_dma2 semaphore(%arg15 : memref<!tpu.dma_semaphore, #tpu.memory_space<semaphore_mem>>) src(%dma_wait3A_139 : memref<6656xf32, #tpu.memory_space<hbm>>) dst(%arg11 : memref<6656xf32, #tpu.memory_space<vmem>>)
        %mul3A_140 = arith.constant 106496 : i32
        %mul3A_141 = arith.muli %arg1, %mul3A_140 : i32
        %add3A_142 = arith.constant 33280 : i32
        %add3A_143 = arith.addi %mul3A_141, %add3A_142 : i32
        %dma_start3A_144 = tpu.memref_slice %arg12[%add3A_143] : memref<1704000xf32, #tpu.memory_space<vmem_shared>> -> memref<6656xf32, #tpu.memory_space<vmem_shared>>
        %dma_start3A_145 = tpu.memref_slice %arg12[%add3A_143] : memref<1704000xf32, #tpu.memory_space<vmem_shared>> -> memref<6656xf32, #tpu.memory_space<vmem_shared>>
        tpu.enqueue_dma source(%arg11 : memref<6656xf32, #tpu.memory_space<vmem>>) target(%dma_start3A_145 : memref<6656xf32, #tpu.memory_space<vmem_shared>>) target_semaphore(%arg16 : memref<!tpu.dma_semaphore, #tpu.memory_space<semaphore_mem>>)
        %dma_wait3A_146 = tpu.memref_slice %arg12[%add3A_143] : memref<1704000xf32, #tpu.memory_space<vmem_shared>> -> memref<6656xf32, #tpu.memory_space<vmem_shared>>
        %dma_wait3A_147 = tpu.memref_slice %arg12[%add3A_143] : memref<1704000xf32, #tpu.memory_space<vmem_shared>> -> memref<6656xf32, #tpu.memory_space<vmem_shared>>
        tpu.wait_dma2 semaphore(%arg16 : memref<!tpu.dma_semaphore, #tpu.memory_space<semaphore_mem>>) src(%arg11 : memref<6656xf32, #tpu.memory_space<vmem>>) dst(%dma_wait3A_147 : memref<6656xf32, #tpu.memory_space<vmem_shared>>)
        %mul3A_148 = arith.constant 106496 : i32
        %mul3A_149 = arith.muli %arg1, %mul3A_148 : i32
        %add3A_150 = arith.addi %mul3A_17, %mul3A_149 : i32
        %add3A_151 = arith.constant 46592 : i32
        %add3A_152 = arith.addi %add3A_150, %add3A_151 : i32
        %dma_start3A_153 = tpu.memref_slice %arg3[%add3A_152] : memref<71402500xf32, #tpu.memory_space<hbm>> -> memref<6656xf32, #tpu.memory_space<hbm>>
        %dma_start3A_154 = tpu.memref_slice %arg3[%add3A_152] : memref<71402500xf32, #tpu.memory_space<hbm>> -> memref<6656xf32, #tpu.memory_space<hbm>>
        tpu.enqueue_dma source(%dma_start3A_154 : memref<6656xf32, #tpu.memory_space<hbm>>) target(%arg11 : memref<6656xf32, #tpu.memory_space<vmem>>) target_semaphore(%arg15 : memref<!tpu.dma_semaphore, #tpu.memory_space<semaphore_mem>>)
        %dma_wait3A_155 = tpu.memref_slice %arg3[%add3A_135] : memref<71402500xf32, #tpu.memory_space<hbm>> -> memref<6656xf32, #tpu.memory_space<hbm>>
        %dma_wait3A_156 = tpu.memref_slice %arg3[%add3A_135] : memref<71402500xf32, #tpu.memory_space<hbm>> -> memref<6656xf32, #tpu.memory_space<hbm>>
        tpu.wait_dma2 semaphore(%arg15 : memref<!tpu.dma_semaphore, #tpu.memory_space<semaphore_mem>>) src(%dma_wait3A_156 : memref<6656xf32, #tpu.memory_space<hbm>>) dst(%arg10 : memref<6656xf32, #tpu.memory_space<vmem>>)
        %mul3A_157 = arith.constant 106496 : i32
        %mul3A_158 = arith.muli %arg1, %mul3A_157 : i32
        %add3A_159 = arith.constant 39936 : i32
        %add3A_160 = arith.addi %mul3A_158, %add3A_159 : i32
        %dma_start3A_161 = tpu.memref_slice %arg12[%add3A_160] : memref<1704000xf32, #tpu.memory_space<vmem_shared>> -> memref<6656xf32, #tpu.memory_space<vmem_shared>>
        %dma_start3A_162 = tpu.memref_slice %arg12[%add3A_160] : memref<1704000xf32, #tpu.memory_space<vmem_shared>> -> memref<6656xf32, #tpu.memory_space<vmem_shared>>
        tpu.enqueue_dma source(%arg10 : memref<6656xf32, #tpu.memory_space<vmem>>) target(%dma_start3A_162 : memref<6656xf32, #tpu.memory_space<vmem_shared>>) target_semaphore(%arg16 : memref<!tpu.dma_semaphore, #tpu.memory_space<semaphore_mem>>)
        %dma_wait3A_163 = tpu.memref_slice %arg12[%add3A_160] : memref<1704000xf32, #tpu.memory_space<vmem_shared>> -> memref<6656xf32, #tpu.memory_space<vmem_shared>>
        %dma_wait3A_164 = tpu.memref_slice %arg12[%add3A_160] : memref<1704000xf32, #tpu.memory_space<vmem_shared>> -> memref<6656xf32, #tpu.memory_space<vmem_shared>>
        tpu.wait_dma2 semaphore(%arg16 : memref<!tpu.dma_semaphore, #tpu.memory_space<semaphore_mem>>) src(%arg10 : memref<6656xf32, #tpu.memory_space<vmem>>) dst(%dma_wait3A_164 : memref<6656xf32, #tpu.memory_space<vmem_shared>>)
        %mul3A_165 = arith.constant 106496 : i32
        %mul3A_166 = arith.muli %arg1, %mul3A_165 : i32
        %add3A_167 = arith.addi %mul3A_17, %mul3A_166 : i32
        %add3A_168 = arith.constant 53248 : i32
        %add3A_169 = arith.addi %add3A_167, %add3A_168 : i32
        %dma_start3A_170 = tpu.memref_slice %arg3[%add3A_169] : memref<71402500xf32, #tpu.memory_space<hbm>> -> memref<6656xf32, #tpu.memory_space<hbm>>
        %dma_start3A_171 = tpu.memref_slice %arg3[%add3A_169] : memref<71402500xf32, #tpu.memory_space<hbm>> -> memref<6656xf32, #tpu.memory_space<hbm>>
        tpu.enqueue_dma source(%dma_start3A_171 : memref<6656xf32, #tpu.memory_space<hbm>>) target(%arg10 : memref<6656xf32, #tpu.memory_space<vmem>>) target_semaphore(%arg15 : memref<!tpu.dma_semaphore, #tpu.memory_space<semaphore_mem>>)
        %dma_wait3A_172 = tpu.memref_slice %arg3[%add3A_152] : memref<71402500xf32, #tpu.memory_space<hbm>> -> memref<6656xf32, #tpu.memory_space<hbm>>
        %dma_wait3A_173 = tpu.memref_slice %arg3[%add3A_152] : memref<71402500xf32, #tpu.memory_space<hbm>> -> memref<6656xf32, #tpu.memory_space<hbm>>
        tpu.wait_dma2 semaphore(%arg15 : memref<!tpu.dma_semaphore, #tpu.memory_space<semaphore_mem>>) src(%dma_wait3A_173 : memref<6656xf32, #tpu.memory_space<hbm>>) dst(%arg11 : memref<6656xf32, #tpu.memory_space<vmem>>)
        %mul3A_174 = arith.constant 106496 : i32
        %mul3A_175 = arith.muli %arg1, %mul3A_174 : i32
        %add3A_176 = arith.constant 46592 : i32
        %add3A_177 = arith.addi %mul3A_175, %add3A_176 : i32
        %dma_start3A_178 = tpu.memref_slice %arg12[%add3A_177] : memref<1704000xf32, #tpu.memory_space<vmem_shared>> -> memref<6656xf32, #tpu.memory_space<vmem_shared>>
        %dma_start3A_179 = tpu.memref_slice %arg12[%add3A_177] : memref<1704000xf32, #tpu.memory_space<vmem_shared>> -> memref<6656xf32, #tpu.memory_space<vmem_shared>>
        tpu.enqueue_dma source(%arg11 : memref<6656xf32, #tpu.memory_space<vmem>>) target(%dma_start3A_179 : memref<6656xf32, #tpu.memory_space<vmem_shared>>) target_semaphore(%arg16 : memref<!tpu.dma_semaphore, #tpu.memory_space<semaphore_mem>>)
        %dma_wait3A_180 = tpu.memref_slice %arg12[%add3A_177] : memref<1704000xf32, #tpu.memory_space<vmem_shared>> -> memref<6656xf32, #tpu.memory_space<vmem_shared>>
        %dma_wait3A_181 = tpu.memref_slice %arg12[%add3A_177] : memref<1704000xf32, #tpu.memory_space<vmem_shared>> -> memref<6656xf32, #tpu.memory_space<vmem_shared>>
        tpu.wait_dma2 semaphore(%arg16 : memref<!tpu.dma_semaphore, #tpu.memory_space<semaphore_mem>>) src(%arg11 : memref<6656xf32, #tpu.memory_space<vmem>>) dst(%dma_wait3A_181 : memref<6656xf32, #tpu.memory_space<vmem_shared>>)
        %mul3A_182 = arith.constant 106496 : i32
        %mul3A_183 = arith.muli %arg1, %mul3A_182 : i32
        %add3A_184 = arith.addi %mul3A_17, %mul3A_183 : i32
        %add3A_185 = arith.constant 59904 : i32
        %add3A_186 = arith.addi %add3A_184, %add3A_185 : i32
        %dma_start3A_187 = tpu.memref_slice %arg3[%add3A_186] : memref<71402500xf32, #tpu.memory_space<hbm>> -> memref<6656xf32, #tpu.memory_space<hbm>>
        %dma_start3A_188 = tpu.memref_slice %arg3[%add3A_186] : memref<71402500xf32, #tpu.memory_space<hbm>> -> memref<6656xf32, #tpu.memory_space<hbm>>
        tpu.enqueue_dma source(%dma_start3A_188 : memref<6656xf32, #tpu.memory_space<hbm>>) target(%arg11 : memref<6656xf32, #tpu.memory_space<vmem>>) target_semaphore(%arg15 : memref<!tpu.dma_semaphore, #tpu.memory_space<semaphore_mem>>)
        %dma_wait3A_189 = tpu.memref_slice %arg3[%add3A_169] : memref<71402500xf32, #tpu.memory_space<hbm>> -> memref<6656xf32, #tpu.memory_space<hbm>>
        %dma_wait3A_190 = tpu.memref_slice %arg3[%add3A_169] : memref<71402500xf32, #tpu.memory_space<hbm>> -> memref<6656xf32, #tpu.memory_space<hbm>>
        tpu.wait_dma2 semaphore(%arg15 : memref<!tpu.dma_semaphore, #tpu.memory_space<semaphore_mem>>) src(%dma_wait3A_190 : memref<6656xf32, #tpu.memory_space<hbm>>) dst(%arg10 : memref<6656xf32, #tpu.memory_space<vmem>>)
        %mul3A_191 = arith.constant 106496 : i32
        %mul3A_192 = arith.muli %arg1, %mul3A_191 : i32
        %add3A_193 = arith.constant 53248 : i32
        %add3A_194 = arith.addi %mul3A_192, %add3A_193 : i32
        %dma_start3A_195 = tpu.memref_slice %arg12[%add3A_194] : memref<1704000xf32, #tpu.memory_space<vmem_shared>> -> memref<6656xf32, #tpu.memory_space<vmem_shared>>
        %dma_start3A_196 = tpu.memref_slice %arg12[%add3A_194] : memref<1704000xf32, #tpu.memory_space<vmem_shared>> -> memref<6656xf32, #tpu.memory_space<vmem_shared>>
        tpu.enqueue_dma source(%arg10 : memref<6656xf32, #tpu.memory_space<vmem>>) target(%dma_start3A_196 : memref<6656xf32, #tpu.memory_space<vmem_shared>>) target_semaphore(%arg16 : memref<!tpu.dma_semaphore, #tpu.memory_space<semaphore_mem>>)
        %dma_wait3A_197 = tpu.memref_slice %arg12[%add3A_194] : memref<1704000xf32, #tpu.memory_space<vmem_shared>> -> memref<6656xf32, #tpu.memory_space<vmem_shared>>
        %dma_wait3A_198 = tpu.memref_slice %arg12[%add3A_194] : memref<1704000xf32, #tpu.memory_space<vmem_shared>> -> memref<6656xf32, #tpu.memory_space<vmem_shared>>
        tpu.wait_dma2 semaphore(%arg16 : memref<!tpu.dma_semaphore, #tpu.memory_space<semaphore_mem>>) src(%arg10 : memref<6656xf32, #tpu.memory_space<vmem>>) dst(%dma_wait3A_198 : memref<6656xf32, #tpu.memory_space<vmem_shared>>)
        %mul3A_199 = arith.constant 106496 : i32
        %mul3A_200 = arith.muli %arg1, %mul3A_199 : i32
        %add3A_201 = arith.addi %mul3A_17, %mul3A_200 : i32
        %add3A_202 = arith.constant 66560 : i32
        %add3A_203 = arith.addi %add3A_201, %add3A_202 : i32
        %dma_start3A_204 = tpu.memref_slice %arg3[%add3A_203] : memref<71402500xf32, #tpu.memory_space<hbm>> -> memref<6656xf32, #tpu.memory_space<hbm>>
        %dma_start3A_205 = tpu.memref_slice %arg3[%add3A_203] : memref<71402500xf32, #tpu.memory_space<hbm>> -> memref<6656xf32, #tpu.memory_space<hbm>>
        tpu.enqueue_dma source(%dma_start3A_205 : memref<6656xf32, #tpu.memory_space<hbm>>) target(%arg10 : memref<6656xf32, #tpu.memory_space<vmem>>) target_semaphore(%arg15 : memref<!tpu.dma_semaphore, #tpu.memory_space<semaphore_mem>>)
        %dma_wait3A_206 = tpu.memref_slice %arg3[%add3A_186] : memref<71402500xf32, #tpu.memory_space<hbm>> -> memref<6656xf32, #tpu.memory_space<hbm>>
        %dma_wait3A_207 = tpu.memref_slice %arg3[%add3A_186] : memref<71402500xf32, #tpu.memory_space<hbm>> -> memref<6656xf32, #tpu.memory_space<hbm>>
        tpu.wait_dma2 semaphore(%arg15 : memref<!tpu.dma_semaphore, #tpu.memory_space<semaphore_mem>>) src(%dma_wait3A_207 : memref<6656xf32, #tpu.memory_space<hbm>>) dst(%arg11 : memref<6656xf32, #tpu.memory_space<vmem>>)
        %mul3A_208 = arith.constant 106496 : i32
        %mul3A_209 = arith.muli %arg1, %mul3A_208 : i32
        %add3A_210 = arith.constant 59904 : i32
        %add3A_211 = arith.addi %mul3A_209, %add3A_210 : i32
        %dma_start3A_212 = tpu.memref_slice %arg12[%add3A_211] : memref<1704000xf32, #tpu.memory_space<vmem_shared>> -> memref<6656xf32, #tpu.memory_space<vmem_shared>>
        %dma_start3A_213 = tpu.memref_slice %arg12[%add3A_211] : memref<1704000xf32, #tpu.memory_space<vmem_shared>> -> memref<6656xf32, #tpu.memory_space<vmem_shared>>
        tpu.enqueue_dma source(%arg11 : memref<6656xf32, #tpu.memory_space<vmem>>) target(%dma_start3A_213 : memref<6656xf32, #tpu.memory_space<vmem_shared>>) target_semaphore(%arg16 : memref<!tpu.dma_semaphore, #tpu.memory_space<semaphore_mem>>)
        %dma_wait3A_214 = tpu.memref_slice %arg12[%add3A_211] : memref<1704000xf32, #tpu.memory_space<vmem_shared>> -> memref<6656xf32, #tpu.memory_space<vmem_shared>>
        %dma_wait3A_215 = tpu.memref_slice %arg12[%add3A_211] : memref<1704000xf32, #tpu.memory_space<vmem_shared>> -> memref<6656xf32, #tpu.memory_space<vmem_shared>>
        tpu.wait_dma2 semaphore(%arg16 : memref<!tpu.dma_semaphore, #tpu.memory_space<semaphore_mem>>) src(%arg11 : memref<6656xf32, #tpu.memory_space<vmem>>) dst(%dma_wait3A_215 : memref<6656xf32, #tpu.memory_space<vmem_shared>>)
        %mul3A_216 = arith.constant 106496 : i32
        %mul3A_217 = arith.muli %arg1, %mul3A_216 : i32
        %add3A_218 = arith.addi %mul3A_17, %mul3A_217 : i32
        %add3A_219 = arith.constant 73216 : i32
        %add3A_220 = arith.addi %add3A_218, %add3A_219 : i32
        %dma_start3A_221 = tpu.memref_slice %arg3[%add3A_220] : memref<71402500xf32, #tpu.memory_space<hbm>> -> memref<6656xf32, #tpu.memory_space<hbm>>
        %dma_start3A_222 = tpu.memref_slice %arg3[%add3A_220] : memref<71402500xf32, #tpu.memory_space<hbm>> -> memref<6656xf32, #tpu.memory_space<hbm>>
        tpu.enqueue_dma source(%dma_start3A_222 : memref<6656xf32, #tpu.memory_space<hbm>>) target(%arg11 : memref<6656xf32, #tpu.memory_space<vmem>>) target_semaphore(%arg15 : memref<!tpu.dma_semaphore, #tpu.memory_space<semaphore_mem>>)
        %dma_wait3A_223 = tpu.memref_slice %arg3[%add3A_203] : memref<71402500xf32, #tpu.memory_space<hbm>> -> memref<6656xf32, #tpu.memory_space<hbm>>
        %dma_wait3A_224 = tpu.memref_slice %arg3[%add3A_203] : memref<71402500xf32, #tpu.memory_space<hbm>> -> memref<6656xf32, #tpu.memory_space<hbm>>
        tpu.wait_dma2 semaphore(%arg15 : memref<!tpu.dma_semaphore, #tpu.memory_space<semaphore_mem>>) src(%dma_wait3A_224 : memref<6656xf32, #tpu.memory_space<hbm>>) dst(%arg10 : memref<6656xf32, #tpu.memory_space<vmem>>)
        %mul3A_225 = arith.constant 106496 : i32
        %mul3A_226 = arith.muli %arg1, %mul3A_225 : i32
        %add3A_227 = arith.constant 66560 : i32
        %add3A_228 = arith.addi %mul3A_226, %add3A_227 : i32
        %dma_start3A_229 = tpu.memref_slice %arg12[%add3A_228] : memref<1704000xf32, #tpu.memory_space<vmem_shared>> -> memref<6656xf32, #tpu.memory_space<vmem_shared>>
        %dma_start3A_230 = tpu.memref_slice %arg12[%add3A_228] : memref<1704000xf32, #tpu.memory_space<vmem_shared>> -> memref<6656xf32, #tpu.memory_space<vmem_shared>>
        tpu.enqueue_dma source(%arg10 : memref<6656xf32, #tpu.memory_space<vmem>>) target(%dma_start3A_230 : memref<6656xf32, #tpu.memory_space<vmem_shared>>) target_semaphore(%arg16 : memref<!tpu.dma_semaphore, #tpu.memory_space<semaphore_mem>>)
        %dma_wait3A_231 = tpu.memref_slice %arg12[%add3A_228] : memref<1704000xf32, #tpu.memory_space<vmem_shared>> -> memref<6656xf32, #tpu.memory_space<vmem_shared>>
        %dma_wait3A_232 = tpu.memref_slice %arg12[%add3A_228] : memref<1704000xf32, #tpu.memory_space<vmem_shared>> -> memref<6656xf32, #tpu.memory_space<vmem_shared>>
        tpu.wait_dma2 semaphore(%arg16 : memref<!tpu.dma_semaphore, #tpu.memory_space<semaphore_mem>>) src(%arg10 : memref<6656xf32, #tpu.memory_space<vmem>>) dst(%dma_wait3A_232 : memref<6656xf32, #tpu.memory_space<vmem_shared>>)
        %mul3A_233 = arith.constant 106496 : i32
        %mul3A_234 = arith.muli %arg1, %mul3A_233 : i32
        %add3A_235 = arith.addi %mul3A_17, %mul3A_234 : i32
        %add3A_236 = arith.constant 79872 : i32
        %add3A_237 = arith.addi %add3A_235, %add3A_236 : i32
        %dma_start3A_238 = tpu.memref_slice %arg3[%add3A_237] : memref<71402500xf32, #tpu.memory_space<hbm>> -> memref<6656xf32, #tpu.memory_space<hbm>>
        %dma_start3A_239 = tpu.memref_slice %arg3[%add3A_237] : memref<71402500xf32, #tpu.memory_space<hbm>> -> memref<6656xf32, #tpu.memory_space<hbm>>
        tpu.enqueue_dma source(%dma_start3A_239 : memref<6656xf32, #tpu.memory_space<hbm>>) target(%arg10 : memref<6656xf32, #tpu.memory_space<vmem>>) target_semaphore(%arg15 : memref<!tpu.dma_semaphore, #tpu.memory_space<semaphore_mem>>)
        %dma_wait3A_240 = tpu.memref_slice %arg3[%add3A_220] : memref<71402500xf32, #tpu.memory_space<hbm>> -> memref<6656xf32, #tpu.memory_space<hbm>>
        %dma_wait3A_241 = tpu.memref_slice %arg3[%add3A_220] : memref<71402500xf32, #tpu.memory_space<hbm>> -> memref<6656xf32, #tpu.memory_space<hbm>>
        tpu.wait_dma2 semaphore(%arg15 : memref<!tpu.dma_semaphore, #tpu.memory_space<semaphore_mem>>) src(%dma_wait3A_241 : memref<6656xf32, #tpu.memory_space<hbm>>) dst(%arg11 : memref<6656xf32, #tpu.memory_space<vmem>>)
        %mul3A_242 = arith.constant 106496 : i32
        %mul3A_243 = arith.muli %arg1, %mul3A_242 : i32
        %add3A_244 = arith.constant 73216 : i32
        %add3A_245 = arith.addi %mul3A_243, %add3A_244 : i32
        %dma_start3A_246 = tpu.memref_slice %arg12[%add3A_245] : memref<1704000xf32, #tpu.memory_space<vmem_shared>> -> memref<6656xf32, #tpu.memory_space<vmem_shared>>
        %dma_start3A_247 = tpu.memref_slice %arg12[%add3A_245] : memref<1704000xf32, #tpu.memory_space<vmem_shared>> -> memref<6656xf32, #tpu.memory_space<vmem_shared>>
        tpu.enqueue_dma source(%arg11 : memref<6656xf32, #tpu.memory_space<vmem>>) target(%dma_start3A_247 : memref<6656xf32, #tpu.memory_space<vmem_shared>>) target_semaphore(%arg16 : memref<!tpu.dma_semaphore, #tpu.memory_space<semaphore_mem>>)
        %dma_wait3A_248 = tpu.memref_slice %arg12[%add3A_245] : memref<1704000xf32, #tpu.memory_space<vmem_shared>> -> memref<6656xf32, #tpu.memory_space<vmem_shared>>
        %dma_wait3A_249 = tpu.memref_slice %arg12[%add3A_245] : memref<1704000xf32, #tpu.memory_space<vmem_shared>> -> memref<6656xf32, #tpu.memory_space<vmem_shared>>
        tpu.wait_dma2 semaphore(%arg16 : memref<!tpu.dma_semaphore, #tpu.memory_space<semaphore_mem>>) src(%arg11 : memref<6656xf32, #tpu.memory_space<vmem>>) dst(%dma_wait3A_249 : memref<6656xf32, #tpu.memory_space<vmem_shared>>)
        %mul3A_250 = arith.constant 106496 : i32
        %mul3A_251 = arith.muli %arg1, %mul3A_250 : i32
        %add3A_252 = arith.addi %mul3A_17, %mul3A_251 : i32
        %add3A_253 = arith.constant 86528 : i32
        %add3A_254 = arith.addi %add3A_252, %add3A_253 : i32
        %dma_start3A_255 = tpu.memref_slice %arg3[%add3A_254] : memref<71402500xf32, #tpu.memory_space<hbm>> -> memref<6656xf32, #tpu.memory_space<hbm>>
        %dma_start3A_256 = tpu.memref_slice %arg3[%add3A_254] : memref<71402500xf32, #tpu.memory_space<hbm>> -> memref<6656xf32, #tpu.memory_space<hbm>>
        tpu.enqueue_dma source(%dma_start3A_256 : memref<6656xf32, #tpu.memory_space<hbm>>) target(%arg11 : memref<6656xf32, #tpu.memory_space<vmem>>) target_semaphore(%arg15 : memref<!tpu.dma_semaphore, #tpu.memory_space<semaphore_mem>>)
        %dma_wait3A_257 = tpu.memref_slice %arg3[%add3A_237] : memref<71402500xf32, #tpu.memory_space<hbm>> -> memref<6656xf32, #tpu.memory_space<hbm>>
        %dma_wait3A_258 = tpu.memref_slice %arg3[%add3A_237] : memref<71402500xf32, #tpu.memory_space<hbm>> -> memref<6656xf32, #tpu.memory_space<hbm>>
        tpu.wait_dma2 semaphore(%arg15 : memref<!tpu.dma_semaphore, #tpu.memory_space<semaphore_mem>>) src(%dma_wait3A_258 : memref<6656xf32, #tpu.memory_space<hbm>>) dst(%arg10 : memref<6656xf32, #tpu.memory_space<vmem>>)
        %mul3A_259 = arith.constant 106496 : i32
        %mul3A_260 = arith.muli %arg1, %mul3A_259 : i32
        %add3A_261 = arith.constant 79872 : i32
        %add3A_262 = arith.addi %mul3A_260, %add3A_261 : i32
        %dma_start3A_263 = tpu.memref_slice %arg12[%add3A_262] : memref<1704000xf32, #tpu.memory_space<vmem_shared>> -> memref<6656xf32, #tpu.memory_space<vmem_shared>>
        %dma_start3A_264 = tpu.memref_slice %arg12[%add3A_262] : memref<1704000xf32, #tpu.memory_space<vmem_shared>> -> memref<6656xf32, #tpu.memory_space<vmem_shared>>
        tpu.enqueue_dma source(%arg10 : memref<6656xf32, #tpu.memory_space<vmem>>) target(%dma_start3A_264 : memref<6656xf32, #tpu.memory_space<vmem_shared>>) target_semaphore(%arg16 : memref<!tpu.dma_semaphore, #tpu.memory_space<semaphore_mem>>)
        %dma_wait3A_265 = tpu.memref_slice %arg12[%add3A_262] : memref<1704000xf32, #tpu.memory_space<vmem_shared>> -> memref<6656xf32, #tpu.memory_space<vmem_shared>>
        %dma_wait3A_266 = tpu.memref_slice %arg12[%add3A_262] : memref<1704000xf32, #tpu.memory_space<vmem_shared>> -> memref<6656xf32, #tpu.memory_space<vmem_shared>>
        tpu.wait_dma2 semaphore(%arg16 : memref<!tpu.dma_semaphore, #tpu.memory_space<semaphore_mem>>) src(%arg10 : memref<6656xf32, #tpu.memory_space<vmem>>) dst(%dma_wait3A_266 : memref<6656xf32, #tpu.memory_space<vmem_shared>>)
        %mul3A_267 = arith.constant 106496 : i32
        %mul3A_268 = arith.muli %arg1, %mul3A_267 : i32
        %add3A_269 = arith.addi %mul3A_17, %mul3A_268 : i32
        %add3A_270 = arith.constant 93184 : i32
        %add3A_271 = arith.addi %add3A_269, %add3A_270 : i32
        %dma_start3A_272 = tpu.memref_slice %arg3[%add3A_271] : memref<71402500xf32, #tpu.memory_space<hbm>> -> memref<6656xf32, #tpu.memory_space<hbm>>
        %dma_start3A_273 = tpu.memref_slice %arg3[%add3A_271] : memref<71402500xf32, #tpu.memory_space<hbm>> -> memref<6656xf32, #tpu.memory_space<hbm>>
        tpu.enqueue_dma source(%dma_start3A_273 : memref<6656xf32, #tpu.memory_space<hbm>>) target(%arg10 : memref<6656xf32, #tpu.memory_space<vmem>>) target_semaphore(%arg15 : memref<!tpu.dma_semaphore, #tpu.memory_space<semaphore_mem>>)
        %dma_wait3A_274 = tpu.memref_slice %arg3[%add3A_254] : memref<71402500xf32, #tpu.memory_space<hbm>> -> memref<6656xf32, #tpu.memory_space<hbm>>
        %dma_wait3A_275 = tpu.memref_slice %arg3[%add3A_254] : memref<71402500xf32, #tpu.memory_space<hbm>> -> memref<6656xf32, #tpu.memory_space<hbm>>
        tpu.wait_dma2 semaphore(%arg15 : memref<!tpu.dma_semaphore, #tpu.memory_space<semaphore_mem>>) src(%dma_wait3A_275 : memref<6656xf32, #tpu.memory_space<hbm>>) dst(%arg11 : memref<6656xf32, #tpu.memory_space<vmem>>)
        %mul3A_276 = arith.constant 106496 : i32
        %mul3A_277 = arith.muli %arg1, %mul3A_276 : i32
        %add3A_278 = arith.constant 86528 : i32
        %add3A_279 = arith.addi %mul3A_277, %add3A_278 : i32
        %dma_start3A_280 = tpu.memref_slice %arg12[%add3A_279] : memref<1704000xf32, #tpu.memory_space<vmem_shared>> -> memref<6656xf32, #tpu.memory_space<vmem_shared>>
        %dma_start3A_281 = tpu.memref_slice %arg12[%add3A_279] : memref<1704000xf32, #tpu.memory_space<vmem_shared>> -> memref<6656xf32, #tpu.memory_space<vmem_shared>>
        tpu.enqueue_dma source(%arg11 : memref<6656xf32, #tpu.memory_space<vmem>>) target(%dma_start3A_281 : memref<6656xf32, #tpu.memory_space<vmem_shared>>) target_semaphore(%arg16 : memref<!tpu.dma_semaphore, #tpu.memory_space<semaphore_mem>>)
        %dma_wait3A_282 = tpu.memref_slice %arg12[%add3A_279] : memref<1704000xf32, #tpu.memory_space<vmem_shared>> -> memref<6656xf32, #tpu.memory_space<vmem_shared>>
        %dma_wait3A_283 = tpu.memref_slice %arg12[%add3A_279] : memref<1704000xf32, #tpu.memory_space<vmem_shared>> -> memref<6656xf32, #tpu.memory_space<vmem_shared>>
        tpu.wait_dma2 semaphore(%arg16 : memref<!tpu.dma_semaphore, #tpu.memory_space<semaphore_mem>>) src(%arg11 : memref<6656xf32, #tpu.memory_space<vmem>>) dst(%dma_wait3A_283 : memref<6656xf32, #tpu.memory_space<vmem_shared>>)
        %mul3A_284 = arith.constant 106496 : i32
        %mul3A_285 = arith.muli %arg1, %mul3A_284 : i32
        %add3A_286 = arith.addi %mul3A_17, %mul3A_285 : i32
        %add3A_287 = arith.constant 99840 : i32
        %add3A_288 = arith.addi %add3A_286, %add3A_287 : i32
        %dma_start3A_289 = tpu.memref_slice %arg3[%add3A_288] : memref<71402500xf32, #tpu.memory_space<hbm>> -> memref<6656xf32, #tpu.memory_space<hbm>>
        %dma_start3A_290 = tpu.memref_slice %arg3[%add3A_288] : memref<71402500xf32, #tpu.memory_space<hbm>> -> memref<6656xf32, #tpu.memory_space<hbm>>
        tpu.enqueue_dma source(%dma_start3A_290 : memref<6656xf32, #tpu.memory_space<hbm>>) target(%arg11 : memref<6656xf32, #tpu.memory_space<vmem>>) target_semaphore(%arg15 : memref<!tpu.dma_semaphore, #tpu.memory_space<semaphore_mem>>)
        %dma_wait3A_291 = tpu.memref_slice %arg3[%add3A_271] : memref<71402500xf32, #tpu.memory_space<hbm>> -> memref<6656xf32, #tpu.memory_space<hbm>>
        %dma_wait3A_292 = tpu.memref_slice %arg3[%add3A_271] : memref<71402500xf32, #tpu.memory_space<hbm>> -> memref<6656xf32, #tpu.memory_space<hbm>>
        tpu.wait_dma2 semaphore(%arg15 : memref<!tpu.dma_semaphore, #tpu.memory_space<semaphore_mem>>) src(%dma_wait3A_292 : memref<6656xf32, #tpu.memory_space<hbm>>) dst(%arg10 : memref<6656xf32, #tpu.memory_space<vmem>>)
        %mul3A_293 = arith.constant 106496 : i32
        %mul3A_294 = arith.muli %arg1, %mul3A_293 : i32
        %add3A_295 = arith.constant 93184 : i32
        %add3A_296 = arith.addi %mul3A_294, %add3A_295 : i32
        %dma_start3A_297 = tpu.memref_slice %arg12[%add3A_296] : memref<1704000xf32, #tpu.memory_space<vmem_shared>> -> memref<6656xf32, #tpu.memory_space<vmem_shared>>
        %dma_start3A_298 = tpu.memref_slice %arg12[%add3A_296] : memref<1704000xf32, #tpu.memory_space<vmem_shared>> -> memref<6656xf32, #tpu.memory_space<vmem_shared>>
        tpu.enqueue_dma source(%arg10 : memref<6656xf32, #tpu.memory_space<vmem>>) target(%dma_start3A_298 : memref<6656xf32, #tpu.memory_space<vmem_shared>>) target_semaphore(%arg16 : memref<!tpu.dma_semaphore, #tpu.memory_space<semaphore_mem>>)
        %dma_wait3A_299 = tpu.memref_slice %arg3[%add3A_288] : memref<71402500xf32, #tpu.memory_space<hbm>> -> memref<6656xf32, #tpu.memory_space<hbm>>
        %dma_wait3A_300 = tpu.memref_slice %arg3[%add3A_288] : memref<71402500xf32, #tpu.memory_space<hbm>> -> memref<6656xf32, #tpu.memory_space<hbm>>
        tpu.wait_dma2 semaphore(%arg15 : memref<!tpu.dma_semaphore, #tpu.memory_space<semaphore_mem>>) src(%dma_wait3A_300 : memref<6656xf32, #tpu.memory_space<hbm>>) dst(%arg11 : memref<6656xf32, #tpu.memory_space<vmem>>)
        %mul3A_301 = arith.constant 106496 : i32
        %mul3A_302 = arith.muli %arg1, %mul3A_301 : i32
        %add3A_303 = arith.constant 99840 : i32
        %add3A_304 = arith.addi %mul3A_302, %add3A_303 : i32
        %dma_start3A_305 = tpu.memref_slice %arg12[%add3A_304] : memref<1704000xf32, #tpu.memory_space<vmem_shared>> -> memref<6656xf32, #tpu.memory_space<vmem_shared>>
        %dma_start3A_306 = tpu.memref_slice %arg12[%add3A_304] : memref<1704000xf32, #tpu.memory_space<vmem_shared>> -> memref<6656xf32, #tpu.memory_space<vmem_shared>>
        tpu.enqueue_dma source(%arg11 : memref<6656xf32, #tpu.memory_space<vmem>>) target(%dma_start3A_306 : memref<6656xf32, #tpu.memory_space<vmem_shared>>) target_semaphore(%arg16 : memref<!tpu.dma_semaphore, #tpu.memory_space<semaphore_mem>>)
        %dma_wait3A_307 = tpu.memref_slice %arg12[%add3A_296] : memref<1704000xf32, #tpu.memory_space<vmem_shared>> -> memref<6656xf32, #tpu.memory_space<vmem_shared>>
        %dma_wait3A_308 = tpu.memref_slice %arg12[%add3A_296] : memref<1704000xf32, #tpu.memory_space<vmem_shared>> -> memref<6656xf32, #tpu.memory_space<vmem_shared>>
        tpu.wait_dma2 semaphore(%arg16 : memref<!tpu.dma_semaphore, #tpu.memory_space<semaphore_mem>>) src(%arg10 : memref<6656xf32, #tpu.memory_space<vmem>>) dst(%dma_wait3A_308 : memref<6656xf32, #tpu.memory_space<vmem_shared>>)
        %dma_wait3A_309 = tpu.memref_slice %arg12[%add3A_304] : memref<1704000xf32, #tpu.memory_space<vmem_shared>> -> memref<6656xf32, #tpu.memory_space<vmem_shared>>
        %dma_wait3A_310 = tpu.memref_slice %arg12[%add3A_304] : memref<1704000xf32, #tpu.memory_space<vmem_shared>> -> memref<6656xf32, #tpu.memory_space<vmem_shared>>
        tpu.wait_dma2 semaphore(%arg16 : memref<!tpu.dma_semaphore, #tpu.memory_space<semaphore_mem>>) src(%arg11 : memref<6656xf32, #tpu.memory_space<vmem>>) dst(%dma_wait3A_310 : memref<6656xf32, #tpu.memory_space<vmem_shared>>)
      } else {
      }
      %eq3A = arith.constant 20 : i32
      %eq3A_20 = arith.cmpi eq, %scan3A_13, %eq3A : i32
      %convert_element_type3A_21 = arith.extui %eq3A_20 : i1 to i32
      %cond3A_22 = arith.constant 0 : i32
      %cond3A_23 = arith.cmpi ne, %convert_element_type3A_21, %cond3A_22 : i32
      scf.if %cond3A_23 {
        %scan3A_41 = arith.constant 0 : i32
        %scan3A_42 = arith.constant 0 : i32
        %scan3A_43 = arith.constant 16 : i32
        %scan3A_44 = arith.addi %scan3A_42, %scan3A_43 : i32
        %scan3A_45 = arith.constant 1 : i32
        %scan3A_46 = scf.for %scan3A_48 = %scan3A_42 to %scan3A_44 step %scan3A_45 iter_args(%scan3A_49 = %scan3A_41) -> (i32)  : i32 {
          %mul3A_50 = arith.constant 106496 : i32
          %mul3A_51 = arith.muli %arg1, %mul3A_50 : i32
          %add3A_52 = arith.addi %mul3A_17, %mul3A_51 : i32
          %mul3A_53 = arith.constant 6656 : i32
          %mul3A_54 = arith.muli %scan3A_48, %mul3A_53 : i32
          %add3A_55 = arith.addi %add3A_52, %mul3A_54 : i32
          %add3A_56 = arith.constant 6656 : i32
          %add3A_57 = arith.addi %add3A_55, %add3A_56 : i32
          %le3A = arith.constant 71402500 : i32
          %le3A_58 = arith.cmpi sle, %add3A_57, %le3A : i32
          %lt3A_59 = arith.constant 71402500 : i32
          %lt3A_60 = arith.cmpi slt, %add3A_55, %lt3A_59 : i32
          %not3A = arith.constant true
          %not3A_61 = arith.xori %le3A_58, %not3A : i1
          %and3A = arith.andi %lt3A_60, %not3A_61 : i1
          %convert_element_type3A_62 = arith.extui %le3A_58 : i1 to i32
          %cond3A_63 = arith.constant 0 : i32
          %cond3A_64 = arith.cmpi ne, %convert_element_type3A_62, %cond3A_63 : i32
          scf.if %cond3A_64 {
            %mul3A_69 = arith.constant 106496 : i32
            %mul3A_70 = arith.muli %arg1, %mul3A_69 : i32
            %add3A_71 = arith.addi %mul3A_17, %mul3A_70 : i32
            %mul3A_72 = arith.constant 6656 : i32
            %mul3A_73 = arith.muli %scan3A_48, %mul3A_72 : i32
            %add3A_74 = arith.addi %add3A_71, %mul3A_73 : i32
            "tpu.region"() ({
              %run_scoped3A = tpu.sem_alloc : memref<!tpu.dma_semaphore, #tpu.memory_space<semaphore_mem>>
              %dma_start3A = tpu.memref_slice %arg3[%add3A_74] : memref<71402500xf32, #tpu.memory_space<hbm>> -> memref<6656xf32, #tpu.memory_space<hbm>>
              %dma_start3A_80 = tpu.memref_slice %arg3[%add3A_74] : memref<71402500xf32, #tpu.memory_space<hbm>> -> memref<6656xf32, #tpu.memory_space<hbm>>
              tpu.enqueue_dma source(%dma_start3A_80 : memref<6656xf32, #tpu.memory_space<hbm>>) target(%arg10 : memref<6656xf32, #tpu.memory_space<vmem>>) target_semaphore(%run_scoped3A : memref<!tpu.dma_semaphore, #tpu.memory_space<semaphore_mem>>)
              %dma_wait3A = tpu.memref_slice %arg3[%add3A_74] : memref<71402500xf32, #tpu.memory_space<hbm>> -> memref<6656xf32, #tpu.memory_space<hbm>>
              %dma_wait3A_81 = tpu.memref_slice %arg3[%add3A_74] : memref<71402500xf32, #tpu.memory_space<hbm>> -> memref<6656xf32, #tpu.memory_space<hbm>>
              tpu.wait_dma2 semaphore(%run_scoped3A : memref<!tpu.dma_semaphore, #tpu.memory_space<semaphore_mem>>) src(%dma_wait3A_81 : memref<6656xf32, #tpu.memory_space<hbm>>) dst(%arg10 : memref<6656xf32, #tpu.memory_space<vmem>>)
              tpu.yield
            }) : () -> ()
            %mul3A_75 = arith.constant 106496 : i32
            %mul3A_76 = arith.muli %arg1, %mul3A_75 : i32
            %mul3A_77 = arith.constant 6656 : i32
            %mul3A_78 = arith.muli %scan3A_48, %mul3A_77 : i32
            %add3A_79 = arith.addi %mul3A_76, %mul3A_78 : i32
            "tpu.region"() ({
              %run_scoped3A = tpu.sem_alloc : memref<!tpu.dma_semaphore, #tpu.memory_space<semaphore_mem>>
              %dma_start3A = tpu.memref_slice %arg12[%add3A_79] : memref<1704000xf32, #tpu.memory_space<vmem_shared>> -> memref<6656xf32, #tpu.memory_space<vmem_shared>>
              %dma_start3A_80 = tpu.memref_slice %arg12[%add3A_79] : memref<1704000xf32, #tpu.memory_space<vmem_shared>> -> memref<6656xf32, #tpu.memory_space<vmem_shared>>
              tpu.enqueue_dma source(%arg10 : memref<6656xf32, #tpu.memory_space<vmem>>) target(%dma_start3A_80 : memref<6656xf32, #tpu.memory_space<vmem_shared>>) target_semaphore(%run_scoped3A : memref<!tpu.dma_semaphore, #tpu.memory_space<semaphore_mem>>)
              %dma_wait3A = tpu.memref_slice %arg12[%add3A_79] : memref<1704000xf32, #tpu.memory_space<vmem_shared>> -> memref<6656xf32, #tpu.memory_space<vmem_shared>>
              %dma_wait3A_81 = tpu.memref_slice %arg12[%add3A_79] : memref<1704000xf32, #tpu.memory_space<vmem_shared>> -> memref<6656xf32, #tpu.memory_space<vmem_shared>>
              tpu.wait_dma2 semaphore(%run_scoped3A : memref<!tpu.dma_semaphore, #tpu.memory_space<semaphore_mem>>) src(%arg10 : memref<6656xf32, #tpu.memory_space<vmem>>) dst(%dma_wait3A_81 : memref<6656xf32, #tpu.memory_space<vmem_shared>>)
              tpu.yield
            }) : () -> ()
          } else {
          }
          %convert_element_type3A_65 = arith.extui %and3A : i1 to i32
          %cond3A_66 = arith.constant 0 : i32
          %cond3A_67 = arith.cmpi ne, %convert_element_type3A_65, %cond3A_66 : i32
          scf.if %cond3A_67 {
            %mul3A_69 = arith.constant 106496 : i32
            %mul3A_70 = arith.muli %arg1, %mul3A_69 : i32
            %add3A_71 = arith.addi %mul3A_17, %mul3A_70 : i32
            %mul3A_72 = arith.constant 6656 : i32
            %mul3A_73 = arith.muli %scan3A_48, %mul3A_72 : i32
            %add3A_74 = arith.addi %add3A_71, %mul3A_73 : i32
            "tpu.region"() ({
              %run_scoped3A = tpu.sem_alloc : memref<!tpu.dma_semaphore, #tpu.memory_space<semaphore_mem>>
              %dma_start3A = arith.constant 0 : i32
              %dma_start3A_80 = tpu.memref_slice %arg10[%dma_start3A] : memref<6656xf32, #tpu.memory_space<vmem>> -> memref<3588xf32, #tpu.memory_space<vmem>>
              %dma_start3A_81 = tpu.memref_slice %arg3[%add3A_74] : memref<71402500xf32, #tpu.memory_space<hbm>> -> memref<3588xf32, #tpu.memory_space<hbm>>
              %dma_start3A_82 = arith.constant 0 : i32
              %dma_start3A_83 = tpu.memref_slice %arg10[%dma_start3A_82] : memref<6656xf32, #tpu.memory_space<vmem>> -> memref<3588xf32, #tpu.memory_space<vmem>>
              %dma_start3A_84 = tpu.memref_slice %arg3[%add3A_74] : memref<71402500xf32, #tpu.memory_space<hbm>> -> memref<3588xf32, #tpu.memory_space<hbm>>
              tpu.enqueue_dma source(%dma_start3A_84 : memref<3588xf32, #tpu.memory_space<hbm>>) target(%dma_start3A_83 : memref<3588xf32, #tpu.memory_space<vmem>>) target_semaphore(%run_scoped3A : memref<!tpu.dma_semaphore, #tpu.memory_space<semaphore_mem>>)
              %dma_wait3A = arith.constant 0 : i32
              %dma_wait3A_85 = tpu.memref_slice %arg10[%dma_wait3A] : memref<6656xf32, #tpu.memory_space<vmem>> -> memref<3588xf32, #tpu.memory_space<vmem>>
              %dma_wait3A_86 = tpu.memref_slice %arg3[%add3A_74] : memref<71402500xf32, #tpu.memory_space<hbm>> -> memref<3588xf32, #tpu.memory_space<hbm>>
              %dma_wait3A_87 = arith.constant 0 : i32
              %dma_wait3A_88 = tpu.memref_slice %arg10[%dma_wait3A_87] : memref<6656xf32, #tpu.memory_space<vmem>> -> memref<3588xf32, #tpu.memory_space<vmem>>
              %dma_wait3A_89 = tpu.memref_slice %arg3[%add3A_74] : memref<71402500xf32, #tpu.memory_space<hbm>> -> memref<3588xf32, #tpu.memory_space<hbm>>
              tpu.wait_dma2 semaphore(%run_scoped3A : memref<!tpu.dma_semaphore, #tpu.memory_space<semaphore_mem>>) src(%dma_wait3A_89 : memref<3588xf32, #tpu.memory_space<hbm>>) dst(%dma_wait3A_88 : memref<3588xf32, #tpu.memory_space<vmem>>)
              tpu.yield
            }) : () -> ()
            %mul3A_75 = arith.constant 106496 : i32
            %mul3A_76 = arith.muli %arg1, %mul3A_75 : i32
            %mul3A_77 = arith.constant 6656 : i32
            %mul3A_78 = arith.muli %scan3A_48, %mul3A_77 : i32
            %add3A_79 = arith.addi %mul3A_76, %mul3A_78 : i32
            "tpu.region"() ({
              %run_scoped3A = tpu.sem_alloc : memref<!tpu.dma_semaphore, #tpu.memory_space<semaphore_mem>>
              %dma_start3A = arith.constant 0 : i32
              %dma_start3A_80 = tpu.memref_slice %arg10[%dma_start3A] : memref<6656xf32, #tpu.memory_space<vmem>> -> memref<3588xf32, #tpu.memory_space<vmem>>
              %dma_start3A_81 = tpu.memref_slice %arg12[%add3A_79] : memref<1704000xf32, #tpu.memory_space<vmem_shared>> -> memref<3588xf32, #tpu.memory_space<vmem_shared>>
              %dma_start3A_82 = tpu.memref_slice %arg12[%add3A_79] : memref<1704000xf32, #tpu.memory_space<vmem_shared>> -> memref<3588xf32, #tpu.memory_space<vmem_shared>>
              %dma_start3A_83 = arith.constant 0 : i32
              %dma_start3A_84 = tpu.memref_slice %arg10[%dma_start3A_83] : memref<6656xf32, #tpu.memory_space<vmem>> -> memref<3588xf32, #tpu.memory_space<vmem>>
              tpu.enqueue_dma source(%dma_start3A_84 : memref<3588xf32, #tpu.memory_space<vmem>>) target(%dma_start3A_82 : memref<3588xf32, #tpu.memory_space<vmem_shared>>) target_semaphore(%run_scoped3A : memref<!tpu.dma_semaphore, #tpu.memory_space<semaphore_mem>>)
              %dma_wait3A = arith.constant 0 : i32
              %dma_wait3A_85 = tpu.memref_slice %arg10[%dma_wait3A] : memref<6656xf32, #tpu.memory_space<vmem>> -> memref<3588xf32, #tpu.memory_space<vmem>>
              %dma_wait3A_86 = tpu.memref_slice %arg12[%add3A_79] : memref<1704000xf32, #tpu.memory_space<vmem_shared>> -> memref<3588xf32, #tpu.memory_space<vmem_shared>>
              %dma_wait3A_87 = tpu.memref_slice %arg12[%add3A_79] : memref<1704000xf32, #tpu.memory_space<vmem_shared>> -> memref<3588xf32, #tpu.memory_space<vmem_shared>>
              %dma_wait3A_88 = arith.constant 0 : i32
              %dma_wait3A_89 = tpu.memref_slice %arg10[%dma_wait3A_88] : memref<6656xf32, #tpu.memory_space<vmem>> -> memref<3588xf32, #tpu.memory_space<vmem>>
              tpu.wait_dma2 semaphore(%run_scoped3A : memref<!tpu.dma_semaphore, #tpu.memory_space<semaphore_mem>>) src(%dma_wait3A_89 : memref<3588xf32, #tpu.memory_space<vmem>>) dst(%dma_wait3A_87 : memref<3588xf32, #tpu.memory_space<vmem_shared>>)
              tpu.yield
            }) : () -> ()
          } else {
          }
          %scan3A_68 = arith.constant 0 : i32
          scf.yield %scan3A_68 : i32
        }
        %scan3A_47 = arith.constant 16 : i32
      } else {
      }
      %barrier3A = arith.constant 0 : index
      tpu.barrier barrier_id(%barrier3A)
      %lt3A_24 = arith.constant 71402500 : i32
      %lt3A_25 = arith.cmpi slt, %mul3A_17, %lt3A_24 : i32
      %convert_element_type3A_26 = arith.extui %lt3A_25 : i1 to i32
      %cond3A_27 = arith.constant 0 : i32
      %cond3A_28 = arith.cmpi ne, %convert_element_type3A_26, %cond3A_27 : i32
      scf.if %cond3A_28 {
        %mul3A_41 = arith.constant 204800 : i32
        %mul3A_42 = arith.muli %arg1, %mul3A_41 : i32
        %add3A_43 = arith.constant 0 : i32
        %add3A_44 = arith.addi %mul3A_42, %add3A_43 : i32
        %dma_start3A = tpu.memref_slice %arg2[%add3A_44] : memref<3276800xi32, #tpu.memory_space<hbm>> -> memref<2048xi32, #tpu.memory_space<hbm>>
        %dma_start3A_45 = tpu.memref_slice %arg2[%add3A_44] : memref<3276800xi32, #tpu.memory_space<hbm>> -> memref<2048xi32, #tpu.memory_space<hbm>>
        tpu.enqueue_dma source(%dma_start3A_45 : memref<2048xi32, #tpu.memory_space<hbm>>) target(%arg5 : memref<2048xi32, #tpu.memory_space<vmem>>) target_semaphore(%arg13 : memref<!tpu.dma_semaphore, #tpu.memory_space<semaphore_mem>>)
        %add3A_46 = arith.constant 2048 : i32
        %add3A_47 = arith.addi %mul3A_42, %add3A_46 : i32
        %dma_start3A_48 = tpu.memref_slice %arg2[%add3A_47] : memref<3276800xi32, #tpu.memory_space<hbm>> -> memref<2048xi32, #tpu.memory_space<hbm>>
        %dma_start3A_49 = tpu.memref_slice %arg2[%add3A_47] : memref<3276800xi32, #tpu.memory_space<hbm>> -> memref<2048xi32, #tpu.memory_space<hbm>>
        tpu.enqueue_dma source(%dma_start3A_49 : memref<2048xi32, #tpu.memory_space<hbm>>) target(%arg6 : memref<2048xi32, #tpu.memory_space<vmem>>) target_semaphore(%arg13 : memref<!tpu.dma_semaphore, #tpu.memory_space<semaphore_mem>>)
        %scan3A_50 = arith.constant 0 : i32
        %scan3A_51 = arith.constant 0 : i32
        %scan3A_52 = arith.constant 50 : i32
        %scan3A_53 = arith.addi %scan3A_51, %scan3A_52 : i32
        %scan3A_54 = arith.constant 1 : i32
        %scan3A_55 = scf.for %scan3A_85 = %scan3A_51 to %scan3A_53 step %scan3A_54 iter_args(%scan3A_86 = %scan3A_50) -> (i32)  : i32 {
          %mul3A_87 = arith.constant 2 : i32
          %mul3A_88 = arith.muli %scan3A_85, %mul3A_87 : i32
          %add3A_89 = arith.constant 0 : i32
          %add3A_90 = arith.addi %mul3A_88, %add3A_89 : i32
          %mul3A_91 = arith.constant 2048 : i32
          %mul3A_92 = arith.muli %add3A_90, %mul3A_91 : i32
          %add3A_93 = arith.addi %mul3A_42, %mul3A_92 : i32
          %dma_wait3A_94 = tpu.memref_slice %arg2[%add3A_93] : memref<3276800xi32, #tpu.memory_space<hbm>> -> memref<2048xi32, #tpu.memory_space<hbm>>
          %dma_wait3A_95 = tpu.memref_slice %arg2[%add3A_93] : memref<3276800xi32, #tpu.memory_space<hbm>> -> memref<2048xi32, #tpu.memory_space<hbm>>
          tpu.wait_dma2 semaphore(%arg13 : memref<!tpu.dma_semaphore, #tpu.memory_space<semaphore_mem>>) src(%dma_wait3A_95 : memref<2048xi32, #tpu.memory_space<hbm>>) dst(%arg5 : memref<2048xi32, #tpu.memory_space<vmem>>)
          %scan3A_96 = arith.constant 0 : i32
          %scan3A_97 = arith.constant 32 : i32
          %scan3A_98 = arith.addi %scan3A_96, %scan3A_97 : i32
          %scan3A_99 = arith.constant 1 : i32
          %scan3A_100 = scf.for %scan3A_127 = %scan3A_96 to %scan3A_98 step %scan3A_99 iter_args(%scan3A_128 = %scan3A_86) -> (i32)  : i32 {
            %mul3A_129 = arith.constant 4 : i32
            %mul3A_130 = arith.muli %scan3A_127, %mul3A_129 : i32
            %add3A_131 = arith.constant 0 : i32
            %add3A_132 = arith.addi %mul3A_130, %add3A_131 : i32
            %mul3A_133 = arith.constant 16 : i32
            %mul3A_134 = arith.muli %add3A_132, %mul3A_133 : i32
            %get3A = arith.index_cast %mul3A_134 : i32 to index
            %get3A_135 = tpu.vector_load %arg5[%get3A] {strides = array<i32>} : memref<2048xi32, #tpu.memory_space<vmem>>, vector<16xi32>,
            %sub3A_136 = vector.broadcast %mul3A_17 : i32 to vector<16xi32>
            %sub3A_137 = arith.subi %get3A_135, %sub3A_136 : vector<16xi32>
            %ge3A = arith.constant 0 : i32
            %ge3A_138 = vector.broadcast %ge3A : i32 to vector<16xi32>
            %ge3A_139 = arith.cmpi sge, %sub3A_137, %ge3A_138 : vector<16xi32>
            %lt3A_140 = arith.constant 1703936 : i32
            %lt3A_141 = vector.broadcast %lt3A_140 : i32 to vector<16xi32>
            %lt3A_142 = arith.cmpi slt, %sub3A_137, %lt3A_141 : vector<16xi32>
            %and3A = arith.andi %ge3A_139, %lt3A_142 : vector<16xi1>
            %swap3A = arith.index_cast %scan3A_128 : i32 to index
            %swap3A_143 = tpu.vector_load %arg8[%swap3A] masked %and3A {strides = array<i32>} : memref<2128xi32, #tpu.memory_space<vmem>>, vector<16xi32>, vector<16xi1>
            tpu.vector_store %arg8[%swap3A], %sub3A_137 masked %and3A {strides = array<i32>} : memref<2128xi32, #tpu.memory_space<vmem>>, vector<16xi32>, vector<16xi1>
            %all_reduce_population_count3A = tpu.all_reduce %and3A {dim = 0 : i64, kind = #tpu.reduction_kind<sum>} : vector<16xi1> -> vector<16xi32>
            %slice3A = vector.extract_strided_slice %all_reduce_population_count3A {offsets = [0], sizes = [1], strides = [1]} : vector<16xi32> to vector<1xi32>
            %squeeze3A = vector.extract %slice3A[0] : i32 from vector<1xi32>
            %add3A_144 = arith.addi %scan3A_128, %squeeze3A : i32
            %mul3A_145 = arith.constant 4 : i32
            %mul3A_146 = arith.muli %scan3A_127, %mul3A_145 : i32
            %add3A_147 = arith.constant 1 : i32
            %add3A_148 = arith.addi %mul3A_146, %add3A_147 : i32
            %mul3A_149 = arith.constant 16 : i32
            %mul3A_150 = arith.muli %add3A_148, %mul3A_149 : i32
            %get3A_151 = arith.index_cast %mul3A_150 : i32 to index
            %get3A_152 = tpu.vector_load %arg5[%get3A_151] {strides = array<i32>} : memref<2048xi32, #tpu.memory_space<vmem>>, vector<16xi32>,
            %sub3A_153 = vector.broadcast %mul3A_17 : i32 to vector<16xi32>
            %sub3A_154 = arith.subi %get3A_152, %sub3A_153 : vector<16xi32>
            %ge3A_155 = arith.constant 0 : i32
            %ge3A_156 = vector.broadcast %ge3A_155 : i32 to vector<16xi32>
            %ge3A_157 = arith.cmpi sge, %sub3A_154, %ge3A_156 : vector<16xi32>
            %lt3A_158 = arith.constant 1703936 : i32
            %lt3A_159 = vector.broadcast %lt3A_158 : i32 to vector<16xi32>
            %lt3A_160 = arith.cmpi slt, %sub3A_154, %lt3A_159 : vector<16xi32>
            %and3A_161 = arith.andi %ge3A_157, %lt3A_160 : vector<16xi1>
            %swap3A_162 = arith.index_cast %add3A_144 : i32 to index
            %swap3A_163 = tpu.vector_load %arg8[%swap3A_162] masked %and3A_161 {strides = array<i32>} : memref<2128xi32, #tpu.memory_space<vmem>>, vector<16xi32>, vector<16xi1>
            tpu.vector_store %arg8[%swap3A_162], %sub3A_154 masked %and3A_161 {strides = array<i32>} : memref<2128xi32, #tpu.memory_space<vmem>>, vector<16xi32>, vector<16xi1>
            %all_reduce_population_count3A_164 = tpu.all_reduce %and3A_161 {dim = 0 : i64, kind = #tpu.reduction_kind<sum>} : vector<16xi1> -> vector<16xi32>
            %slice3A_165 = vector.extract_strided_slice %all_reduce_population_count3A_164 {offsets = [0], sizes = [1], strides = [1]} : vector<16xi32> to vector<1xi32>
            %squeeze3A_166 = vector.extract %slice3A_165[0] : i32 from vector<1xi32>
            %add3A_167 = arith.addi %add3A_144, %squeeze3A_166 : i32
            %mul3A_168 = arith.constant 4 : i32
            %mul3A_169 = arith.muli %scan3A_127, %mul3A_168 : i32
            %add3A_170 = arith.constant 2 : i32
            %add3A_171 = arith.addi %mul3A_169, %add3A_170 : i32
            %mul3A_172 = arith.constant 16 : i32
            %mul3A_173 = arith.muli %add3A_171, %mul3A_172 : i32
            %get3A_174 = arith.index_cast %mul3A_173 : i32 to index
            %get3A_175 = tpu.vector_load %arg5[%get3A_174] {strides = array<i32>} : memref<2048xi32, #tpu.memory_space<vmem>>, vector<16xi32>,
            %sub3A_176 = vector.broadcast %mul3A_17 : i32 to vector<16xi32>
            %sub3A_177 = arith.subi %get3A_175, %sub3A_176 : vector<16xi32>
            %ge3A_178 = arith.constant 0 : i32
            %ge3A_179 = vector.broadcast %ge3A_178 : i32 to vector<16xi32>
            %ge3A_180 = arith.cmpi sge, %sub3A_177, %ge3A_179 : vector<16xi32>
            %lt3A_181 = arith.constant 1703936 : i32
            %lt3A_182 = vector.broadcast %lt3A_181 : i32 to vector<16xi32>
            %lt3A_183 = arith.cmpi slt, %sub3A_177, %lt3A_182 : vector<16xi32>
            %and3A_184 = arith.andi %ge3A_180, %lt3A_183 : vector<16xi1>
            %swap3A_185 = arith.index_cast %add3A_167 : i32 to index
            %swap3A_186 = tpu.vector_load %arg8[%swap3A_185] masked %and3A_184 {strides = array<i32>} : memref<2128xi32, #tpu.memory_space<vmem>>, vector<16xi32>, vector<16xi1>
            tpu.vector_store %arg8[%swap3A_185], %sub3A_177 masked %and3A_184 {strides = array<i32>} : memref<2128xi32, #tpu.memory_space<vmem>>, vector<16xi32>, vector<16xi1>
            %all_reduce_population_count3A_187 = tpu.all_reduce %and3A_184 {dim = 0 : i64, kind = #tpu.reduction_kind<sum>} : vector<16xi1> -> vector<16xi32>
            %slice3A_188 = vector.extract_strided_slice %all_reduce_population_count3A_187 {offsets = [0], sizes = [1], strides = [1]} : vector<16xi32> to vector<1xi32>
            %squeeze3A_189 = vector.extract %slice3A_188[0] : i32 from vector<1xi32>
            %add3A_190 = arith.addi %add3A_167, %squeeze3A_189 : i32
            %mul3A_191 = arith.constant 4 : i32
            %mul3A_192 = arith.muli %scan3A_127, %mul3A_191 : i32
            %add3A_193 = arith.constant 3 : i32
            %add3A_194 = arith.addi %mul3A_192, %add3A_193 : i32
            %mul3A_195 = arith.constant 16 : i32
            %mul3A_196 = arith.muli %add3A_194, %mul3A_195 : i32
            %get3A_197 = arith.index_cast %mul3A_196 : i32 to index
            %get3A_198 = tpu.vector_load %arg5[%get3A_197] {strides = array<i32>} : memref<2048xi32, #tpu.memory_space<vmem>>, vector<16xi32>,
            %sub3A_199 = vector.broadcast %mul3A_17 : i32 to vector<16xi32>
            %sub3A_200 = arith.subi %get3A_198, %sub3A_199 : vector<16xi32>
            %ge3A_201 = arith.constant 0 : i32
            %ge3A_202 = vector.broadcast %ge3A_201 : i32 to vector<16xi32>
            %ge3A_203 = arith.cmpi sge, %sub3A_200, %ge3A_202 : vector<16xi32>
            %lt3A_204 = arith.constant 1703936 : i32
            %lt3A_205 = vector.broadcast %lt3A_204 : i32 to vector<16xi32>
            %lt3A_206 = arith.cmpi slt, %sub3A_200, %lt3A_205 : vector<16xi32>
            %and3A_207 = arith.andi %ge3A_203, %lt3A_206 : vector<16xi1>
            %swap3A_208 = arith.index_cast %add3A_190 : i32 to index
            %swap3A_209 = tpu.vector_load %arg8[%swap3A_208] masked %and3A_207 {strides = array<i32>} : memref<2128xi32, #tpu.memory_space<vmem>>, vector<16xi32>, vector<16xi1>
            tpu.vector_store %arg8[%swap3A_208], %sub3A_200 masked %and3A_207 {strides = array<i32>} : memref<2128xi32, #tpu.memory_space<vmem>>, vector<16xi32>, vector<16xi1>
            %all_reduce_population_count3A_210 = tpu.all_reduce %and3A_207 {dim = 0 : i64, kind = #tpu.reduction_kind<sum>} : vector<16xi1> -> vector<16xi32>
            %slice3A_211 = vector.extract_strided_slice %all_reduce_population_count3A_210 {offsets = [0], sizes = [1], strides = [1]} : vector<16xi32> to vector<1xi32>
            %squeeze3A_212 = vector.extract %slice3A_211[0] : i32 from vector<1xi32>
            %add3A_213 = arith.addi %add3A_190, %squeeze3A_212 : i32
            %ge3A_214 = arith.constant 2048 : i32
            %ge3A_215 = arith.cmpi sge, %add3A_213, %ge3A_214 : i32
            %convert_element_type3A_216 = arith.extui %ge3A_215 : i1 to i32
            %cond3A_217 = arith.constant 0 : i32
            %cond3A_218 = arith.cmpi ne, %convert_element_type3A_216, %cond3A_217 : i32
            scf.if %cond3A_218 {
              %scan3A_221 = arith.constant 0 : i32
              %scan3A_222 = arith.constant 0 : i32
              %scan3A_223 = arith.constant 128 : i32
              %scan3A_224 = arith.addi %scan3A_222, %scan3A_223 : i32
              %scan3A_225 = arith.constant 1 : i32
              %scan3A_226 = scf.for %scan3A_280 = %scan3A_222 to %scan3A_224 step %scan3A_225 iter_args(%scan3A_281 = %scan3A_221) -> (i32)  : i32 {
                %mul3A_282 = arith.constant 16 : i32
                %mul3A_283 = arith.muli %scan3A_280, %mul3A_282 : i32
                %get3A_284 = arith.index_cast %mul3A_283 : i32 to index
                %get3A_285 = tpu.vector_load %arg8[%get3A_284] {strides = array<i32>} : memref<2128xi32, #tpu.memory_space<vmem>>, vector<16xi32>,
                %swap3A_286 = arith.index_cast %mul3A_283 : i32 to index
                %swap3A_287 = tpu.vector_load %arg9[%swap3A_286] {strides = array<i32>} : memref<2048xi32, #tpu.memory_space<vmem>>, vector<16xi32>,
                tpu.vector_store %arg9[%swap3A_286], %get3A_285 {strides = array<i32>} : memref<2048xi32, #tpu.memory_space<vmem>>, vector<16xi32>,
                %scan3A_288 = arith.constant 0 : i32
                scf.yield %scan3A_288 : i32
              }
              %scan3A_227 = arith.constant 128 : i32
              %dma_start3A_228 = arith.constant 0 : i32
              %dma_start3A_229 = tpu.memref_slice %arg12[%dma_start3A_228] : memref<1704000xf32, #tpu.memory_space<vmem_shared>> -> memref<1704000xf32, #tpu.memory_space<vmem_shared>>
              tpu.enqueue_indirect_dma source(%arg7 : memref<2048xf32, #tpu.memory_space<vmem>>) target(%dma_start3A_229 : memref<1704000xf32, #tpu.memory_space<vmem_shared>>) offsets(%arg9 : memref<2048xi32, #tpu.memory_space<vmem>>) semaphore(%arg14 : memref<!tpu.dma_semaphore, #tpu.memory_space<semaphore_mem>>) {add = true}
              %dma_wait3A_230 = arith.constant 0 : i32
              %dma_wait3A_231 = tpu.memref_slice %arg12[%dma_wait3A_230] : memref<1704000xf32, #tpu.memory_space<vmem_shared>> -> memref<1704000xf32, #tpu.memory_space<vmem_shared>>
              tpu.wait_indirect_dma semaphore(%arg14 : memref<!tpu.dma_semaphore, #tpu.memory_space<semaphore_mem>>) src(%arg7 : memref<2048xf32, #tpu.memory_space<vmem>>) dst(%dma_wait3A_231 : memref<1704000xf32, #tpu.memory_space<vmem_shared>>)
              %get3A_232 = arith.constant 2048 : index
              %get3A_233 = tpu.vector_load %arg8[%get3A_232] {strides = array<i32>} : memref<2128xi32, #tpu.memory_space<vmem>>, vector<16xi32>,
              %add3A_234 = arith.constant 0 : i32
              %add3A_235 = vector.broadcast %add3A_234 : i32 to vector<16xi32>
              %add3A_236 = arith.addi %iota3A, %add3A_235 : vector<16xi32>
              %add3A_237 = arith.constant 0 : i32
              %add3A_238 = vector.broadcast %add3A_237 : i32 to vector<16xi32>
              %add3A_239 = arith.addi %iota3A, %add3A_238 : vector<16xi32>
              %sub3A_240 = arith.constant 2048 : i32
              %sub3A_241 = arith.subi %add3A_213, %sub3A_240 : i32
              %lt3A_242 = vector.broadcast %sub3A_241 : i32 to vector<16xi32>
              %lt3A_243 = arith.cmpi slt, %add3A_239, %lt3A_242 : vector<16xi32>
              tpu.vector_store_idx %arg8[%add3A_236], %get3A_233 masked %lt3A_243 : memref<2128xi32, #tpu.memory_space<vmem>>[vector<16xi32>], vector<16xi32>, vector<16xi1>
              %get3A_244 = arith.constant 2064 : index
              %get3A_245 = tpu.vector_load %arg8[%get3A_244] {strides = array<i32>} : memref<2128xi32, #tpu.memory_space<vmem>>, vector<16xi32>,
              %add3A_246 = arith.constant 16 : i32
              %add3A_247 = vector.broadcast %add3A_246 : i32 to vector<16xi32>
              %add3A_248 = arith.addi %iota3A, %add3A_247 : vector<16xi32>
              %add3A_249 = arith.constant 16 : i32
              %add3A_250 = vector.broadcast %add3A_249 : i32 to vector<16xi32>
              %add3A_251 = arith.addi %iota3A, %add3A_250 : vector<16xi32>
              %sub3A_252 = arith.constant 2048 : i32
              %sub3A_253 = arith.subi %add3A_213, %sub3A_252 : i32
              %lt3A_254 = vector.broadcast %sub3A_253 : i32 to vector<16xi32>
              %lt3A_255 = arith.cmpi slt, %add3A_251, %lt3A_254 : vector<16xi32>
              tpu.vector_store_idx %arg8[%add3A_248], %get3A_245 masked %lt3A_255 : memref<2128xi32, #tpu.memory_space<vmem>>[vector<16xi32>], vector<16xi32>, vector<16xi1>
              %get3A_256 = arith.constant 2080 : index
              %get3A_257 = tpu.vector_load %arg8[%get3A_256] {strides = array<i32>} : memref<2128xi32, #tpu.memory_space<vmem>>, vector<16xi32>,
              %add3A_258 = arith.constant 32 : i32
              %add3A_259 = vector.broadcast %add3A_258 : i32 to vector<16xi32>
              %add3A_260 = arith.addi %iota3A, %add3A_259 : vector<16xi32>
              %add3A_261 = arith.constant 32 : i32
              %add3A_262 = vector.broadcast %add3A_261 : i32 to vector<16xi32>
              %add3A_263 = arith.addi %iota3A, %add3A_262 : vector<16xi32>
              %sub3A_264 = arith.constant 2048 : i32
              %sub3A_265 = arith.subi %add3A_213, %sub3A_264 : i32
              %lt3A_266 = vector.broadcast %sub3A_265 : i32 to vector<16xi32>
              %lt3A_267 = arith.cmpi slt, %add3A_263, %lt3A_266 : vector<16xi32>
              tpu.vector_store_idx %arg8[%add3A_260], %get3A_257 masked %lt3A_267 : memref<2128xi32, #tpu.memory_space<vmem>>[vector<16xi32>], vector<16xi32>, vector<16xi1>
              %get3A_268 = arith.constant 2096 : index
              %get3A_269 = tpu.vector_load %arg8[%get3A_268] {strides = array<i32>} : memref<2128xi32, #tpu.memory_space<vmem>>, vector<16xi32>,
              %add3A_270 = arith.constant 48 : i32
              %add3A_271 = vector.broadcast %add3A_270 : i32 to vector<16xi32>
              %add3A_272 = arith.addi %iota3A, %add3A_271 : vector<16xi32>
              %add3A_273 = arith.constant 48 : i32
              %add3A_274 = vector.broadcast %add3A_273 : i32 to vector<16xi32>
              %add3A_275 = arith.addi %iota3A, %add3A_274 : vector<16xi32>
              %sub3A_276 = arith.constant 2048 : i32
              %sub3A_277 = arith.subi %add3A_213, %sub3A_276 : i32
              %lt3A_278 = vector.broadcast %sub3A_277 : i32 to vector<16xi32>
              %lt3A_279 = arith.cmpi slt, %add3A_275, %lt3A_278 : vector<16xi32>
              tpu.vector_store_idx %arg8[%add3A_272], %get3A_269 masked %lt3A_279 : memref<2128xi32, #tpu.memory_space<vmem>>[vector<16xi32>], vector<16xi32>, vector<16xi1>
            } else {
            }
            %sub3A_219 = arith.constant 2048 : i32
            %sub3A_220 = arith.subi %add3A_213, %sub3A_219 : i32
            %select_n3A = arith.select %ge3A_215, %sub3A_220, %add3A_213 : i32
            scf.yield %select_n3A : i32
          }
          %scan3A_101 = arith.constant 32 : i32
          %lt3A_102 = arith.constant 49 : i32
          %lt3A_103 = arith.cmpi slt, %scan3A_85, %lt3A_102 : i32
          %convert_element_type3A_104 = arith.extui %lt3A_103 : i1 to i32
          %cond3A_105 = arith.constant 0 : i32
          %cond3A_106 = arith.cmpi ne, %convert_element_type3A_104, %cond3A_105 : i32
          scf.if %cond3A_106 {
            %add3A_127 = arith.constant 2 : i32
            %add3A_128 = arith.addi %add3A_90, %add3A_127 : i32
            %mul3A_129 = arith.constant 2048 : i32
            %mul3A_130 = arith.muli %add3A_128, %mul3A_129 : i32
            %add3A_131 = arith.addi %mul3A_42, %mul3A_130 : i32
            %dma_start3A_132 = tpu.memref_slice %arg2[%add3A_131] : memref<3276800xi32, #tpu.memory_space<hbm>> -> memref<2048xi32, #tpu.memory_space<hbm>>
            %dma_start3A_133 = tpu.memref_slice %arg2[%add3A_131] : memref<3276800xi32, #tpu.memory_space<hbm>> -> memref<2048xi32, #tpu.memory_space<hbm>>
            tpu.enqueue_dma source(%dma_start3A_133 : memref<2048xi32, #tpu.memory_space<hbm>>) target(%arg5 : memref<2048xi32, #tpu.memory_space<vmem>>) target_semaphore(%arg13 : memref<!tpu.dma_semaphore, #tpu.memory_space<semaphore_mem>>)
          } else {
          }
          %mul3A_107 = arith.constant 2 : i32
          %mul3A_108 = arith.muli %scan3A_85, %mul3A_107 : i32
          %add3A_109 = arith.constant 1 : i32
          %add3A_110 = arith.addi %mul3A_108, %add3A_109 : i32
          %mul3A_111 = arith.constant 2048 : i32
          %mul3A_112 = arith.muli %add3A_110, %mul3A_111 : i32
          %add3A_113 = arith.addi %mul3A_42, %mul3A_112 : i32
          %dma_wait3A_114 = tpu.memref_slice %arg2[%add3A_113] : memref<3276800xi32, #tpu.memory_space<hbm>> -> memref<2048xi32, #tpu.memory_space<hbm>>
          %dma_wait3A_115 = tpu.memref_slice %arg2[%add3A_113] : memref<3276800xi32, #tpu.memory_space<hbm>> -> memref<2048xi32, #tpu.memory_space<hbm>>
          tpu.wait_dma2 semaphore(%arg13 : memref<!tpu.dma_semaphore, #tpu.memory_space<semaphore_mem>>) src(%dma_wait3A_115 : memref<2048xi32, #tpu.memory_space<hbm>>) dst(%arg6 : memref<2048xi32, #tpu.memory_space<vmem>>)
          %scan3A_116 = arith.constant 0 : i32
          %scan3A_117 = arith.constant 32 : i32
          %scan3A_118 = arith.addi %scan3A_116, %scan3A_117 : i32
          %scan3A_119 = arith.constant 1 : i32
          %scan3A_120 = scf.for %scan3A_127 = %scan3A_116 to %scan3A_118 step %scan3A_119 iter_args(%scan3A_128 = %scan3A_100) -> (i32)  : i32 {
            %mul3A_129 = arith.constant 4 : i32
            %mul3A_130 = arith.muli %scan3A_127, %mul3A_129 : i32
            %add3A_131 = arith.constant 0 : i32
            %add3A_132 = arith.addi %mul3A_130, %add3A_131 : i32
            %mul3A_133 = arith.constant 16 : i32
            %mul3A_134 = arith.muli %add3A_132, %mul3A_133 : i32
            %get3A = arith.index_cast %mul3A_134 : i32 to index
            %get3A_135 = tpu.vector_load %arg6[%get3A] {strides = array<i32>} : memref<2048xi32, #tpu.memory_space<vmem>>, vector<16xi32>,
            %sub3A_136 = vector.broadcast %mul3A_17 : i32 to vector<16xi32>
            %sub3A_137 = arith.subi %get3A_135, %sub3A_136 : vector<16xi32>
            %ge3A = arith.constant 0 : i32
            %ge3A_138 = vector.broadcast %ge3A : i32 to vector<16xi32>
            %ge3A_139 = arith.cmpi sge, %sub3A_137, %ge3A_138 : vector<16xi32>
            %lt3A_140 = arith.constant 1703936 : i32
            %lt3A_141 = vector.broadcast %lt3A_140 : i32 to vector<16xi32>
            %lt3A_142 = arith.cmpi slt, %sub3A_137, %lt3A_141 : vector<16xi32>
            %and3A = arith.andi %ge3A_139, %lt3A_142 : vector<16xi1>
            %swap3A = arith.index_cast %scan3A_128 : i32 to index
            %swap3A_143 = tpu.vector_load %arg8[%swap3A] masked %and3A {strides = array<i32>} : memref<2128xi32, #tpu.memory_space<vmem>>, vector<16xi32>, vector<16xi1>
            tpu.vector_store %arg8[%swap3A], %sub3A_137 masked %and3A {strides = array<i32>} : memref<2128xi32, #tpu.memory_space<vmem>>, vector<16xi32>, vector<16xi1>
            %all_reduce_population_count3A = tpu.all_reduce %and3A {dim = 0 : i64, kind = #tpu.reduction_kind<sum>} : vector<16xi1> -> vector<16xi32>
            %slice3A = vector.extract_strided_slice %all_reduce_population_count3A {offsets = [0], sizes = [1], strides = [1]} : vector<16xi32> to vector<1xi32>
            %squeeze3A = vector.extract %slice3A[0] : i32 from vector<1xi32>
            %add3A_144 = arith.addi %scan3A_128, %squeeze3A : i32
            %mul3A_145 = arith.constant 4 : i32
            %mul3A_146 = arith.muli %scan3A_127, %mul3A_145 : i32
            %add3A_147 = arith.constant 1 : i32
            %add3A_148 = arith.addi %mul3A_146, %add3A_147 : i32
            %mul3A_149 = arith.constant 16 : i32
            %mul3A_150 = arith.muli %add3A_148, %mul3A_149 : i32
            %get3A_151 = arith.index_cast %mul3A_150 : i32 to index
            %get3A_152 = tpu.vector_load %arg6[%get3A_151] {strides = array<i32>} : memref<2048xi32, #tpu.memory_space<vmem>>, vector<16xi32>,
            %sub3A_153 = vector.broadcast %mul3A_17 : i32 to vector<16xi32>
            %sub3A_154 = arith.subi %get3A_152, %sub3A_153 : vector<16xi32>
            %ge3A_155 = arith.constant 0 : i32
            %ge3A_156 = vector.broadcast %ge3A_155 : i32 to vector<16xi32>
            %ge3A_157 = arith.cmpi sge, %sub3A_154, %ge3A_156 : vector<16xi32>
            %lt3A_158 = arith.constant 1703936 : i32
            %lt3A_159 = vector.broadcast %lt3A_158 : i32 to vector<16xi32>
            %lt3A_160 = arith.cmpi slt, %sub3A_154, %lt3A_159 : vector<16xi32>
            %and3A_161 = arith.andi %ge3A_157, %lt3A_160 : vector<16xi1>
            %swap3A_162 = arith.index_cast %add3A_144 : i32 to index
            %swap3A_163 = tpu.vector_load %arg8[%swap3A_162] masked %and3A_161 {strides = array<i32>} : memref<2128xi32, #tpu.memory_space<vmem>>, vector<16xi32>, vector<16xi1>
            tpu.vector_store %arg8[%swap3A_162], %sub3A_154 masked %and3A_161 {strides = array<i32>} : memref<2128xi32, #tpu.memory_space<vmem>>, vector<16xi32>, vector<16xi1>
            %all_reduce_population_count3A_164 = tpu.all_reduce %and3A_161 {dim = 0 : i64, kind = #tpu.reduction_kind<sum>} : vector<16xi1> -> vector<16xi32>
            %slice3A_165 = vector.extract_strided_slice %all_reduce_population_count3A_164 {offsets = [0], sizes = [1], strides = [1]} : vector<16xi32> to vector<1xi32>
            %squeeze3A_166 = vector.extract %slice3A_165[0] : i32 from vector<1xi32>
            %add3A_167 = arith.addi %add3A_144, %squeeze3A_166 : i32
            %mul3A_168 = arith.constant 4 : i32
            %mul3A_169 = arith.muli %scan3A_127, %mul3A_168 : i32
            %add3A_170 = arith.constant 2 : i32
            %add3A_171 = arith.addi %mul3A_169, %add3A_170 : i32
            %mul3A_172 = arith.constant 16 : i32
            %mul3A_173 = arith.muli %add3A_171, %mul3A_172 : i32
            %get3A_174 = arith.index_cast %mul3A_173 : i32 to index
            %get3A_175 = tpu.vector_load %arg6[%get3A_174] {strides = array<i32>} : memref<2048xi32, #tpu.memory_space<vmem>>, vector<16xi32>,
            %sub3A_176 = vector.broadcast %mul3A_17 : i32 to vector<16xi32>
            %sub3A_177 = arith.subi %get3A_175, %sub3A_176 : vector<16xi32>
            %ge3A_178 = arith.constant 0 : i32
            %ge3A_179 = vector.broadcast %ge3A_178 : i32 to vector<16xi32>
            %ge3A_180 = arith.cmpi sge, %sub3A_177, %ge3A_179 : vector<16xi32>
            %lt3A_181 = arith.constant 1703936 : i32
            %lt3A_182 = vector.broadcast %lt3A_181 : i32 to vector<16xi32>
            %lt3A_183 = arith.cmpi slt, %sub3A_177, %lt3A_182 : vector<16xi32>
            %and3A_184 = arith.andi %ge3A_180, %lt3A_183 : vector<16xi1>
            %swap3A_185 = arith.index_cast %add3A_167 : i32 to index
            %swap3A_186 = tpu.vector_load %arg8[%swap3A_185] masked %and3A_184 {strides = array<i32>} : memref<2128xi32, #tpu.memory_space<vmem>>, vector<16xi32>, vector<16xi1>
            tpu.vector_store %arg8[%swap3A_185], %sub3A_177 masked %and3A_184 {strides = array<i32>} : memref<2128xi32, #tpu.memory_space<vmem>>, vector<16xi32>, vector<16xi1>
            %all_reduce_population_count3A_187 = tpu.all_reduce %and3A_184 {dim = 0 : i64, kind = #tpu.reduction_kind<sum>} : vector<16xi1> -> vector<16xi32>
            %slice3A_188 = vector.extract_strided_slice %all_reduce_population_count3A_187 {offsets = [0], sizes = [1], strides = [1]} : vector<16xi32> to vector<1xi32>
            %squeeze3A_189 = vector.extract %slice3A_188[0] : i32 from vector<1xi32>
            %add3A_190 = arith.addi %add3A_167, %squeeze3A_189 : i32
            %mul3A_191 = arith.constant 4 : i32
            %mul3A_192 = arith.muli %scan3A_127, %mul3A_191 : i32
            %add3A_193 = arith.constant 3 : i32
            %add3A_194 = arith.addi %mul3A_192, %add3A_193 : i32
            %mul3A_195 = arith.constant 16 : i32
            %mul3A_196 = arith.muli %add3A_194, %mul3A_195 : i32
            %get3A_197 = arith.index_cast %mul3A_196 : i32 to index
            %get3A_198 = tpu.vector_load %arg6[%get3A_197] {strides = array<i32>} : memref<2048xi32, #tpu.memory_space<vmem>>, vector<16xi32>,
            %sub3A_199 = vector.broadcast %mul3A_17 : i32 to vector<16xi32>
            %sub3A_200 = arith.subi %get3A_198, %sub3A_199 : vector<16xi32>
            %ge3A_201 = arith.constant 0 : i32
            %ge3A_202 = vector.broadcast %ge3A_201 : i32 to vector<16xi32>
            %ge3A_203 = arith.cmpi sge, %sub3A_200, %ge3A_202 : vector<16xi32>
            %lt3A_204 = arith.constant 1703936 : i32
            %lt3A_205 = vector.broadcast %lt3A_204 : i32 to vector<16xi32>
            %lt3A_206 = arith.cmpi slt, %sub3A_200, %lt3A_205 : vector<16xi32>
            %and3A_207 = arith.andi %ge3A_203, %lt3A_206 : vector<16xi1>
            %swap3A_208 = arith.index_cast %add3A_190 : i32 to index
            %swap3A_209 = tpu.vector_load %arg8[%swap3A_208] masked %and3A_207 {strides = array<i32>} : memref<2128xi32, #tpu.memory_space<vmem>>, vector<16xi32>, vector<16xi1>
            tpu.vector_store %arg8[%swap3A_208], %sub3A_200 masked %and3A_207 {strides = array<i32>} : memref<2128xi32, #tpu.memory_space<vmem>>, vector<16xi32>, vector<16xi1>
            %all_reduce_population_count3A_210 = tpu.all_reduce %and3A_207 {dim = 0 : i64, kind = #tpu.reduction_kind<sum>} : vector<16xi1> -> vector<16xi32>
            %slice3A_211 = vector.extract_strided_slice %all_reduce_population_count3A_210 {offsets = [0], sizes = [1], strides = [1]} : vector<16xi32> to vector<1xi32>
            %squeeze3A_212 = vector.extract %slice3A_211[0] : i32 from vector<1xi32>
            %add3A_213 = arith.addi %add3A_190, %squeeze3A_212 : i32
            %ge3A_214 = arith.constant 2048 : i32
            %ge3A_215 = arith.cmpi sge, %add3A_213, %ge3A_214 : i32
            %convert_element_type3A_216 = arith.extui %ge3A_215 : i1 to i32
            %cond3A_217 = arith.constant 0 : i32
            %cond3A_218 = arith.cmpi ne, %convert_element_type3A_216, %cond3A_217 : i32
            scf.if %cond3A_218 {
              %scan3A_221 = arith.constant 0 : i32
              %scan3A_222 = arith.constant 0 : i32
              %scan3A_223 = arith.constant 128 : i32
              %scan3A_224 = arith.addi %scan3A_222, %scan3A_223 : i32
              %scan3A_225 = arith.constant 1 : i32
              %scan3A_226 = scf.for %scan3A_280 = %scan3A_222 to %scan3A_224 step %scan3A_225 iter_args(%scan3A_281 = %scan3A_221) -> (i32)  : i32 {
                %mul3A_282 = arith.constant 16 : i32
                %mul3A_283 = arith.muli %scan3A_280, %mul3A_282 : i32
                %get3A_284 = arith.index_cast %mul3A_283 : i32 to index
                %get3A_285 = tpu.vector_load %arg8[%get3A_284] {strides = array<i32>} : memref<2128xi32, #tpu.memory_space<vmem>>, vector<16xi32>,
                %swap3A_286 = arith.index_cast %mul3A_283 : i32 to index
                %swap3A_287 = tpu.vector_load %arg9[%swap3A_286] {strides = array<i32>} : memref<2048xi32, #tpu.memory_space<vmem>>, vector<16xi32>,
                tpu.vector_store %arg9[%swap3A_286], %get3A_285 {strides = array<i32>} : memref<2048xi32, #tpu.memory_space<vmem>>, vector<16xi32>,
                %scan3A_288 = arith.constant 0 : i32
                scf.yield %scan3A_288 : i32
              }
              %scan3A_227 = arith.constant 128 : i32
              %dma_start3A_228 = arith.constant 0 : i32
              %dma_start3A_229 = tpu.memref_slice %arg12[%dma_start3A_228] : memref<1704000xf32, #tpu.memory_space<vmem_shared>> -> memref<1704000xf32, #tpu.memory_space<vmem_shared>>
              tpu.enqueue_indirect_dma source(%arg7 : memref<2048xf32, #tpu.memory_space<vmem>>) target(%dma_start3A_229 : memref<1704000xf32, #tpu.memory_space<vmem_shared>>) offsets(%arg9 : memref<2048xi32, #tpu.memory_space<vmem>>) semaphore(%arg14 : memref<!tpu.dma_semaphore, #tpu.memory_space<semaphore_mem>>) {add = true}
              %dma_wait3A_230 = arith.constant 0 : i32
              %dma_wait3A_231 = tpu.memref_slice %arg12[%dma_wait3A_230] : memref<1704000xf32, #tpu.memory_space<vmem_shared>> -> memref<1704000xf32, #tpu.memory_space<vmem_shared>>
              tpu.wait_indirect_dma semaphore(%arg14 : memref<!tpu.dma_semaphore, #tpu.memory_space<semaphore_mem>>) src(%arg7 : memref<2048xf32, #tpu.memory_space<vmem>>) dst(%dma_wait3A_231 : memref<1704000xf32, #tpu.memory_space<vmem_shared>>)
              %get3A_232 = arith.constant 2048 : index
              %get3A_233 = tpu.vector_load %arg8[%get3A_232] {strides = array<i32>} : memref<2128xi32, #tpu.memory_space<vmem>>, vector<16xi32>,
              %add3A_234 = arith.constant 0 : i32
              %add3A_235 = vector.broadcast %add3A_234 : i32 to vector<16xi32>
              %add3A_236 = arith.addi %iota3A, %add3A_235 : vector<16xi32>
              %add3A_237 = arith.constant 0 : i32
              %add3A_238 = vector.broadcast %add3A_237 : i32 to vector<16xi32>
              %add3A_239 = arith.addi %iota3A, %add3A_238 : vector<16xi32>
              %sub3A_240 = arith.constant 2048 : i32
              %sub3A_241 = arith.subi %add3A_213, %sub3A_240 : i32
              %lt3A_242 = vector.broadcast %sub3A_241 : i32 to vector<16xi32>
              %lt3A_243 = arith.cmpi slt, %add3A_239, %lt3A_242 : vector<16xi32>
              tpu.vector_store_idx %arg8[%add3A_236], %get3A_233 masked %lt3A_243 : memref<2128xi32, #tpu.memory_space<vmem>>[vector<16xi32>], vector<16xi32>, vector<16xi1>
              %get3A_244 = arith.constant 2064 : index
              %get3A_245 = tpu.vector_load %arg8[%get3A_244] {strides = array<i32>} : memref<2128xi32, #tpu.memory_space<vmem>>, vector<16xi32>,
              %add3A_246 = arith.constant 16 : i32
              %add3A_247 = vector.broadcast %add3A_246 : i32 to vector<16xi32>
              %add3A_248 = arith.addi %iota3A, %add3A_247 : vector<16xi32>
              %add3A_249 = arith.constant 16 : i32
              %add3A_250 = vector.broadcast %add3A_249 : i32 to vector<16xi32>
              %add3A_251 = arith.addi %iota3A, %add3A_250 : vector<16xi32>
              %sub3A_252 = arith.constant 2048 : i32
              %sub3A_253 = arith.subi %add3A_213, %sub3A_252 : i32
              %lt3A_254 = vector.broadcast %sub3A_253 : i32 to vector<16xi32>
              %lt3A_255 = arith.cmpi slt, %add3A_251, %lt3A_254 : vector<16xi32>
              tpu.vector_store_idx %arg8[%add3A_248], %get3A_245 masked %lt3A_255 : memref<2128xi32, #tpu.memory_space<vmem>>[vector<16xi32>], vector<16xi32>, vector<16xi1>
              %get3A_256 = arith.constant 2080 : index
              %get3A_257 = tpu.vector_load %arg8[%get3A_256] {strides = array<i32>} : memref<2128xi32, #tpu.memory_space<vmem>>, vector<16xi32>,
              %add3A_258 = arith.constant 32 : i32
              %add3A_259 = vector.broadcast %add3A_258 : i32 to vector<16xi32>
              %add3A_260 = arith.addi %iota3A, %add3A_259 : vector<16xi32>
              %add3A_261 = arith.constant 32 : i32
              %add3A_262 = vector.broadcast %add3A_261 : i32 to vector<16xi32>
              %add3A_263 = arith.addi %iota3A, %add3A_262 : vector<16xi32>
              %sub3A_264 = arith.constant 2048 : i32
              %sub3A_265 = arith.subi %add3A_213, %sub3A_264 : i32
              %lt3A_266 = vector.broadcast %sub3A_265 : i32 to vector<16xi32>
              %lt3A_267 = arith.cmpi slt, %add3A_263, %lt3A_266 : vector<16xi32>
              tpu.vector_store_idx %arg8[%add3A_260], %get3A_257 masked %lt3A_267 : memref<2128xi32, #tpu.memory_space<vmem>>[vector<16xi32>], vector<16xi32>, vector<16xi1>
              %get3A_268 = arith.constant 2096 : index
              %get3A_269 = tpu.vector_load %arg8[%get3A_268] {strides = array<i32>} : memref<2128xi32, #tpu.memory_space<vmem>>, vector<16xi32>,
              %add3A_270 = arith.constant 48 : i32
              %add3A_271 = vector.broadcast %add3A_270 : i32 to vector<16xi32>
              %add3A_272 = arith.addi %iota3A, %add3A_271 : vector<16xi32>
              %add3A_273 = arith.constant 48 : i32
              %add3A_274 = vector.broadcast %add3A_273 : i32 to vector<16xi32>
              %add3A_275 = arith.addi %iota3A, %add3A_274 : vector<16xi32>
              %sub3A_276 = arith.constant 2048 : i32
              %sub3A_277 = arith.subi %add3A_213, %sub3A_276 : i32
              %lt3A_278 = vector.broadcast %sub3A_277 : i32 to vector<16xi32>
              %lt3A_279 = arith.cmpi slt, %add3A_275, %lt3A_278 : vector<16xi32>
              tpu.vector_store_idx %arg8[%add3A_272], %get3A_269 masked %lt3A_279 : memref<2128xi32, #tpu.memory_space<vmem>>[vector<16xi32>], vector<16xi32>, vector<16xi1>
            } else {
            }
            %sub3A_219 = arith.constant 2048 : i32
            %sub3A_220 = arith.subi %add3A_213, %sub3A_219 : i32
            %select_n3A = arith.select %ge3A_215, %sub3A_220, %add3A_213 : i32
            scf.yield %select_n3A : i32
          }
          %scan3A_121 = arith.constant 32 : i32
          %lt3A_122 = arith.constant 49 : i32
          %lt3A_123 = arith.cmpi slt, %scan3A_85, %lt3A_122 : i32
          %convert_element_type3A_124 = arith.extui %lt3A_123 : i1 to i32
          %cond3A_125 = arith.constant 0 : i32
          %cond3A_126 = arith.cmpi ne, %convert_element_type3A_124, %cond3A_125 : i32
          scf.if %cond3A_126 {
            %add3A_127 = arith.constant 2 : i32
            %add3A_128 = arith.addi %add3A_110, %add3A_127 : i32
            %mul3A_129 = arith.constant 2048 : i32
            %mul3A_130 = arith.muli %add3A_128, %mul3A_129 : i32
            %add3A_131 = arith.addi %mul3A_42, %mul3A_130 : i32
            %dma_start3A_132 = tpu.memref_slice %arg2[%add3A_131] : memref<3276800xi32, #tpu.memory_space<hbm>> -> memref<2048xi32, #tpu.memory_space<hbm>>
            %dma_start3A_133 = tpu.memref_slice %arg2[%add3A_131] : memref<3276800xi32, #tpu.memory_space<hbm>> -> memref<2048xi32, #tpu.memory_space<hbm>>
            tpu.enqueue_dma source(%dma_start3A_133 : memref<2048xi32, #tpu.memory_space<hbm>>) target(%arg6 : memref<2048xi32, #tpu.memory_space<vmem>>) target_semaphore(%arg13 : memref<!tpu.dma_semaphore, #tpu.memory_space<semaphore_mem>>)
          } else {
          }
          scf.yield %scan3A_120 : i32
        }
        %scan3A_56 = arith.constant 50 : i32
        %add3A_57 = arith.constant 1703936 : i32
        %add3A_58 = vector.broadcast %add3A_57 : i32 to vector<16xi32>
        %add3A_59 = arith.addi %add3A_58, %iota3A : vector<16xi32>
        %sub3A = arith.constant 2048 : i32
        %sub3A_60 = arith.subi %sub3A, %scan3A_55 : i32
        %add3A_61 = arith.constant 15 : i32
        %add3A_62 = arith.addi %sub3A_60, %add3A_61 : i32
        %shift_right_arithmetic3A = arith.constant 4 : i32
        %shift_right_arithmetic3A_63 = arith.shrsi %add3A_62, %shift_right_arithmetic3A : i32
        %while3A = arith.constant 0 : i32
        %while3A_64 = arith.constant 0 : i32
        %while3A_65 = arith.subi %shift_right_arithmetic3A_63, %while3A : i32
        %while3A_66 = arith.addi %while3A, %while3A_65 : i32
        %while3A_67 = arith.constant 1 : i32
        %while3A_68 = arith.divsi %while3A_65, %while3A_67 : i32
        %while3A_69 = arith.muli %while3A_68, %while3A_67 : i32
        %while3A_70 = arith.addi %while3A, %while3A_69 : i32
        %while3A_71 = arith.constant 1 : i32
        %while3A_72 = scf.for %while3A_85 = %while3A to %while3A_70 step %while3A_71 iter_args(%while3A_86 = %while3A_64) -> (i32)  : i32 {
          %mul3A_87 = arith.constant 16 : i32
          %mul3A_88 = arith.muli %while3A_85, %mul3A_87 : i32
          %add3A_89 = arith.addi %scan3A_55, %mul3A_88 : i32
          %swap3A = arith.index_cast %add3A_89 : i32 to index
          %swap3A_90 = tpu.vector_load %arg8[%swap3A] {strides = array<i32>} : memref<2128xi32, #tpu.memory_space<vmem>>, vector<16xi32>,
          tpu.vector_store %arg8[%swap3A], %add3A_59 {strides = array<i32>} : memref<2128xi32, #tpu.memory_space<vmem>>, vector<16xi32>,
          %while3A_91 = arith.constant 0 : i32
          scf.yield %while3A_91 : i32
        }
        %while3A_73 = arith.constant 1 : i32
        %while3A_74 = scf.for %while3A_85 = %while3A_70 to %while3A_66 step %while3A_73 iter_args(%while3A_86 = %while3A_72) -> (i32)  : i32 {
          %mul3A_87 = arith.constant 16 : i32
          %mul3A_88 = arith.muli %while3A_85, %mul3A_87 : i32
          %add3A_89 = arith.addi %scan3A_55, %mul3A_88 : i32
          %swap3A = arith.index_cast %add3A_89 : i32 to index
          %swap3A_90 = tpu.vector_load %arg8[%swap3A] {strides = array<i32>} : memref<2128xi32, #tpu.memory_space<vmem>>, vector<16xi32>,
          tpu.vector_store %arg8[%swap3A], %add3A_59 {strides = array<i32>} : memref<2128xi32, #tpu.memory_space<vmem>>, vector<16xi32>,
          %while3A_91 = arith.constant 0 : i32
          scf.yield %while3A_91 : i32
        }
        %scan3A_75 = arith.constant 0 : i32
        %scan3A_76 = arith.constant 0 : i32
        %scan3A_77 = arith.constant 128 : i32
        %scan3A_78 = arith.addi %scan3A_76, %scan3A_77 : i32
        %scan3A_79 = arith.constant 1 : i32
        %scan3A_80 = scf.for %scan3A_85 = %scan3A_76 to %scan3A_78 step %scan3A_79 iter_args(%scan3A_86 = %scan3A_75) -> (i32)  : i32 {
          %mul3A_87 = arith.constant 16 : i32
          %mul3A_88 = arith.muli %scan3A_85, %mul3A_87 : i32
          %get3A = arith.index_cast %mul3A_88 : i32 to index
          %get3A_89 = tpu.vector_load %arg8[%get3A] {strides = array<i32>} : memref<2128xi32, #tpu.memory_space<vmem>>, vector<16xi32>,
          %swap3A = arith.index_cast %mul3A_88 : i32 to index
          %swap3A_90 = tpu.vector_load %arg9[%swap3A] {strides = array<i32>} : memref<2048xi32, #tpu.memory_space<vmem>>, vector<16xi32>,
          tpu.vector_store %arg9[%swap3A], %get3A_89 {strides = array<i32>} : memref<2048xi32, #tpu.memory_space<vmem>>, vector<16xi32>,
          %scan3A_91 = arith.constant 0 : i32
          scf.yield %scan3A_91 : i32
        }
        %scan3A_81 = arith.constant 128 : i32
        %dma_start3A_82 = arith.constant 0 : i32
        %dma_start3A_83 = tpu.memref_slice %arg12[%dma_start3A_82] : memref<1704000xf32, #tpu.memory_space<vmem_shared>> -> memref<1704000xf32, #tpu.memory_space<vmem_shared>>
        tpu.enqueue_indirect_dma source(%arg7 : memref<2048xf32, #tpu.memory_space<vmem>>) target(%dma_start3A_83 : memref<1704000xf32, #tpu.memory_space<vmem_shared>>) offsets(%arg9 : memref<2048xi32, #tpu.memory_space<vmem>>) semaphore(%arg14 : memref<!tpu.dma_semaphore, #tpu.memory_space<semaphore_mem>>) {add = true}
        %dma_wait3A = arith.constant 0 : i32
        %dma_wait3A_84 = tpu.memref_slice %arg12[%dma_wait3A] : memref<1704000xf32, #tpu.memory_space<vmem_shared>> -> memref<1704000xf32, #tpu.memory_space<vmem_shared>>
        tpu.wait_indirect_dma semaphore(%arg14 : memref<!tpu.dma_semaphore, #tpu.memory_space<semaphore_mem>>) src(%arg7 : memref<2048xf32, #tpu.memory_space<vmem>>) dst(%dma_wait3A_84 : memref<1704000xf32, #tpu.memory_space<vmem_shared>>)
      } else {
      }
      %barrier3A_29 = arith.constant 0 : index
      tpu.barrier barrier_id(%barrier3A_29)
      %lt3A_30 = arith.constant 20 : i32
      %lt3A_31 = arith.cmpi slt, %scan3A_13, %lt3A_30 : i32
      %convert_element_type3A_32 = arith.extui %lt3A_31 : i1 to i32
      %cond3A_33 = arith.constant 0 : i32
      %cond3A_34 = arith.cmpi ne, %convert_element_type3A_32, %cond3A_33 : i32
      scf.if %cond3A_34 {
        %mul3A_41 = arith.constant 106496 : i32
        %mul3A_42 = arith.muli %arg1, %mul3A_41 : i32
        %add3A_43 = arith.constant 0 : i32
        %add3A_44 = arith.addi %mul3A_42, %add3A_43 : i32
        %dma_start3A = tpu.memref_slice %arg12[%add3A_44] : memref<1704000xf32, #tpu.memory_space<vmem_shared>> -> memref<6656xf32, #tpu.memory_space<vmem_shared>>
        %dma_start3A_45 = tpu.memref_slice %arg12[%add3A_44] : memref<1704000xf32, #tpu.memory_space<vmem_shared>> -> memref<6656xf32, #tpu.memory_space<vmem_shared>>
        tpu.enqueue_dma source(%dma_start3A_45 : memref<6656xf32, #tpu.memory_space<vmem_shared>>) target(%arg10 : memref<6656xf32, #tpu.memory_space<vmem>>) target_semaphore(%arg15 : memref<!tpu.dma_semaphore, #tpu.memory_space<semaphore_mem>>)
        %mul3A_46 = arith.constant 106496 : i32
        %mul3A_47 = arith.muli %arg1, %mul3A_46 : i32
        %add3A_48 = arith.constant 6656 : i32
        %add3A_49 = arith.addi %mul3A_47, %add3A_48 : i32
        %dma_start3A_50 = tpu.memref_slice %arg12[%add3A_49] : memref<1704000xf32, #tpu.memory_space<vmem_shared>> -> memref<6656xf32, #tpu.memory_space<vmem_shared>>
        %dma_start3A_51 = tpu.memref_slice %arg12[%add3A_49] : memref<1704000xf32, #tpu.memory_space<vmem_shared>> -> memref<6656xf32, #tpu.memory_space<vmem_shared>>
        tpu.enqueue_dma source(%dma_start3A_51 : memref<6656xf32, #tpu.memory_space<vmem_shared>>) target(%arg11 : memref<6656xf32, #tpu.memory_space<vmem>>) target_semaphore(%arg15 : memref<!tpu.dma_semaphore, #tpu.memory_space<semaphore_mem>>)
        %dma_wait3A = tpu.memref_slice %arg12[%add3A_44] : memref<1704000xf32, #tpu.memory_space<vmem_shared>> -> memref<6656xf32, #tpu.memory_space<vmem_shared>>
        %dma_wait3A_52 = tpu.memref_slice %arg12[%add3A_44] : memref<1704000xf32, #tpu.memory_space<vmem_shared>> -> memref<6656xf32, #tpu.memory_space<vmem_shared>>
        tpu.wait_dma2 semaphore(%arg15 : memref<!tpu.dma_semaphore, #tpu.memory_space<semaphore_mem>>) src(%dma_wait3A_52 : memref<6656xf32, #tpu.memory_space<vmem_shared>>) dst(%arg10 : memref<6656xf32, #tpu.memory_space<vmem>>)
        %mul3A_53 = arith.constant 106496 : i32
        %mul3A_54 = arith.muli %arg1, %mul3A_53 : i32
        %add3A_55 = arith.addi %mul3A_17, %mul3A_54 : i32
        %add3A_56 = arith.constant 0 : i32
        %add3A_57 = arith.addi %add3A_55, %add3A_56 : i32
        %dma_start3A_58 = tpu.memref_slice %arg4[%add3A_57] : memref<71402500xf32, #tpu.memory_space<hbm>> -> memref<6656xf32, #tpu.memory_space<hbm>>
        %dma_start3A_59 = tpu.memref_slice %arg4[%add3A_57] : memref<71402500xf32, #tpu.memory_space<hbm>> -> memref<6656xf32, #tpu.memory_space<hbm>>
        tpu.enqueue_dma source(%arg10 : memref<6656xf32, #tpu.memory_space<vmem>>) target(%dma_start3A_59 : memref<6656xf32, #tpu.memory_space<hbm>>) target_semaphore(%arg16 : memref<!tpu.dma_semaphore, #tpu.memory_space<semaphore_mem>>)
        %dma_wait3A_60 = tpu.memref_slice %arg4[%add3A_57] : memref<71402500xf32, #tpu.memory_space<hbm>> -> memref<6656xf32, #tpu.memory_space<hbm>>
        %dma_wait3A_61 = tpu.memref_slice %arg4[%add3A_57] : memref<71402500xf32, #tpu.memory_space<hbm>> -> memref<6656xf32, #tpu.memory_space<hbm>>
        tpu.wait_dma2 semaphore(%arg16 : memref<!tpu.dma_semaphore, #tpu.memory_space<semaphore_mem>>) src(%arg10 : memref<6656xf32, #tpu.memory_space<vmem>>) dst(%dma_wait3A_61 : memref<6656xf32, #tpu.memory_space<hbm>>)
        %mul3A_62 = arith.constant 106496 : i32
        %mul3A_63 = arith.muli %arg1, %mul3A_62 : i32
        %add3A_64 = arith.constant 13312 : i32
        %add3A_65 = arith.addi %mul3A_63, %add3A_64 : i32
        %dma_start3A_66 = tpu.memref_slice %arg12[%add3A_65] : memref<1704000xf32, #tpu.memory_space<vmem_shared>> -> memref<6656xf32, #tpu.memory_space<vmem_shared>>
        %dma_start3A_67 = tpu.memref_slice %arg12[%add3A_65] : memref<1704000xf32, #tpu.memory_space<vmem_shared>> -> memref<6656xf32, #tpu.memory_space<vmem_shared>>
        tpu.enqueue_dma source(%dma_start3A_67 : memref<6656xf32, #tpu.memory_space<vmem_shared>>) target(%arg10 : memref<6656xf32, #tpu.memory_space<vmem>>) target_semaphore(%arg15 : memref<!tpu.dma_semaphore, #tpu.memory_space<semaphore_mem>>)
        %dma_wait3A_68 = tpu.memref_slice %arg12[%add3A_49] : memref<1704000xf32, #tpu.memory_space<vmem_shared>> -> memref<6656xf32, #tpu.memory_space<vmem_shared>>
        %dma_wait3A_69 = tpu.memref_slice %arg12[%add3A_49] : memref<1704000xf32, #tpu.memory_space<vmem_shared>> -> memref<6656xf32, #tpu.memory_space<vmem_shared>>
        tpu.wait_dma2 semaphore(%arg15 : memref<!tpu.dma_semaphore, #tpu.memory_space<semaphore_mem>>) src(%dma_wait3A_69 : memref<6656xf32, #tpu.memory_space<vmem_shared>>) dst(%arg11 : memref<6656xf32, #tpu.memory_space<vmem>>)
        %mul3A_70 = arith.constant 106496 : i32
        %mul3A_71 = arith.muli %arg1, %mul3A_70 : i32
        %add3A_72 = arith.addi %mul3A_17, %mul3A_71 : i32
        %add3A_73 = arith.constant 6656 : i32
        %add3A_74 = arith.addi %add3A_72, %add3A_73 : i32
        %dma_start3A_75 = tpu.memref_slice %arg4[%add3A_74] : memref<71402500xf32, #tpu.memory_space<hbm>> -> memref<6656xf32, #tpu.memory_space<hbm>>
        %dma_start3A_76 = tpu.memref_slice %arg4[%add3A_74] : memref<71402500xf32, #tpu.memory_space<hbm>> -> memref<6656xf32, #tpu.memory_space<hbm>>
        tpu.enqueue_dma source(%arg11 : memref<6656xf32, #tpu.memory_space<vmem>>) target(%dma_start3A_76 : memref<6656xf32, #tpu.memory_space<hbm>>) target_semaphore(%arg16 : memref<!tpu.dma_semaphore, #tpu.memory_space<semaphore_mem>>)
        %dma_wait3A_77 = tpu.memref_slice %arg4[%add3A_74] : memref<71402500xf32, #tpu.memory_space<hbm>> -> memref<6656xf32, #tpu.memory_space<hbm>>
        %dma_wait3A_78 = tpu.memref_slice %arg4[%add3A_74] : memref<71402500xf32, #tpu.memory_space<hbm>> -> memref<6656xf32, #tpu.memory_space<hbm>>
        tpu.wait_dma2 semaphore(%arg16 : memref<!tpu.dma_semaphore, #tpu.memory_space<semaphore_mem>>) src(%arg11 : memref<6656xf32, #tpu.memory_space<vmem>>) dst(%dma_wait3A_78 : memref<6656xf32, #tpu.memory_space<hbm>>)
        %mul3A_79 = arith.constant 106496 : i32
        %mul3A_80 = arith.muli %arg1, %mul3A_79 : i32
        %add3A_81 = arith.constant 19968 : i32
        %add3A_82 = arith.addi %mul3A_80, %add3A_81 : i32
        %dma_start3A_83 = tpu.memref_slice %arg12[%add3A_82] : memref<1704000xf32, #tpu.memory_space<vmem_shared>> -> memref<6656xf32, #tpu.memory_space<vmem_shared>>
        %dma_start3A_84 = tpu.memref_slice %arg12[%add3A_82] : memref<1704000xf32, #tpu.memory_space<vmem_shared>> -> memref<6656xf32, #tpu.memory_space<vmem_shared>>
        tpu.enqueue_dma source(%dma_start3A_84 : memref<6656xf32, #tpu.memory_space<vmem_shared>>) target(%arg11 : memref<6656xf32, #tpu.memory_space<vmem>>) target_semaphore(%arg15 : memref<!tpu.dma_semaphore, #tpu.memory_space<semaphore_mem>>)
        %dma_wait3A_85 = tpu.memref_slice %arg12[%add3A_65] : memref<1704000xf32, #tpu.memory_space<vmem_shared>> -> memref<6656xf32, #tpu.memory_space<vmem_shared>>
        %dma_wait3A_86 = tpu.memref_slice %arg12[%add3A_65] : memref<1704000xf32, #tpu.memory_space<vmem_shared>> -> memref<6656xf32, #tpu.memory_space<vmem_shared>>
        tpu.wait_dma2 semaphore(%arg15 : memref<!tpu.dma_semaphore, #tpu.memory_space<semaphore_mem>>) src(%dma_wait3A_86 : memref<6656xf32, #tpu.memory_space<vmem_shared>>) dst(%arg10 : memref<6656xf32, #tpu.memory_space<vmem>>)
        %mul3A_87 = arith.constant 106496 : i32
        %mul3A_88 = arith.muli %arg1, %mul3A_87 : i32
        %add3A_89 = arith.addi %mul3A_17, %mul3A_88 : i32
        %add3A_90 = arith.constant 13312 : i32
        %add3A_91 = arith.addi %add3A_89, %add3A_90 : i32
        %dma_start3A_92 = tpu.memref_slice %arg4[%add3A_91] : memref<71402500xf32, #tpu.memory_space<hbm>> -> memref<6656xf32, #tpu.memory_space<hbm>>
        %dma_start3A_93 = tpu.memref_slice %arg4[%add3A_91] : memref<71402500xf32, #tpu.memory_space<hbm>> -> memref<6656xf32, #tpu.memory_space<hbm>>
        tpu.enqueue_dma source(%arg10 : memref<6656xf32, #tpu.memory_space<vmem>>) target(%dma_start3A_93 : memref<6656xf32, #tpu.memory_space<hbm>>) target_semaphore(%arg16 : memref<!tpu.dma_semaphore, #tpu.memory_space<semaphore_mem>>)
        %dma_wait3A_94 = tpu.memref_slice %arg4[%add3A_91] : memref<71402500xf32, #tpu.memory_space<hbm>> -> memref<6656xf32, #tpu.memory_space<hbm>>
        %dma_wait3A_95 = tpu.memref_slice %arg4[%add3A_91] : memref<71402500xf32, #tpu.memory_space<hbm>> -> memref<6656xf32, #tpu.memory_space<hbm>>
        tpu.wait_dma2 semaphore(%arg16 : memref<!tpu.dma_semaphore, #tpu.memory_space<semaphore_mem>>) src(%arg10 : memref<6656xf32, #tpu.memory_space<vmem>>) dst(%dma_wait3A_95 : memref<6656xf32, #tpu.memory_space<hbm>>)
        %mul3A_96 = arith.constant 106496 : i32
        %mul3A_97 = arith.muli %arg1, %mul3A_96 : i32
        %add3A_98 = arith.constant 26624 : i32
        %add3A_99 = arith.addi %mul3A_97, %add3A_98 : i32
        %dma_start3A_100 = tpu.memref_slice %arg12[%add3A_99] : memref<1704000xf32, #tpu.memory_space<vmem_shared>> -> memref<6656xf32, #tpu.memory_space<vmem_shared>>
        %dma_start3A_101 = tpu.memref_slice %arg12[%add3A_99] : memref<1704000xf32, #tpu.memory_space<vmem_shared>> -> memref<6656xf32, #tpu.memory_space<vmem_shared>>
        tpu.enqueue_dma source(%dma_start3A_101 : memref<6656xf32, #tpu.memory_space<vmem_shared>>) target(%arg10 : memref<6656xf32, #tpu.memory_space<vmem>>) target_semaphore(%arg15 : memref<!tpu.dma_semaphore, #tpu.memory_space<semaphore_mem>>)
        %dma_wait3A_102 = tpu.memref_slice %arg12[%add3A_82] : memref<1704000xf32, #tpu.memory_space<vmem_shared>> -> memref<6656xf32, #tpu.memory_space<vmem_shared>>
        %dma_wait3A_103 = tpu.memref_slice %arg12[%add3A_82] : memref<1704000xf32, #tpu.memory_space<vmem_shared>> -> memref<6656xf32, #tpu.memory_space<vmem_shared>>
        tpu.wait_dma2 semaphore(%arg15 : memref<!tpu.dma_semaphore, #tpu.memory_space<semaphore_mem>>) src(%dma_wait3A_103 : memref<6656xf32, #tpu.memory_space<vmem_shared>>) dst(%arg11 : memref<6656xf32, #tpu.memory_space<vmem>>)
        %mul3A_104 = arith.constant 106496 : i32
        %mul3A_105 = arith.muli %arg1, %mul3A_104 : i32
        %add3A_106 = arith.addi %mul3A_17, %mul3A_105 : i32
        %add3A_107 = arith.constant 19968 : i32
        %add3A_108 = arith.addi %add3A_106, %add3A_107 : i32
        %dma_start3A_109 = tpu.memref_slice %arg4[%add3A_108] : memref<71402500xf32, #tpu.memory_space<hbm>> -> memref<6656xf32, #tpu.memory_space<hbm>>
        %dma_start3A_110 = tpu.memref_slice %arg4[%add3A_108] : memref<71402500xf32, #tpu.memory_space<hbm>> -> memref<6656xf32, #tpu.memory_space<hbm>>
        tpu.enqueue_dma source(%arg11 : memref<6656xf32, #tpu.memory_space<vmem>>) target(%dma_start3A_110 : memref<6656xf32, #tpu.memory_space<hbm>>) target_semaphore(%arg16 : memref<!tpu.dma_semaphore, #tpu.memory_space<semaphore_mem>>)
        %dma_wait3A_111 = tpu.memref_slice %arg4[%add3A_108] : memref<71402500xf32, #tpu.memory_space<hbm>> -> memref<6656xf32, #tpu.memory_space<hbm>>
        %dma_wait3A_112 = tpu.memref_slice %arg4[%add3A_108] : memref<71402500xf32, #tpu.memory_space<hbm>> -> memref<6656xf32, #tpu.memory_space<hbm>>
        tpu.wait_dma2 semaphore(%arg16 : memref<!tpu.dma_semaphore, #tpu.memory_space<semaphore_mem>>) src(%arg11 : memref<6656xf32, #tpu.memory_space<vmem>>) dst(%dma_wait3A_112 : memref<6656xf32, #tpu.memory_space<hbm>>)
        %mul3A_113 = arith.constant 106496 : i32
        %mul3A_114 = arith.muli %arg1, %mul3A_113 : i32
        %add3A_115 = arith.constant 33280 : i32
        %add3A_116 = arith.addi %mul3A_114, %add3A_115 : i32
        %dma_start3A_117 = tpu.memref_slice %arg12[%add3A_116] : memref<1704000xf32, #tpu.memory_space<vmem_shared>> -> memref<6656xf32, #tpu.memory_space<vmem_shared>>
        %dma_start3A_118 = tpu.memref_slice %arg12[%add3A_116] : memref<1704000xf32, #tpu.memory_space<vmem_shared>> -> memref<6656xf32, #tpu.memory_space<vmem_shared>>
        tpu.enqueue_dma source(%dma_start3A_118 : memref<6656xf32, #tpu.memory_space<vmem_shared>>) target(%arg11 : memref<6656xf32, #tpu.memory_space<vmem>>) target_semaphore(%arg15 : memref<!tpu.dma_semaphore, #tpu.memory_space<semaphore_mem>>)
        %dma_wait3A_119 = tpu.memref_slice %arg12[%add3A_99] : memref<1704000xf32, #tpu.memory_space<vmem_shared>> -> memref<6656xf32, #tpu.memory_space<vmem_shared>>
        %dma_wait3A_120 = tpu.memref_slice %arg12[%add3A_99] : memref<1704000xf32, #tpu.memory_space<vmem_shared>> -> memref<6656xf32, #tpu.memory_space<vmem_shared>>
        tpu.wait_dma2 semaphore(%arg15 : memref<!tpu.dma_semaphore, #tpu.memory_space<semaphore_mem>>) src(%dma_wait3A_120 : memref<6656xf32, #tpu.memory_space<vmem_shared>>) dst(%arg10 : memref<6656xf32, #tpu.memory_space<vmem>>)
        %mul3A_121 = arith.constant 106496 : i32
        %mul3A_122 = arith.muli %arg1, %mul3A_121 : i32
        %add3A_123 = arith.addi %mul3A_17, %mul3A_122 : i32
        %add3A_124 = arith.constant 26624 : i32
        %add3A_125 = arith.addi %add3A_123, %add3A_124 : i32
        %dma_start3A_126 = tpu.memref_slice %arg4[%add3A_125] : memref<71402500xf32, #tpu.memory_space<hbm>> -> memref<6656xf32, #tpu.memory_space<hbm>>
        %dma_start3A_127 = tpu.memref_slice %arg4[%add3A_125] : memref<71402500xf32, #tpu.memory_space<hbm>> -> memref<6656xf32, #tpu.memory_space<hbm>>
        tpu.enqueue_dma source(%arg10 : memref<6656xf32, #tpu.memory_space<vmem>>) target(%dma_start3A_127 : memref<6656xf32, #tpu.memory_space<hbm>>) target_semaphore(%arg16 : memref<!tpu.dma_semaphore, #tpu.memory_space<semaphore_mem>>)
        %dma_wait3A_128 = tpu.memref_slice %arg4[%add3A_125] : memref<71402500xf32, #tpu.memory_space<hbm>> -> memref<6656xf32, #tpu.memory_space<hbm>>
        %dma_wait3A_129 = tpu.memref_slice %arg4[%add3A_125] : memref<71402500xf32, #tpu.memory_space<hbm>> -> memref<6656xf32, #tpu.memory_space<hbm>>
        tpu.wait_dma2 semaphore(%arg16 : memref<!tpu.dma_semaphore, #tpu.memory_space<semaphore_mem>>) src(%arg10 : memref<6656xf32, #tpu.memory_space<vmem>>) dst(%dma_wait3A_129 : memref<6656xf32, #tpu.memory_space<hbm>>)
        %mul3A_130 = arith.constant 106496 : i32
        %mul3A_131 = arith.muli %arg1, %mul3A_130 : i32
        %add3A_132 = arith.constant 39936 : i32
        %add3A_133 = arith.addi %mul3A_131, %add3A_132 : i32
        %dma_start3A_134 = tpu.memref_slice %arg12[%add3A_133] : memref<1704000xf32, #tpu.memory_space<vmem_shared>> -> memref<6656xf32, #tpu.memory_space<vmem_shared>>
        %dma_start3A_135 = tpu.memref_slice %arg12[%add3A_133] : memref<1704000xf32, #tpu.memory_space<vmem_shared>> -> memref<6656xf32, #tpu.memory_space<vmem_shared>>
        tpu.enqueue_dma source(%dma_start3A_135 : memref<6656xf32, #tpu.memory_space<vmem_shared>>) target(%arg10 : memref<6656xf32, #tpu.memory_space<vmem>>) target_semaphore(%arg15 : memref<!tpu.dma_semaphore, #tpu.memory_space<semaphore_mem>>)
        %dma_wait3A_136 = tpu.memref_slice %arg12[%add3A_116] : memref<1704000xf32, #tpu.memory_space<vmem_shared>> -> memref<6656xf32, #tpu.memory_space<vmem_shared>>
        %dma_wait3A_137 = tpu.memref_slice %arg12[%add3A_116] : memref<1704000xf32, #tpu.memory_space<vmem_shared>> -> memref<6656xf32, #tpu.memory_space<vmem_shared>>
        tpu.wait_dma2 semaphore(%arg15 : memref<!tpu.dma_semaphore, #tpu.memory_space<semaphore_mem>>) src(%dma_wait3A_137 : memref<6656xf32, #tpu.memory_space<vmem_shared>>) dst(%arg11 : memref<6656xf32, #tpu.memory_space<vmem>>)
        %mul3A_138 = arith.constant 106496 : i32
        %mul3A_139 = arith.muli %arg1, %mul3A_138 : i32
        %add3A_140 = arith.addi %mul3A_17, %mul3A_139 : i32
        %add3A_141 = arith.constant 33280 : i32
        %add3A_142 = arith.addi %add3A_140, %add3A_141 : i32
        %dma_start3A_143 = tpu.memref_slice %arg4[%add3A_142] : memref<71402500xf32, #tpu.memory_space<hbm>> -> memref<6656xf32, #tpu.memory_space<hbm>>
        %dma_start3A_144 = tpu.memref_slice %arg4[%add3A_142] : memref<71402500xf32, #tpu.memory_space<hbm>> -> memref<6656xf32, #tpu.memory_space<hbm>>
        tpu.enqueue_dma source(%arg11 : memref<6656xf32, #tpu.memory_space<vmem>>) target(%dma_start3A_144 : memref<6656xf32, #tpu.memory_space<hbm>>) target_semaphore(%arg16 : memref<!tpu.dma_semaphore, #tpu.memory_space<semaphore_mem>>)
        %dma_wait3A_145 = tpu.memref_slice %arg4[%add3A_142] : memref<71402500xf32, #tpu.memory_space<hbm>> -> memref<6656xf32, #tpu.memory_space<hbm>>
        %dma_wait3A_146 = tpu.memref_slice %arg4[%add3A_142] : memref<71402500xf32, #tpu.memory_space<hbm>> -> memref<6656xf32, #tpu.memory_space<hbm>>
        tpu.wait_dma2 semaphore(%arg16 : memref<!tpu.dma_semaphore, #tpu.memory_space<semaphore_mem>>) src(%arg11 : memref<6656xf32, #tpu.memory_space<vmem>>) dst(%dma_wait3A_146 : memref<6656xf32, #tpu.memory_space<hbm>>)
        %mul3A_147 = arith.constant 106496 : i32
        %mul3A_148 = arith.muli %arg1, %mul3A_147 : i32
        %add3A_149 = arith.constant 46592 : i32
        %add3A_150 = arith.addi %mul3A_148, %add3A_149 : i32
        %dma_start3A_151 = tpu.memref_slice %arg12[%add3A_150] : memref<1704000xf32, #tpu.memory_space<vmem_shared>> -> memref<6656xf32, #tpu.memory_space<vmem_shared>>
        %dma_start3A_152 = tpu.memref_slice %arg12[%add3A_150] : memref<1704000xf32, #tpu.memory_space<vmem_shared>> -> memref<6656xf32, #tpu.memory_space<vmem_shared>>
        tpu.enqueue_dma source(%dma_start3A_152 : memref<6656xf32, #tpu.memory_space<vmem_shared>>) target(%arg11 : memref<6656xf32, #tpu.memory_space<vmem>>) target_semaphore(%arg15 : memref<!tpu.dma_semaphore, #tpu.memory_space<semaphore_mem>>)
        %dma_wait3A_153 = tpu.memref_slice %arg12[%add3A_133] : memref<1704000xf32, #tpu.memory_space<vmem_shared>> -> memref<6656xf32, #tpu.memory_space<vmem_shared>>
        %dma_wait3A_154 = tpu.memref_slice %arg12[%add3A_133] : memref<1704000xf32, #tpu.memory_space<vmem_shared>> -> memref<6656xf32, #tpu.memory_space<vmem_shared>>
        tpu.wait_dma2 semaphore(%arg15 : memref<!tpu.dma_semaphore, #tpu.memory_space<semaphore_mem>>) src(%dma_wait3A_154 : memref<6656xf32, #tpu.memory_space<vmem_shared>>) dst(%arg10 : memref<6656xf32, #tpu.memory_space<vmem>>)
        %mul3A_155 = arith.constant 106496 : i32
        %mul3A_156 = arith.muli %arg1, %mul3A_155 : i32
        %add3A_157 = arith.addi %mul3A_17, %mul3A_156 : i32
        %add3A_158 = arith.constant 39936 : i32
        %add3A_159 = arith.addi %add3A_157, %add3A_158 : i32
        %dma_start3A_160 = tpu.memref_slice %arg4[%add3A_159] : memref<71402500xf32, #tpu.memory_space<hbm>> -> memref<6656xf32, #tpu.memory_space<hbm>>
        %dma_start3A_161 = tpu.memref_slice %arg4[%add3A_159] : memref<71402500xf32, #tpu.memory_space<hbm>> -> memref<6656xf32, #tpu.memory_space<hbm>>
        tpu.enqueue_dma source(%arg10 : memref<6656xf32, #tpu.memory_space<vmem>>) target(%dma_start3A_161 : memref<6656xf32, #tpu.memory_space<hbm>>) target_semaphore(%arg16 : memref<!tpu.dma_semaphore, #tpu.memory_space<semaphore_mem>>)
        %dma_wait3A_162 = tpu.memref_slice %arg4[%add3A_159] : memref<71402500xf32, #tpu.memory_space<hbm>> -> memref<6656xf32, #tpu.memory_space<hbm>>
        %dma_wait3A_163 = tpu.memref_slice %arg4[%add3A_159] : memref<71402500xf32, #tpu.memory_space<hbm>> -> memref<6656xf32, #tpu.memory_space<hbm>>
        tpu.wait_dma2 semaphore(%arg16 : memref<!tpu.dma_semaphore, #tpu.memory_space<semaphore_mem>>) src(%arg10 : memref<6656xf32, #tpu.memory_space<vmem>>) dst(%dma_wait3A_163 : memref<6656xf32, #tpu.memory_space<hbm>>)
        %mul3A_164 = arith.constant 106496 : i32
        %mul3A_165 = arith.muli %arg1, %mul3A_164 : i32
        %add3A_166 = arith.constant 53248 : i32
        %add3A_167 = arith.addi %mul3A_165, %add3A_166 : i32
        %dma_start3A_168 = tpu.memref_slice %arg12[%add3A_167] : memref<1704000xf32, #tpu.memory_space<vmem_shared>> -> memref<6656xf32, #tpu.memory_space<vmem_shared>>
        %dma_start3A_169 = tpu.memref_slice %arg12[%add3A_167] : memref<1704000xf32, #tpu.memory_space<vmem_shared>> -> memref<6656xf32, #tpu.memory_space<vmem_shared>>
        tpu.enqueue_dma source(%dma_start3A_169 : memref<6656xf32, #tpu.memory_space<vmem_shared>>) target(%arg10 : memref<6656xf32, #tpu.memory_space<vmem>>) target_semaphore(%arg15 : memref<!tpu.dma_semaphore, #tpu.memory_space<semaphore_mem>>)
        %dma_wait3A_170 = tpu.memref_slice %arg12[%add3A_150] : memref<1704000xf32, #tpu.memory_space<vmem_shared>> -> memref<6656xf32, #tpu.memory_space<vmem_shared>>
        %dma_wait3A_171 = tpu.memref_slice %arg12[%add3A_150] : memref<1704000xf32, #tpu.memory_space<vmem_shared>> -> memref<6656xf32, #tpu.memory_space<vmem_shared>>
        tpu.wait_dma2 semaphore(%arg15 : memref<!tpu.dma_semaphore, #tpu.memory_space<semaphore_mem>>) src(%dma_wait3A_171 : memref<6656xf32, #tpu.memory_space<vmem_shared>>) dst(%arg11 : memref<6656xf32, #tpu.memory_space<vmem>>)
        %mul3A_172 = arith.constant 106496 : i32
        %mul3A_173 = arith.muli %arg1, %mul3A_172 : i32
        %add3A_174 = arith.addi %mul3A_17, %mul3A_173 : i32
        %add3A_175 = arith.constant 46592 : i32
        %add3A_176 = arith.addi %add3A_174, %add3A_175 : i32
        %dma_start3A_177 = tpu.memref_slice %arg4[%add3A_176] : memref<71402500xf32, #tpu.memory_space<hbm>> -> memref<6656xf32, #tpu.memory_space<hbm>>
        %dma_start3A_178 = tpu.memref_slice %arg4[%add3A_176] : memref<71402500xf32, #tpu.memory_space<hbm>> -> memref<6656xf32, #tpu.memory_space<hbm>>
        tpu.enqueue_dma source(%arg11 : memref<6656xf32, #tpu.memory_space<vmem>>) target(%dma_start3A_178 : memref<6656xf32, #tpu.memory_space<hbm>>) target_semaphore(%arg16 : memref<!tpu.dma_semaphore, #tpu.memory_space<semaphore_mem>>)
        %dma_wait3A_179 = tpu.memref_slice %arg4[%add3A_176] : memref<71402500xf32, #tpu.memory_space<hbm>> -> memref<6656xf32, #tpu.memory_space<hbm>>
        %dma_wait3A_180 = tpu.memref_slice %arg4[%add3A_176] : memref<71402500xf32, #tpu.memory_space<hbm>> -> memref<6656xf32, #tpu.memory_space<hbm>>
        tpu.wait_dma2 semaphore(%arg16 : memref<!tpu.dma_semaphore, #tpu.memory_space<semaphore_mem>>) src(%arg11 : memref<6656xf32, #tpu.memory_space<vmem>>) dst(%dma_wait3A_180 : memref<6656xf32, #tpu.memory_space<hbm>>)
        %mul3A_181 = arith.constant 106496 : i32
        %mul3A_182 = arith.muli %arg1, %mul3A_181 : i32
        %add3A_183 = arith.constant 59904 : i32
        %add3A_184 = arith.addi %mul3A_182, %add3A_183 : i32
        %dma_start3A_185 = tpu.memref_slice %arg12[%add3A_184] : memref<1704000xf32, #tpu.memory_space<vmem_shared>> -> memref<6656xf32, #tpu.memory_space<vmem_shared>>
        %dma_start3A_186 = tpu.memref_slice %arg12[%add3A_184] : memref<1704000xf32, #tpu.memory_space<vmem_shared>> -> memref<6656xf32, #tpu.memory_space<vmem_shared>>
        tpu.enqueue_dma source(%dma_start3A_186 : memref<6656xf32, #tpu.memory_space<vmem_shared>>) target(%arg11 : memref<6656xf32, #tpu.memory_space<vmem>>) target_semaphore(%arg15 : memref<!tpu.dma_semaphore, #tpu.memory_space<semaphore_mem>>)
        %dma_wait3A_187 = tpu.memref_slice %arg12[%add3A_167] : memref<1704000xf32, #tpu.memory_space<vmem_shared>> -> memref<6656xf32, #tpu.memory_space<vmem_shared>>
        %dma_wait3A_188 = tpu.memref_slice %arg12[%add3A_167] : memref<1704000xf32, #tpu.memory_space<vmem_shared>> -> memref<6656xf32, #tpu.memory_space<vmem_shared>>
        tpu.wait_dma2 semaphore(%arg15 : memref<!tpu.dma_semaphore, #tpu.memory_space<semaphore_mem>>) src(%dma_wait3A_188 : memref<6656xf32, #tpu.memory_space<vmem_shared>>) dst(%arg10 : memref<6656xf32, #tpu.memory_space<vmem>>)
        %mul3A_189 = arith.constant 106496 : i32
        %mul3A_190 = arith.muli %arg1, %mul3A_189 : i32
        %add3A_191 = arith.addi %mul3A_17, %mul3A_190 : i32
        %add3A_192 = arith.constant 53248 : i32
        %add3A_193 = arith.addi %add3A_191, %add3A_192 : i32
        %dma_start3A_194 = tpu.memref_slice %arg4[%add3A_193] : memref<71402500xf32, #tpu.memory_space<hbm>> -> memref<6656xf32, #tpu.memory_space<hbm>>
        %dma_start3A_195 = tpu.memref_slice %arg4[%add3A_193] : memref<71402500xf32, #tpu.memory_space<hbm>> -> memref<6656xf32, #tpu.memory_space<hbm>>
        tpu.enqueue_dma source(%arg10 : memref<6656xf32, #tpu.memory_space<vmem>>) target(%dma_start3A_195 : memref<6656xf32, #tpu.memory_space<hbm>>) target_semaphore(%arg16 : memref<!tpu.dma_semaphore, #tpu.memory_space<semaphore_mem>>)
        %dma_wait3A_196 = tpu.memref_slice %arg4[%add3A_193] : memref<71402500xf32, #tpu.memory_space<hbm>> -> memref<6656xf32, #tpu.memory_space<hbm>>
        %dma_wait3A_197 = tpu.memref_slice %arg4[%add3A_193] : memref<71402500xf32, #tpu.memory_space<hbm>> -> memref<6656xf32, #tpu.memory_space<hbm>>
        tpu.wait_dma2 semaphore(%arg16 : memref<!tpu.dma_semaphore, #tpu.memory_space<semaphore_mem>>) src(%arg10 : memref<6656xf32, #tpu.memory_space<vmem>>) dst(%dma_wait3A_197 : memref<6656xf32, #tpu.memory_space<hbm>>)
        %mul3A_198 = arith.constant 106496 : i32
        %mul3A_199 = arith.muli %arg1, %mul3A_198 : i32
        %add3A_200 = arith.constant 66560 : i32
        %add3A_201 = arith.addi %mul3A_199, %add3A_200 : i32
        %dma_start3A_202 = tpu.memref_slice %arg12[%add3A_201] : memref<1704000xf32, #tpu.memory_space<vmem_shared>> -> memref<6656xf32, #tpu.memory_space<vmem_shared>>
        %dma_start3A_203 = tpu.memref_slice %arg12[%add3A_201] : memref<1704000xf32, #tpu.memory_space<vmem_shared>> -> memref<6656xf32, #tpu.memory_space<vmem_shared>>
        tpu.enqueue_dma source(%dma_start3A_203 : memref<6656xf32, #tpu.memory_space<vmem_shared>>) target(%arg10 : memref<6656xf32, #tpu.memory_space<vmem>>) target_semaphore(%arg15 : memref<!tpu.dma_semaphore, #tpu.memory_space<semaphore_mem>>)
        %dma_wait3A_204 = tpu.memref_slice %arg12[%add3A_184] : memref<1704000xf32, #tpu.memory_space<vmem_shared>> -> memref<6656xf32, #tpu.memory_space<vmem_shared>>
        %dma_wait3A_205 = tpu.memref_slice %arg12[%add3A_184] : memref<1704000xf32, #tpu.memory_space<vmem_shared>> -> memref<6656xf32, #tpu.memory_space<vmem_shared>>
        tpu.wait_dma2 semaphore(%arg15 : memref<!tpu.dma_semaphore, #tpu.memory_space<semaphore_mem>>) src(%dma_wait3A_205 : memref<6656xf32, #tpu.memory_space<vmem_shared>>) dst(%arg11 : memref<6656xf32, #tpu.memory_space<vmem>>)
        %mul3A_206 = arith.constant 106496 : i32
        %mul3A_207 = arith.muli %arg1, %mul3A_206 : i32
        %add3A_208 = arith.addi %mul3A_17, %mul3A_207 : i32
        %add3A_209 = arith.constant 59904 : i32
        %add3A_210 = arith.addi %add3A_208, %add3A_209 : i32
        %dma_start3A_211 = tpu.memref_slice %arg4[%add3A_210] : memref<71402500xf32, #tpu.memory_space<hbm>> -> memref<6656xf32, #tpu.memory_space<hbm>>
        %dma_start3A_212 = tpu.memref_slice %arg4[%add3A_210] : memref<71402500xf32, #tpu.memory_space<hbm>> -> memref<6656xf32, #tpu.memory_space<hbm>>
        tpu.enqueue_dma source(%arg11 : memref<6656xf32, #tpu.memory_space<vmem>>) target(%dma_start3A_212 : memref<6656xf32, #tpu.memory_space<hbm>>) target_semaphore(%arg16 : memref<!tpu.dma_semaphore, #tpu.memory_space<semaphore_mem>>)
        %dma_wait3A_213 = tpu.memref_slice %arg4[%add3A_210] : memref<71402500xf32, #tpu.memory_space<hbm>> -> memref<6656xf32, #tpu.memory_space<hbm>>
        %dma_wait3A_214 = tpu.memref_slice %arg4[%add3A_210] : memref<71402500xf32, #tpu.memory_space<hbm>> -> memref<6656xf32, #tpu.memory_space<hbm>>
        tpu.wait_dma2 semaphore(%arg16 : memref<!tpu.dma_semaphore, #tpu.memory_space<semaphore_mem>>) src(%arg11 : memref<6656xf32, #tpu.memory_space<vmem>>) dst(%dma_wait3A_214 : memref<6656xf32, #tpu.memory_space<hbm>>)
        %mul3A_215 = arith.constant 106496 : i32
        %mul3A_216 = arith.muli %arg1, %mul3A_215 : i32
        %add3A_217 = arith.constant 73216 : i32
        %add3A_218 = arith.addi %mul3A_216, %add3A_217 : i32
        %dma_start3A_219 = tpu.memref_slice %arg12[%add3A_218] : memref<1704000xf32, #tpu.memory_space<vmem_shared>> -> memref<6656xf32, #tpu.memory_space<vmem_shared>>
        %dma_start3A_220 = tpu.memref_slice %arg12[%add3A_218] : memref<1704000xf32, #tpu.memory_space<vmem_shared>> -> memref<6656xf32, #tpu.memory_space<vmem_shared>>
        tpu.enqueue_dma source(%dma_start3A_220 : memref<6656xf32, #tpu.memory_space<vmem_shared>>) target(%arg11 : memref<6656xf32, #tpu.memory_space<vmem>>) target_semaphore(%arg15 : memref<!tpu.dma_semaphore, #tpu.memory_space<semaphore_mem>>)
        %dma_wait3A_221 = tpu.memref_slice %arg12[%add3A_201] : memref<1704000xf32, #tpu.memory_space<vmem_shared>> -> memref<6656xf32, #tpu.memory_space<vmem_shared>>
        %dma_wait3A_222 = tpu.memref_slice %arg12[%add3A_201] : memref<1704000xf32, #tpu.memory_space<vmem_shared>> -> memref<6656xf32, #tpu.memory_space<vmem_shared>>
        tpu.wait_dma2 semaphore(%arg15 : memref<!tpu.dma_semaphore, #tpu.memory_space<semaphore_mem>>) src(%dma_wait3A_222 : memref<6656xf32, #tpu.memory_space<vmem_shared>>) dst(%arg10 : memref<6656xf32, #tpu.memory_space<vmem>>)
        %mul3A_223 = arith.constant 106496 : i32
        %mul3A_224 = arith.muli %arg1, %mul3A_223 : i32
        %add3A_225 = arith.addi %mul3A_17, %mul3A_224 : i32
        %add3A_226 = arith.constant 66560 : i32
        %add3A_227 = arith.addi %add3A_225, %add3A_226 : i32
        %dma_start3A_228 = tpu.memref_slice %arg4[%add3A_227] : memref<71402500xf32, #tpu.memory_space<hbm>> -> memref<6656xf32, #tpu.memory_space<hbm>>
        %dma_start3A_229 = tpu.memref_slice %arg4[%add3A_227] : memref<71402500xf32, #tpu.memory_space<hbm>> -> memref<6656xf32, #tpu.memory_space<hbm>>
        tpu.enqueue_dma source(%arg10 : memref<6656xf32, #tpu.memory_space<vmem>>) target(%dma_start3A_229 : memref<6656xf32, #tpu.memory_space<hbm>>) target_semaphore(%arg16 : memref<!tpu.dma_semaphore, #tpu.memory_space<semaphore_mem>>)
        %dma_wait3A_230 = tpu.memref_slice %arg4[%add3A_227] : memref<71402500xf32, #tpu.memory_space<hbm>> -> memref<6656xf32, #tpu.memory_space<hbm>>
        %dma_wait3A_231 = tpu.memref_slice %arg4[%add3A_227] : memref<71402500xf32, #tpu.memory_space<hbm>> -> memref<6656xf32, #tpu.memory_space<hbm>>
        tpu.wait_dma2 semaphore(%arg16 : memref<!tpu.dma_semaphore, #tpu.memory_space<semaphore_mem>>) src(%arg10 : memref<6656xf32, #tpu.memory_space<vmem>>) dst(%dma_wait3A_231 : memref<6656xf32, #tpu.memory_space<hbm>>)
        %mul3A_232 = arith.constant 106496 : i32
        %mul3A_233 = arith.muli %arg1, %mul3A_232 : i32
        %add3A_234 = arith.constant 79872 : i32
        %add3A_235 = arith.addi %mul3A_233, %add3A_234 : i32
        %dma_start3A_236 = tpu.memref_slice %arg12[%add3A_235] : memref<1704000xf32, #tpu.memory_space<vmem_shared>> -> memref<6656xf32, #tpu.memory_space<vmem_shared>>
        %dma_start3A_237 = tpu.memref_slice %arg12[%add3A_235] : memref<1704000xf32, #tpu.memory_space<vmem_shared>> -> memref<6656xf32, #tpu.memory_space<vmem_shared>>
        tpu.enqueue_dma source(%dma_start3A_237 : memref<6656xf32, #tpu.memory_space<vmem_shared>>) target(%arg10 : memref<6656xf32, #tpu.memory_space<vmem>>) target_semaphore(%arg15 : memref<!tpu.dma_semaphore, #tpu.memory_space<semaphore_mem>>)
        %dma_wait3A_238 = tpu.memref_slice %arg12[%add3A_218] : memref<1704000xf32, #tpu.memory_space<vmem_shared>> -> memref<6656xf32, #tpu.memory_space<vmem_shared>>
        %dma_wait3A_239 = tpu.memref_slice %arg12[%add3A_218] : memref<1704000xf32, #tpu.memory_space<vmem_shared>> -> memref<6656xf32, #tpu.memory_space<vmem_shared>>
        tpu.wait_dma2 semaphore(%arg15 : memref<!tpu.dma_semaphore, #tpu.memory_space<semaphore_mem>>) src(%dma_wait3A_239 : memref<6656xf32, #tpu.memory_space<vmem_shared>>) dst(%arg11 : memref<6656xf32, #tpu.memory_space<vmem>>)
        %mul3A_240 = arith.constant 106496 : i32
        %mul3A_241 = arith.muli %arg1, %mul3A_240 : i32
        %add3A_242 = arith.addi %mul3A_17, %mul3A_241 : i32
        %add3A_243 = arith.constant 73216 : i32
        %add3A_244 = arith.addi %add3A_242, %add3A_243 : i32
        %dma_start3A_245 = tpu.memref_slice %arg4[%add3A_244] : memref<71402500xf32, #tpu.memory_space<hbm>> -> memref<6656xf32, #tpu.memory_space<hbm>>
        %dma_start3A_246 = tpu.memref_slice %arg4[%add3A_244] : memref<71402500xf32, #tpu.memory_space<hbm>> -> memref<6656xf32, #tpu.memory_space<hbm>>
        tpu.enqueue_dma source(%arg11 : memref<6656xf32, #tpu.memory_space<vmem>>) target(%dma_start3A_246 : memref<6656xf32, #tpu.memory_space<hbm>>) target_semaphore(%arg16 : memref<!tpu.dma_semaphore, #tpu.memory_space<semaphore_mem>>)
        %dma_wait3A_247 = tpu.memref_slice %arg4[%add3A_244] : memref<71402500xf32, #tpu.memory_space<hbm>> -> memref<6656xf32, #tpu.memory_space<hbm>>
        %dma_wait3A_248 = tpu.memref_slice %arg4[%add3A_244] : memref<71402500xf32, #tpu.memory_space<hbm>> -> memref<6656xf32, #tpu.memory_space<hbm>>
        tpu.wait_dma2 semaphore(%arg16 : memref<!tpu.dma_semaphore, #tpu.memory_space<semaphore_mem>>) src(%arg11 : memref<6656xf32, #tpu.memory_space<vmem>>) dst(%dma_wait3A_248 : memref<6656xf32, #tpu.memory_space<hbm>>)
        %mul3A_249 = arith.constant 106496 : i32
        %mul3A_250 = arith.muli %arg1, %mul3A_249 : i32
        %add3A_251 = arith.constant 86528 : i32
        %add3A_252 = arith.addi %mul3A_250, %add3A_251 : i32
        %dma_start3A_253 = tpu.memref_slice %arg12[%add3A_252] : memref<1704000xf32, #tpu.memory_space<vmem_shared>> -> memref<6656xf32, #tpu.memory_space<vmem_shared>>
        %dma_start3A_254 = tpu.memref_slice %arg12[%add3A_252] : memref<1704000xf32, #tpu.memory_space<vmem_shared>> -> memref<6656xf32, #tpu.memory_space<vmem_shared>>
        tpu.enqueue_dma source(%dma_start3A_254 : memref<6656xf32, #tpu.memory_space<vmem_shared>>) target(%arg11 : memref<6656xf32, #tpu.memory_space<vmem>>) target_semaphore(%arg15 : memref<!tpu.dma_semaphore, #tpu.memory_space<semaphore_mem>>)
        %dma_wait3A_255 = tpu.memref_slice %arg12[%add3A_235] : memref<1704000xf32, #tpu.memory_space<vmem_shared>> -> memref<6656xf32, #tpu.memory_space<vmem_shared>>
        %dma_wait3A_256 = tpu.memref_slice %arg12[%add3A_235] : memref<1704000xf32, #tpu.memory_space<vmem_shared>> -> memref<6656xf32, #tpu.memory_space<vmem_shared>>
        tpu.wait_dma2 semaphore(%arg15 : memref<!tpu.dma_semaphore, #tpu.memory_space<semaphore_mem>>) src(%dma_wait3A_256 : memref<6656xf32, #tpu.memory_space<vmem_shared>>) dst(%arg10 : memref<6656xf32, #tpu.memory_space<vmem>>)
        %mul3A_257 = arith.constant 106496 : i32
        %mul3A_258 = arith.muli %arg1, %mul3A_257 : i32
        %add3A_259 = arith.addi %mul3A_17, %mul3A_258 : i32
        %add3A_260 = arith.constant 79872 : i32
        %add3A_261 = arith.addi %add3A_259, %add3A_260 : i32
        %dma_start3A_262 = tpu.memref_slice %arg4[%add3A_261] : memref<71402500xf32, #tpu.memory_space<hbm>> -> memref<6656xf32, #tpu.memory_space<hbm>>
        %dma_start3A_263 = tpu.memref_slice %arg4[%add3A_261] : memref<71402500xf32, #tpu.memory_space<hbm>> -> memref<6656xf32, #tpu.memory_space<hbm>>
        tpu.enqueue_dma source(%arg10 : memref<6656xf32, #tpu.memory_space<vmem>>) target(%dma_start3A_263 : memref<6656xf32, #tpu.memory_space<hbm>>) target_semaphore(%arg16 : memref<!tpu.dma_semaphore, #tpu.memory_space<semaphore_mem>>)
        %dma_wait3A_264 = tpu.memref_slice %arg4[%add3A_261] : memref<71402500xf32, #tpu.memory_space<hbm>> -> memref<6656xf32, #tpu.memory_space<hbm>>
        %dma_wait3A_265 = tpu.memref_slice %arg4[%add3A_261] : memref<71402500xf32, #tpu.memory_space<hbm>> -> memref<6656xf32, #tpu.memory_space<hbm>>
        tpu.wait_dma2 semaphore(%arg16 : memref<!tpu.dma_semaphore, #tpu.memory_space<semaphore_mem>>) src(%arg10 : memref<6656xf32, #tpu.memory_space<vmem>>) dst(%dma_wait3A_265 : memref<6656xf32, #tpu.memory_space<hbm>>)
        %mul3A_266 = arith.constant 106496 : i32
        %mul3A_267 = arith.muli %arg1, %mul3A_266 : i32
        %add3A_268 = arith.constant 93184 : i32
        %add3A_269 = arith.addi %mul3A_267, %add3A_268 : i32
        %dma_start3A_270 = tpu.memref_slice %arg12[%add3A_269] : memref<1704000xf32, #tpu.memory_space<vmem_shared>> -> memref<6656xf32, #tpu.memory_space<vmem_shared>>
        %dma_start3A_271 = tpu.memref_slice %arg12[%add3A_269] : memref<1704000xf32, #tpu.memory_space<vmem_shared>> -> memref<6656xf32, #tpu.memory_space<vmem_shared>>
        tpu.enqueue_dma source(%dma_start3A_271 : memref<6656xf32, #tpu.memory_space<vmem_shared>>) target(%arg10 : memref<6656xf32, #tpu.memory_space<vmem>>) target_semaphore(%arg15 : memref<!tpu.dma_semaphore, #tpu.memory_space<semaphore_mem>>)
        %dma_wait3A_272 = tpu.memref_slice %arg12[%add3A_252] : memref<1704000xf32, #tpu.memory_space<vmem_shared>> -> memref<6656xf32, #tpu.memory_space<vmem_shared>>
        %dma_wait3A_273 = tpu.memref_slice %arg12[%add3A_252] : memref<1704000xf32, #tpu.memory_space<vmem_shared>> -> memref<6656xf32, #tpu.memory_space<vmem_shared>>
        tpu.wait_dma2 semaphore(%arg15 : memref<!tpu.dma_semaphore, #tpu.memory_space<semaphore_mem>>) src(%dma_wait3A_273 : memref<6656xf32, #tpu.memory_space<vmem_shared>>) dst(%arg11 : memref<6656xf32, #tpu.memory_space<vmem>>)
        %mul3A_274 = arith.constant 106496 : i32
        %mul3A_275 = arith.muli %arg1, %mul3A_274 : i32
        %add3A_276 = arith.addi %mul3A_17, %mul3A_275 : i32
        %add3A_277 = arith.constant 86528 : i32
        %add3A_278 = arith.addi %add3A_276, %add3A_277 : i32
        %dma_start3A_279 = tpu.memref_slice %arg4[%add3A_278] : memref<71402500xf32, #tpu.memory_space<hbm>> -> memref<6656xf32, #tpu.memory_space<hbm>>
        %dma_start3A_280 = tpu.memref_slice %arg4[%add3A_278] : memref<71402500xf32, #tpu.memory_space<hbm>> -> memref<6656xf32, #tpu.memory_space<hbm>>
        tpu.enqueue_dma source(%arg11 : memref<6656xf32, #tpu.memory_space<vmem>>) target(%dma_start3A_280 : memref<6656xf32, #tpu.memory_space<hbm>>) target_semaphore(%arg16 : memref<!tpu.dma_semaphore, #tpu.memory_space<semaphore_mem>>)
        %dma_wait3A_281 = tpu.memref_slice %arg4[%add3A_278] : memref<71402500xf32, #tpu.memory_space<hbm>> -> memref<6656xf32, #tpu.memory_space<hbm>>
        %dma_wait3A_282 = tpu.memref_slice %arg4[%add3A_278] : memref<71402500xf32, #tpu.memory_space<hbm>> -> memref<6656xf32, #tpu.memory_space<hbm>>
        tpu.wait_dma2 semaphore(%arg16 : memref<!tpu.dma_semaphore, #tpu.memory_space<semaphore_mem>>) src(%arg11 : memref<6656xf32, #tpu.memory_space<vmem>>) dst(%dma_wait3A_282 : memref<6656xf32, #tpu.memory_space<hbm>>)
        %mul3A_283 = arith.constant 106496 : i32
        %mul3A_284 = arith.muli %arg1, %mul3A_283 : i32
        %add3A_285 = arith.constant 99840 : i32
        %add3A_286 = arith.addi %mul3A_284, %add3A_285 : i32
        %dma_start3A_287 = tpu.memref_slice %arg12[%add3A_286] : memref<1704000xf32, #tpu.memory_space<vmem_shared>> -> memref<6656xf32, #tpu.memory_space<vmem_shared>>
        %dma_start3A_288 = tpu.memref_slice %arg12[%add3A_286] : memref<1704000xf32, #tpu.memory_space<vmem_shared>> -> memref<6656xf32, #tpu.memory_space<vmem_shared>>
        tpu.enqueue_dma source(%dma_start3A_288 : memref<6656xf32, #tpu.memory_space<vmem_shared>>) target(%arg11 : memref<6656xf32, #tpu.memory_space<vmem>>) target_semaphore(%arg15 : memref<!tpu.dma_semaphore, #tpu.memory_space<semaphore_mem>>)
        %dma_wait3A_289 = tpu.memref_slice %arg12[%add3A_269] : memref<1704000xf32, #tpu.memory_space<vmem_shared>> -> memref<6656xf32, #tpu.memory_space<vmem_shared>>
        %dma_wait3A_290 = tpu.memref_slice %arg12[%add3A_269] : memref<1704000xf32, #tpu.memory_space<vmem_shared>> -> memref<6656xf32, #tpu.memory_space<vmem_shared>>
        tpu.wait_dma2 semaphore(%arg15 : memref<!tpu.dma_semaphore, #tpu.memory_space<semaphore_mem>>) src(%dma_wait3A_290 : memref<6656xf32, #tpu.memory_space<vmem_shared>>) dst(%arg10 : memref<6656xf32, #tpu.memory_space<vmem>>)
        %mul3A_291 = arith.constant 106496 : i32
        %mul3A_292 = arith.muli %arg1, %mul3A_291 : i32
        %add3A_293 = arith.addi %mul3A_17, %mul3A_292 : i32
        %add3A_294 = arith.constant 93184 : i32
        %add3A_295 = arith.addi %add3A_293, %add3A_294 : i32
        %dma_start3A_296 = tpu.memref_slice %arg4[%add3A_295] : memref<71402500xf32, #tpu.memory_space<hbm>> -> memref<6656xf32, #tpu.memory_space<hbm>>
        %dma_start3A_297 = tpu.memref_slice %arg4[%add3A_295] : memref<71402500xf32, #tpu.memory_space<hbm>> -> memref<6656xf32, #tpu.memory_space<hbm>>
        tpu.enqueue_dma source(%arg10 : memref<6656xf32, #tpu.memory_space<vmem>>) target(%dma_start3A_297 : memref<6656xf32, #tpu.memory_space<hbm>>) target_semaphore(%arg16 : memref<!tpu.dma_semaphore, #tpu.memory_space<semaphore_mem>>)
        %dma_wait3A_298 = tpu.memref_slice %arg12[%add3A_286] : memref<1704000xf32, #tpu.memory_space<vmem_shared>> -> memref<6656xf32, #tpu.memory_space<vmem_shared>>
        %dma_wait3A_299 = tpu.memref_slice %arg12[%add3A_286] : memref<1704000xf32, #tpu.memory_space<vmem_shared>> -> memref<6656xf32, #tpu.memory_space<vmem_shared>>
        tpu.wait_dma2 semaphore(%arg15 : memref<!tpu.dma_semaphore, #tpu.memory_space<semaphore_mem>>) src(%dma_wait3A_299 : memref<6656xf32, #tpu.memory_space<vmem_shared>>) dst(%arg11 : memref<6656xf32, #tpu.memory_space<vmem>>)
        %mul3A_300 = arith.constant 106496 : i32
        %mul3A_301 = arith.muli %arg1, %mul3A_300 : i32
        %add3A_302 = arith.addi %mul3A_17, %mul3A_301 : i32
        %add3A_303 = arith.constant 99840 : i32
        %add3A_304 = arith.addi %add3A_302, %add3A_303 : i32
        %dma_start3A_305 = tpu.memref_slice %arg4[%add3A_304] : memref<71402500xf32, #tpu.memory_space<hbm>> -> memref<6656xf32, #tpu.memory_space<hbm>>
        %dma_start3A_306 = tpu.memref_slice %arg4[%add3A_304] : memref<71402500xf32, #tpu.memory_space<hbm>> -> memref<6656xf32, #tpu.memory_space<hbm>>
        tpu.enqueue_dma source(%arg11 : memref<6656xf32, #tpu.memory_space<vmem>>) target(%dma_start3A_306 : memref<6656xf32, #tpu.memory_space<hbm>>) target_semaphore(%arg16 : memref<!tpu.dma_semaphore, #tpu.memory_space<semaphore_mem>>)
        %dma_wait3A_307 = tpu.memref_slice %arg4[%add3A_295] : memref<71402500xf32, #tpu.memory_space<hbm>> -> memref<6656xf32, #tpu.memory_space<hbm>>
        %dma_wait3A_308 = tpu.memref_slice %arg4[%add3A_295] : memref<71402500xf32, #tpu.memory_space<hbm>> -> memref<6656xf32, #tpu.memory_space<hbm>>
        tpu.wait_dma2 semaphore(%arg16 : memref<!tpu.dma_semaphore, #tpu.memory_space<semaphore_mem>>) src(%arg10 : memref<6656xf32, #tpu.memory_space<vmem>>) dst(%dma_wait3A_308 : memref<6656xf32, #tpu.memory_space<hbm>>)
        %dma_wait3A_309 = tpu.memref_slice %arg4[%add3A_304] : memref<71402500xf32, #tpu.memory_space<hbm>> -> memref<6656xf32, #tpu.memory_space<hbm>>
        %dma_wait3A_310 = tpu.memref_slice %arg4[%add3A_304] : memref<71402500xf32, #tpu.memory_space<hbm>> -> memref<6656xf32, #tpu.memory_space<hbm>>
        tpu.wait_dma2 semaphore(%arg16 : memref<!tpu.dma_semaphore, #tpu.memory_space<semaphore_mem>>) src(%arg11 : memref<6656xf32, #tpu.memory_space<vmem>>) dst(%dma_wait3A_310 : memref<6656xf32, #tpu.memory_space<hbm>>)
      } else {
      }
      %eq3A_35 = arith.constant 20 : i32
      %eq3A_36 = arith.cmpi eq, %scan3A_13, %eq3A_35 : i32
      %convert_element_type3A_37 = arith.extui %eq3A_36 : i1 to i32
      %cond3A_38 = arith.constant 0 : i32
      %cond3A_39 = arith.cmpi ne, %convert_element_type3A_37, %cond3A_38 : i32
      scf.if %cond3A_39 {
        %scan3A_41 = arith.constant 0 : i32
        %scan3A_42 = arith.constant 0 : i32
        %scan3A_43 = arith.constant 16 : i32
        %scan3A_44 = arith.addi %scan3A_42, %scan3A_43 : i32
        %scan3A_45 = arith.constant 1 : i32
        %scan3A_46 = scf.for %scan3A_48 = %scan3A_42 to %scan3A_44 step %scan3A_45 iter_args(%scan3A_49 = %scan3A_41) -> (i32)  : i32 {
          %mul3A_50 = arith.constant 106496 : i32
          %mul3A_51 = arith.muli %arg1, %mul3A_50 : i32
          %add3A_52 = arith.addi %mul3A_17, %mul3A_51 : i32
          %mul3A_53 = arith.constant 6656 : i32
          %mul3A_54 = arith.muli %scan3A_48, %mul3A_53 : i32
          %add3A_55 = arith.addi %add3A_52, %mul3A_54 : i32
          %add3A_56 = arith.constant 6656 : i32
          %add3A_57 = arith.addi %add3A_55, %add3A_56 : i32
          %le3A = arith.constant 71402500 : i32
          %le3A_58 = arith.cmpi sle, %add3A_57, %le3A : i32
          %lt3A_59 = arith.constant 71402500 : i32
          %lt3A_60 = arith.cmpi slt, %add3A_55, %lt3A_59 : i32
          %not3A = arith.constant true
          %not3A_61 = arith.xori %le3A_58, %not3A : i1
          %and3A = arith.andi %lt3A_60, %not3A_61 : i1
          %convert_element_type3A_62 = arith.extui %le3A_58 : i1 to i32
          %cond3A_63 = arith.constant 0 : i32
          %cond3A_64 = arith.cmpi ne, %convert_element_type3A_62, %cond3A_63 : i32
          scf.if %cond3A_64 {
            %mul3A_69 = arith.constant 106496 : i32
            %mul3A_70 = arith.muli %arg1, %mul3A_69 : i32
            %mul3A_71 = arith.constant 6656 : i32
            %mul3A_72 = arith.muli %scan3A_48, %mul3A_71 : i32
            %add3A_73 = arith.addi %mul3A_70, %mul3A_72 : i32
            "tpu.region"() ({
              %run_scoped3A = tpu.sem_alloc : memref<!tpu.dma_semaphore, #tpu.memory_space<semaphore_mem>>
              %dma_start3A = tpu.memref_slice %arg12[%add3A_73] : memref<1704000xf32, #tpu.memory_space<vmem_shared>> -> memref<6656xf32, #tpu.memory_space<vmem_shared>>
              %dma_start3A_80 = tpu.memref_slice %arg12[%add3A_73] : memref<1704000xf32, #tpu.memory_space<vmem_shared>> -> memref<6656xf32, #tpu.memory_space<vmem_shared>>
              tpu.enqueue_dma source(%dma_start3A_80 : memref<6656xf32, #tpu.memory_space<vmem_shared>>) target(%arg10 : memref<6656xf32, #tpu.memory_space<vmem>>) target_semaphore(%run_scoped3A : memref<!tpu.dma_semaphore, #tpu.memory_space<semaphore_mem>>)
              %dma_wait3A = tpu.memref_slice %arg12[%add3A_73] : memref<1704000xf32, #tpu.memory_space<vmem_shared>> -> memref<6656xf32, #tpu.memory_space<vmem_shared>>
              %dma_wait3A_81 = tpu.memref_slice %arg12[%add3A_73] : memref<1704000xf32, #tpu.memory_space<vmem_shared>> -> memref<6656xf32, #tpu.memory_space<vmem_shared>>
              tpu.wait_dma2 semaphore(%run_scoped3A : memref<!tpu.dma_semaphore, #tpu.memory_space<semaphore_mem>>) src(%dma_wait3A_81 : memref<6656xf32, #tpu.memory_space<vmem_shared>>) dst(%arg10 : memref<6656xf32, #tpu.memory_space<vmem>>)
              tpu.yield
            }) : () -> ()
            %mul3A_74 = arith.constant 106496 : i32
            %mul3A_75 = arith.muli %arg1, %mul3A_74 : i32
            %add3A_76 = arith.addi %mul3A_17, %mul3A_75 : i32
            %mul3A_77 = arith.constant 6656 : i32
            %mul3A_78 = arith.muli %scan3A_48, %mul3A_77 : i32
            %add3A_79 = arith.addi %add3A_76, %mul3A_78 : i32
            "tpu.region"() ({
              %run_scoped3A = tpu.sem_alloc : memref<!tpu.dma_semaphore, #tpu.memory_space<semaphore_mem>>
              %dma_start3A = tpu.memref_slice %arg4[%add3A_79] : memref<71402500xf32, #tpu.memory_space<hbm>> -> memref<6656xf32, #tpu.memory_space<hbm>>
              %dma_start3A_80 = tpu.memref_slice %arg4[%add3A_79] : memref<71402500xf32, #tpu.memory_space<hbm>> -> memref<6656xf32, #tpu.memory_space<hbm>>
              tpu.enqueue_dma source(%arg10 : memref<6656xf32, #tpu.memory_space<vmem>>) target(%dma_start3A_80 : memref<6656xf32, #tpu.memory_space<hbm>>) target_semaphore(%run_scoped3A : memref<!tpu.dma_semaphore, #tpu.memory_space<semaphore_mem>>)
              %dma_wait3A = tpu.memref_slice %arg4[%add3A_79] : memref<71402500xf32, #tpu.memory_space<hbm>> -> memref<6656xf32, #tpu.memory_space<hbm>>
              %dma_wait3A_81 = tpu.memref_slice %arg4[%add3A_79] : memref<71402500xf32, #tpu.memory_space<hbm>> -> memref<6656xf32, #tpu.memory_space<hbm>>
              tpu.wait_dma2 semaphore(%run_scoped3A : memref<!tpu.dma_semaphore, #tpu.memory_space<semaphore_mem>>) src(%arg10 : memref<6656xf32, #tpu.memory_space<vmem>>) dst(%dma_wait3A_81 : memref<6656xf32, #tpu.memory_space<hbm>>)
              tpu.yield
            }) : () -> ()
          } else {
          }
          %convert_element_type3A_65 = arith.extui %and3A : i1 to i32
          %cond3A_66 = arith.constant 0 : i32
          %cond3A_67 = arith.cmpi ne, %convert_element_type3A_65, %cond3A_66 : i32
          scf.if %cond3A_67 {
            %mul3A_69 = arith.constant 106496 : i32
            %mul3A_70 = arith.muli %arg1, %mul3A_69 : i32
            %mul3A_71 = arith.constant 6656 : i32
            %mul3A_72 = arith.muli %scan3A_48, %mul3A_71 : i32
            %add3A_73 = arith.addi %mul3A_70, %mul3A_72 : i32
            "tpu.region"() ({
              %run_scoped3A = tpu.sem_alloc : memref<!tpu.dma_semaphore, #tpu.memory_space<semaphore_mem>>
              %dma_start3A = arith.constant 0 : i32
              %dma_start3A_80 = tpu.memref_slice %arg10[%dma_start3A] : memref<6656xf32, #tpu.memory_space<vmem>> -> memref<3588xf32, #tpu.memory_space<vmem>>
              %dma_start3A_81 = tpu.memref_slice %arg12[%add3A_73] : memref<1704000xf32, #tpu.memory_space<vmem_shared>> -> memref<3588xf32, #tpu.memory_space<vmem_shared>>
              %dma_start3A_82 = arith.constant 0 : i32
              %dma_start3A_83 = tpu.memref_slice %arg10[%dma_start3A_82] : memref<6656xf32, #tpu.memory_space<vmem>> -> memref<3588xf32, #tpu.memory_space<vmem>>
              %dma_start3A_84 = tpu.memref_slice %arg12[%add3A_73] : memref<1704000xf32, #tpu.memory_space<vmem_shared>> -> memref<3588xf32, #tpu.memory_space<vmem_shared>>
              tpu.enqueue_dma source(%dma_start3A_84 : memref<3588xf32, #tpu.memory_space<vmem_shared>>) target(%dma_start3A_83 : memref<3588xf32, #tpu.memory_space<vmem>>) target_semaphore(%run_scoped3A : memref<!tpu.dma_semaphore, #tpu.memory_space<semaphore_mem>>)
              %dma_wait3A = arith.constant 0 : i32
              %dma_wait3A_85 = tpu.memref_slice %arg10[%dma_wait3A] : memref<6656xf32, #tpu.memory_space<vmem>> -> memref<3588xf32, #tpu.memory_space<vmem>>
              %dma_wait3A_86 = tpu.memref_slice %arg12[%add3A_73] : memref<1704000xf32, #tpu.memory_space<vmem_shared>> -> memref<3588xf32, #tpu.memory_space<vmem_shared>>
              %dma_wait3A_87 = arith.constant 0 : i32
              %dma_wait3A_88 = tpu.memref_slice %arg10[%dma_wait3A_87] : memref<6656xf32, #tpu.memory_space<vmem>> -> memref<3588xf32, #tpu.memory_space<vmem>>
              %dma_wait3A_89 = tpu.memref_slice %arg12[%add3A_73] : memref<1704000xf32, #tpu.memory_space<vmem_shared>> -> memref<3588xf32, #tpu.memory_space<vmem_shared>>
              tpu.wait_dma2 semaphore(%run_scoped3A : memref<!tpu.dma_semaphore, #tpu.memory_space<semaphore_mem>>) src(%dma_wait3A_89 : memref<3588xf32, #tpu.memory_space<vmem_shared>>) dst(%dma_wait3A_88 : memref<3588xf32, #tpu.memory_space<vmem>>)
              tpu.yield
            }) : () -> ()
            %mul3A_74 = arith.constant 106496 : i32
            %mul3A_75 = arith.muli %arg1, %mul3A_74 : i32
            %add3A_76 = arith.addi %mul3A_17, %mul3A_75 : i32
            %mul3A_77 = arith.constant 6656 : i32
            %mul3A_78 = arith.muli %scan3A_48, %mul3A_77 : i32
            %add3A_79 = arith.addi %add3A_76, %mul3A_78 : i32
            "tpu.region"() ({
              %run_scoped3A = tpu.sem_alloc : memref<!tpu.dma_semaphore, #tpu.memory_space<semaphore_mem>>
              %dma_start3A = arith.constant 0 : i32
              %dma_start3A_80 = tpu.memref_slice %arg10[%dma_start3A] : memref<6656xf32, #tpu.memory_space<vmem>> -> memref<3588xf32, #tpu.memory_space<vmem>>
              %dma_start3A_81 = tpu.memref_slice %arg4[%add3A_79] : memref<71402500xf32, #tpu.memory_space<hbm>> -> memref<3588xf32, #tpu.memory_space<hbm>>
              %dma_start3A_82 = tpu.memref_slice %arg4[%add3A_79] : memref<71402500xf32, #tpu.memory_space<hbm>> -> memref<3588xf32, #tpu.memory_space<hbm>>
              %dma_start3A_83 = arith.constant 0 : i32
              %dma_start3A_84 = tpu.memref_slice %arg10[%dma_start3A_83] : memref<6656xf32, #tpu.memory_space<vmem>> -> memref<3588xf32, #tpu.memory_space<vmem>>
              tpu.enqueue_dma source(%dma_start3A_84 : memref<3588xf32, #tpu.memory_space<vmem>>) target(%dma_start3A_82 : memref<3588xf32, #tpu.memory_space<hbm>>) target_semaphore(%run_scoped3A : memref<!tpu.dma_semaphore, #tpu.memory_space<semaphore_mem>>)
              %dma_wait3A = arith.constant 0 : i32
              %dma_wait3A_85 = tpu.memref_slice %arg10[%dma_wait3A] : memref<6656xf32, #tpu.memory_space<vmem>> -> memref<3588xf32, #tpu.memory_space<vmem>>
              %dma_wait3A_86 = tpu.memref_slice %arg4[%add3A_79] : memref<71402500xf32, #tpu.memory_space<hbm>> -> memref<3588xf32, #tpu.memory_space<hbm>>
              %dma_wait3A_87 = tpu.memref_slice %arg4[%add3A_79] : memref<71402500xf32, #tpu.memory_space<hbm>> -> memref<3588xf32, #tpu.memory_space<hbm>>
              %dma_wait3A_88 = arith.constant 0 : i32
              %dma_wait3A_89 = tpu.memref_slice %arg10[%dma_wait3A_88] : memref<6656xf32, #tpu.memory_space<vmem>> -> memref<3588xf32, #tpu.memory_space<vmem>>
              tpu.wait_dma2 semaphore(%run_scoped3A : memref<!tpu.dma_semaphore, #tpu.memory_space<semaphore_mem>>) src(%dma_wait3A_89 : memref<3588xf32, #tpu.memory_space<vmem>>) dst(%dma_wait3A_87 : memref<3588xf32, #tpu.memory_space<hbm>>)
              tpu.yield
            }) : () -> ()
          } else {
          }
          %scan3A_68 = arith.constant 0 : i32
          scf.yield %scan3A_68 : i32
        }
        %scan3A_47 = arith.constant 16 : i32
      } else {
      }
      %scan3A_40 = arith.constant 0 : i32
      scf.yield %scan3A_40 : i32
    }
    %scan3A_12 = arith.constant 21 : i32
    return
  }
}

</mosaic_0001>

<sc_bundles>
// kernel: kernel.4.cloned.1.call-start
scs
__scs_entry_jumppad:
0x0: {  	(pc) =	sbr.rel $0x88, $3  }
0x1: {  	(tag) =	ssettag $0x0;
	lr =	simm.s32 $0x1  }
0x2: {  	[smem:$0x3F9D] =	sst lr;
	_ =	strace $0xD0000000  }
0x3: {  	_ = 	snop  }
0x4: {  	_ = 	snop  }
0x5: {  	_ = 	snop  }
0x6: {  	_ = 	snop  }
0x7: {  	_ = 	snop  }
__scs_overlays_trampoline_lowered:
0x8: {  	[smem:$0x3FAC] =	sst s0  }
0x9: {  	[smem:$0x3FAD] =	sst s1  }
0xa: {  	[smem:$0x3FAE] =	sst s2  }
0xb: {  	[smem:$0x3FAF] =	sst s3  }
0xc: {  	[smem:$0x3FB0] =	sst s4  }
0xd: {  	[smem:$0x3FB1] =	sst s5  }
0xe: {  	[smem:$0x3FB2] =	sst s6  }
0xf: {  	[smem:$0x3FB3] =	sst s7  }
0x10: {  	[smem:$0x3FB4] =	sst s8  }
0x11: {  	[smem:$0x3FB5] =	sst s9;
	s0 =	simm.s32 @!p0 $0x0  }
0x12: {  	s1 =	sld [smem:$0x3F9B];
	s0 =	simm.s32 @p0 $0x1  }
0x13: {  	[smem:$0x3FB6] =	sst s0;
	s0 =	simm.s32 @!p1 $0x0  }
0x14: {  	s2 =	sld [smem:$0x3F9A];
	s0 =	simm.s32 @p1 $0x1  }
0x15: {  	[smem:$0x3FB7] =	sst s0;
	s0 =	simm.s32 @!p2 $0x0  }
0x16: {  	s3 =	sld [smem:$0x3FDB];
	s0 =	simm.s32 @p2 $0x1  }
0x17: {  	s4 =	simm.s32 $0x1BF5;
	[smem:$0x3FB9] =	sst s0  }
0x18: {  	s0 =	sld [smem:$0x3F9C];
	_ =	swait.ge [sflag:s4], $0x0  }
0x19: {  	s7 =	sld [smem:$0x3F9D]  }
0x1a: {  	s8 =	sadd.s32 $0xFFFFE003, lr  }
0x1b: {  	s9 =	sadd.s32 $0xFFFFFEF7, lr;
	s5 =	simm.s32 $0xFFFFFFFF;
	p2 =	slt.u32 s8, $0xFFFFF086  }
0x1c: {  	p1 =	slt.u32 s9, $0xF7A;
	s5 =	simm.s32 @!p2 $0x0  }
0x1d: {  	s5 =	simm.s32 @p1 $0x1;
	p0 =	seq.s32 s7, s2  }
0x1e: {  	s7 =	smul.u32 @!p0 $0xF7A, s2;
	p2 =	seq.s32 @!p0 s5, $0x0  }
0x1f: {  	s9 =	smul.u32 $0xF7A, s1;
	s8 =	simm.s32 @!p0 $0x1BF5;
	p2 =	por !p2, p0  }
0x20: {  	[sflag:s8] =	ssyncset.s32 @!p0 $0xFFFFF086;
	s6 =	sadd.s32 @!p0 s3, s7;
	s7 =	simm.s32 @!p0 $0x108  }
0x21: {  	s3 =	sadd.s32 s3, s9;
	s6 =	sadd.s32 @!p0 $0x88, s6;
	s7 =	simm.s32 @p2 $0x1082  }
0x22: {  	[simem:s7], [sflag:s8] =	dma.local @!p0 [hbm:s6], $0xF7A  }
0x23: {  	s9 =	sor.u32 $0xD0000000, s2;
	s6 =	simm.s32 $0x108;
	_ =	swait.ge @!p0 [sflag:s8], $0x0  }
0x24: {  	s3 =	sadd.s32 $0x88, s3;
	s6 =	simm.s32 @!p1 $0x1082;
	[sflag:s4] =	ssyncset.s32 $0xFFFFF086  }
0x25: {  	[simem:s6], [sflag:s4] =	dma.local [hbm:s3], $0xF7A  }
0x26: {  	[smem:$0x3F9D] =	sst s1;
	(tag) =	ssettag s2;
	_ =	strace s9  }
0x27: {  	s1 =	sld [smem:$0x3FAD]  }
0x28: {  	s2 =	sld [smem:$0x3FAE]  }
0x29: {  	s4 =	sld [smem:$0x3FB0]  }
0x2a: {  	p0 =	seq.s32 s5, $0x0;
	s5 =	sld [smem:$0x3FB1]  }
0x2b: {  	s6 =	sld [smem:$0x3FB2]  }
0x2c: {  	s7 =	sld [smem:$0x3FB3]  }
0x2d: {  	s3 =	simm.s32 $0x108;
	s8 =	sld [smem:$0x3FB4]  }
0x2e: {  	s3 =	simm.s32 @!p0 $0x1082;
	s9 =	sld [smem:$0x3FB5]  }
0x2f: {  	lr =	sadd.s32 s0, s3;
	s0 =	sld [smem:$0x3FAC]  }
0x30: {  	s3 =	sld [smem:$0x3FAF]  }
0x31: {  	[smem:$0x3FB8] =	sst s10  }
0x32: {  	s10 =	sld [smem:$0x3FB6];
	_ =	sdelay $0x3  }
0x33: {  	p0 =	seq.s32 s10, $0x1;
	s10 =	sld [smem:$0x3FB8];
	_ =	sdelay $0x3  }
0x34: {  	[smem:$0x3FB8] =	sst s10  }
0x35: {  	s10 =	sld [smem:$0x3FB7];
	_ =	sdelay $0x3  }
0x36: {  	p1 =	seq.s32 s10, $0x1;
	s10 =	sld [smem:$0x3FB8];
	_ =	sdelay $0x3  }
0x37: {  	[smem:$0x3FB8] =	sst s10  }
0x38: {  	s10 =	sld [smem:$0x3FB9]  }
0x39: {  	_ = 	snop;
	(pc) =	sbr.ind lr, $3  }
0x3a: {  	_ = 	snop  }
0x3b: {  	_ = 	snop  }
0x3c: {  	p2 =	seq.s32 s10, $0x1;
	s10 =	sld [smem:$0x3FB8]  }
0x3d: {  	_ =	shalt  }
0x3e: {  	_ =	shalt  }
0x3f: {  	_ =	shalt  }
0x40: {  	_ =	shalt  }
0x41: {  	_ =	shalt  }
0x42: {  	_ =	shalt  }
0x43: {  	_ =	shalt  }
0x44: {  	_ =	shalt  }
0x45: {  	_ =	shalt  }
0x46: {  	_ =	shalt  }
0x47: {  	_ =	shalt  }
0x48: {  	_ =	shalt  }
0x49: {  	_ =	shalt  }
0x4a: {  	_ =	shalt  }
0x4b: {  	_ =	shalt  }
0x4c: {  	_ =	shalt  }
0x4d: {  	_ =	shalt  }
0x4e: {  	_ =	shalt  }
0x4f: {  	_ =	shalt  }
0x50: {  	_ =	shalt  }
0x51: {  	_ =	shalt  }
0x52: {  	_ =	shalt  }
0x53: {  	_ =	shalt  }
0x54: {  	_ =	shalt  }
0x55: {  	_ =	shalt  }
0x56: {  	_ =	shalt  }
0x57: {  	_ =	shalt  }
0x58: {  	_ =	shalt  }
0x59: {  	_ =	shalt  }
0x5a: {  	_ =	shalt  }
0x5b: {  	_ =	shalt  }
0x5c: {  	_ =	shalt  }
0x5d: {  	_ =	shalt  }
0x5e: {  	_ =	shalt  }
0x5f: {  	_ =	shalt  }
0x60: {  	_ =	shalt  }
0x61: {  	_ =	shalt  }
0x62: {  	_ =	shalt  }
0x63: {  	_ =	shalt  }
0x64: {  	_ =	shalt  }
0x65: {  	_ =	shalt  }
0x66: {  	_ =	shalt  }
0x67: {  	_ =	shalt  }
0x68: {  	_ =	shalt  }
0x69: {  	_ =	shalt  }
0x6a: {  	_ =	shalt  }
0x6b: {  	_ =	shalt  }
0x6c: {  	_ =	shalt  }
0x6d: {  	_ =	shalt  }
0x6e: {  	_ =	shalt  }
0x6f: {  	_ =	shalt  }
0x70: {  	_ =	shalt  }
0x71: {  	_ =	shalt  }
0x72: {  	_ =	shalt  }
0x73: {  	_ =	shalt  }
0x74: {  	_ =	shalt  }
0x75: {  	_ =	shalt  }
0x76: {  	_ =	shalt  }
0x77: {  	_ =	shalt  }
0x78: {  	_ =	shalt  }
0x79: {  	_ =	shalt  }
0x7a: {  	_ =	shalt  }
0x7b: {  	_ =	shalt  }
0x7c: {  	_ =	shalt  }
0x7d: {  	_ =	shalt  }
0x7e: {  	_ =	shalt  }
0x7f: {  	_ =	shalt  }
0x80: {  	_ =	shalt  }
0x81: {  	_ =	shalt  }
0x82: {  	_ =	shalt  }
0x83: {  	_ =	shalt  }
0x84: {  	_ =	shalt  }
0x85: {  	_ =	shalt  }
0x86: {  	_ =	shalt  }
0x87: {  	_ =	shalt  }
.Lfunc_end0:
.L_simem_size_0:
called_computation_lowered:
.L_overlay_start_0:
0x88: {  	s2 =	sld [smem:$0x3FD9]  }
0x89: {  	s3 =	sld [smem:$0x3FFE];
	_ =	sdelay $0x1  }
0x8a: {  	s1 =	srdreg.scid  }
0x8b: {  	s0 =	sand.u32 $0x1, s1  }
0x8c: {  	s17 =	sshll.u32 s0, $0xA;
	s2 =	sadd.s32 s3, s2  }
0x8d: {  	s2 =	sadd.s32 s2, s17  }
0x8e: {  	[smem:$0x3FC4] =	sst s2  }
0x8f: {  	_ = 	snop  }
0x90: {  	s2 =	sld [smem:$0x3FC8];
	(tm) =	ssettm $0x1  }
0x91: {  	s18 =	sld [smem:$0x3FFB];
	_ =	sdelay $0x3  }
0x92: {  	_ =	strace s18  }
0x93: {  	s3 =	sld [smem:$0x3FFC];
	_ =	sdelay $0x3  }
0x94: {  	_ =	strace s3  }
0x95: {  	s3 =	sld [smem:$0x3FFD];
	_ =	sdelay $0x3  }
0x96: {  	_ =	strace s3  }
0x97: {  	_ =	strace $0x8FFFFFFF  }
0x98: {  	s19 =	sld [smem:$0x3FDB];
	_ =	sdelay $0x1  }
0x99: {  	s4 =	simm.s32 $_scs_section_size  }
0x9a: {  	s5 =	simm.s32 $_size__tile_overlayer_lowered;
	s6 =	simm.s32 $_tile_overlayer_lowered  }
0x9b: {  	s22 =	simm.s32 $0x1BFF;
	s21 =	sshll.u32 s6, $0x1;
	s3 =	sadd.s32 s4, s19  }
0x9c: {  	s7 =	simm.s32 $0x0;
	s20 =	sshll.u32 s5, $0x1;
	s5 =	sadd.s32 s21, s3  }
0x9d: {  	[timem:s7], [sflag:s22] =	dma.local [hbm:s5], s20  }
0x9e: {  	_ =	swait.ge [sflag:s22], s20  }
0x9f: {  	s4 =	ssub.s32 $0x0, s20;
	[sflag:s22] =	ssyncset.done $0x0  }
0xa0: {  	[sflag:s22] =	ssyncadd.s32 s4;
	_ =	sdelay $0x1  }
0xa1: {  	s23 =	simm.s32 $0x1B8B  }
0xa2: {  	_ =	swait.ge [sflag:s23], $0x1  }
0xa3: {  	[sflag:s23] =	ssyncset.done $0x0  }
0xa4: {  	s25 =	simm.s32 $0x1B8E;
	s24 =	sld [smem:$0x3FFE];
	[sflag:s23] =	ssyncadd.s32 $0xFFFFFFFF  }
0xa5: {  	s26 =	simm.s32 $execute0_lowered;
	[smem:$0x3FD2] =	sst s25  }
0xa6: {  	s5 =	sshll.u32 s26, $0x1;
	_ =	strace $0x80000046;
	[dreg:$0x1] =	wrdreg $0xFFFFFFFF  }
0xa7: {  	s28 =	simm.s32 $_size_execute0_lowered;
	s3 =	sadd.s32 s3, s5;
	[dreg:$0x0] =	wrdreg $0x0  }
0xa8: {  	s5 =	sshll.u32 s28, $0x1;
	[dreg:$0x2] =	wrdreg s3  }
0xa9: {  	[dreg:$0x3] =	wrdreg s5  }
0xaa: {  	[dreg:$0x4] =	wrdreg $0xC0  }
0xab: {  	_ =	task [dreg:s7], $0x5FFFF  }
0xac: {  	[dreg:$0x1] =	wrdreg $0xFFFFFFFF  }
0xad: {  	[dreg:$0x0] =	wrdreg $0x60  }
0xae: {  	[dreg:$0x2] =	wrdreg s24  }
0xaf: {  	[dreg:$0x3] =	wrdreg s2  }
0xb0: {  	[dreg:$0x4] =	wrdreg $0x9  }
0xb1: {  	_ =	task.clear_ibuf [dreg:s7], $0x5FFFF;
	_ =	strace $0x90000046  }
0xb2: {  	s29 =	simm.s32 $0x9;
	_ =	strace $0x80000048  }
0xb3: {  	_ =	swait.ge [sflag:s29], $0x1  }
0xb4: {  	[sflag:s29] =	ssyncadd.s32 $0xFFFFFFFF  }
0xb5: {  	_ =	strace $0x90000048  }
0xb6: {  	_ =	sfence  }
0xb7: {  	s30 =	sld [smem:$0x0];
	_ =	sdelay $0x2  }
0xb8: {  	s31 =	sshll.u32 s1, $0xD;
	s1 =	sshrl.u32 s1, $0x2  }
0xb9: {  	s3 =	sand.u32 $0x4000, s31;
	s1 =	sadd.s32 s1, s30  }
0xba: {  	s0 =	sor.u32 s3, s0;
	s1 =	sshll.u32 s1, $0x11  }
0xbb: {  	s0 =	sor.u32 s1, s0  }
0xbc: {  	s0 =	sadd.s32 $0x8F2B, s0  }
0xbd: {  	[sflag:s0] =	ssyncadd.remote.s32 $0x1  }
0xbe: {  	_ =	sfence.sel $0xFFFF  }
0xbf: {  	[dreg:$0x0] =	wrdreg $0xFFFFFFFF;
	(pc) =	sbr.abs _section_cstart, $3  }
0xc0: {  	[dreg:$0x1] =	wrdreg $0xFFFFFFFF  }
0xc1: {  	_ =	task.clear_ibuf [dreg:s7], $0x2FFFF;
	_ =	strace $0x9FFFFFFF  }
0xc2: {  	(tm) =	ssettm $0x7FFFFFFF  }
0xc3: {  	_ =	shalt  }
tec
execute0_lowered:
.L_overlay_start_1:
0x0: {  	(tag) =	ssettag $0x1  }
0x1: {  	s1 =	rddreg [dreg:$0x0]  }
0x2: {  	s3 =	rddreg [dreg:$0x1]  }
0x3: {  	s0 =	rddreg [dreg:$0x2];
	s4 =	simm.s32 $0x0;
	s5 =	srdreg.scid  }
0x4: {  	s2 =	stileid.u32;
	s15 =	simm.s32 $0x18700;
	s16 =	simm.s32 $0x1  }
0x5: {  	s17 =	simm.s32 $0x18F00;
	s18 =	simm.s32 $0x19700;
	s19 =	simm.s32 $0x19F00  }
0x6: {  	s20 =	simm.s32 $0x1A700;
	s21 =	simm.s32 $0x1AF00;
	s22 =	simm.s32 $0x1B700  }
0x7: {  	s23 =	simm.s32 $0x0;
	s6 =	sand.u32 $0x1, s5;
	s30 =	sshll.u32 s2, $0x1  }
0x8: {  	[smem:$0x7FF] =	sst s4;
	s5 =	sadd.s32 $0x3200, s1;
	s10 =	sor.u32 s6, s30  }
0x9: {  	s7 =	sadd.s32 $0x37200, s1;
	s11 =	ssub.s32 $0x2, s6;
	s6 =	smul.u32 $0x19000, s10  }
0xa: {  	s8 =	sadd.s32 $0x6400, s1;
	s9 =	sadd.s32 $0x68000, s1;
	_ =	strace $0x80000047  }
0xb: {  	s12 =	sshrl.u32 s11, $0x1;
	s10 =	smul.u32 $0xC350, s10;
	s31 =	sshrl.u32 s6, $0x3  }
0xc: {  	s14 =	ssub.s32 s11, s12;
	s11 =	sadd.s32 $0xC350, s6;
	s13 =	sadd.s32 s9, s31  }
0xd: {  	v0 =	vimm.s32 $0x0;
	v1 =	vimm.s32 $0xFFFFFFFF;
	s14 =	smax.u32 s14, $0x1;
	s12 =	sadd.s32 $0x30D4, s13;
	s13 =	sadd.s32 $0x31CE, s13  }
.LBB2_1:
0xe: {  	s24 =	simm.s32 $0x0;
	s25 =	simm.s32 $0x0  }
.LBB2_2:
0xf: {  	s26 =	smul.u32 $0x7D0, s25;
	_ =	sdelay $0x1  }
0x10: {  	s26 =	sshrl.u32 s26, $0x3  }
0x11: {  	s29 =	simm.s32 $0x0;
	s28 =	sadd.s32 s5, s26  }
0x12: {  	[tilespmem:s15], [sflag:$0x1] =	stream.linear.gather [hbm4b:s28+s29], $0x7D0, $0x38;
	[tilespmem:$0x1BF00] =	vst v63  }
0x13: {  	_ =	swait.ge [sflag:s16], $0x7D0  }
0x14: {  	[sflag:s16] =	ssyncset.done $0x0  }
0x15: {  	s28 =	sadd.s32 s1, s26;
	[sflag:s16] =	ssyncadd.s32 $0xFFFFF830  }
0x16: {  	[tilespmem:s17], [sflag:$0x1] =	stream.linear.gather [hbm4b:s28+s29], $0x7D0, $0x38;
	[tilespmem:$0x1BF00] =	vst v63  }
0x17: {  	_ =	swait.ge [sflag:s16], $0x7D0  }
0x18: {  	[sflag:s16] =	ssyncset.done $0x0  }
0x19: {  	s26 =	sadd.s32 s3, s26;
	[sflag:s16] =	ssyncadd.s32 $0xFFFFF830  }
0x1a: {  	[tilespmem:s18], [sflag:$0x1] =	stream.linear.gather [hbm4b:s26+s29], $0x7D0, $0x38;
	[tilespmem:$0x1BF00] =	vst v63  }
0x1b: {  	_ =	swait.ge [sflag:s16], $0x7D0  }
0x1c: {  	[sflag:s16] =	ssyncset.done $0x0  }
0x1d: {  	v2 =	vmov s24;
	s28 =	simm.s32 $0x40;
	s26 =	simm.s32 $0x0;
	[sflag:s16] =	ssyncadd.s32 $0xFFFFF830  }
.LBB2_3:
0x1e: {  	p0 =	sne.s32 s28, $0x1F00;
	v3 =	vld [tilespmem:s26+$0x18700];
	_ =	sdelay $0x1  }
0x1f: {  	v4 =	vld [tilespmem:s26+$0x18F00];
	_ =	sdelay $0x2  }
0x20: {  	v3 =	vadd.f32 $3.200000000e+01, v3;
	_ =	sdelay $0x1  }
0x21: {  	v5 =	vadd.f32 $5.000000000e-01, v3;
	v4 =	vadd.f32 $3.200000000e+01, v4;
	_ =	sdelay $0x1  }
0x22: {  	v5 =	vtrunc.f32 v5;
	v6 =	vadd.f32 $5.000000000e-01, v4  }
0x23: {  	v5 =	vcvt.f32.s32 v5  }
0x24: {  	v6 =	vtrunc.f32 v6  }
0x25: {  	v7 =	vcvt.s32.f32 v5;
	v6 =	vcvt.f32.s32 v6;
	_ =	sdelay $0x1  }
0x26: {  	v3 =	vsub.f32 v7, v3;
	v7 =	vcvt.s32.f32 v6  }
0x27: {  	v8 =	vand.u32 $0x1, v5  }
0x28: {  	vm1 =	veq.s32 v8, $0x1;
	vm0 =	veq.f32 v3, $5.000000000e-01;
	v3 =	vsub.f32 v7, v4  }
0x29: {  	v4 =	vand.u32 $0x1, v6;
	vm0 =	vmand vm0, vm1  }
0x2a: {  	vm1 =	veq.s32 v4, $0x1;
	v7 =	vsel vm0, $0xFFFFFFFF, v0;
	vm0 =	veq.f32 v3, $5.000000000e-01  }
0x2b: {  	v3 =	vadd.s32 v5, v7;
	vm0 =	vmand vm0, vm1;
	v4 =	vld [tilespmem:s26+$0x19700]  }
0x2c: {  	vm1 =	vgt.s32 v3, $0x0;
	v5 =	vsel vm0, $0xFFFFFFFF, v0  }
0x2d: {  	v3 =	vnsel vm1, $0x0, v3;
	v5 =	vadd.s32 v6, v5  }
0x2e: {  	v3 =	vmin.u32 v3, $0x40;
	vm0 =	vgt.s32 v5, $0x0  }
0x2f: {  	v5 =	vnsel vm0, $0x0, v5;
	v6 =	vmul.u32 $0x41, v3  }
0x30: {  	v5 =	vmin.u32 v5, $0x40;
	vm0 =	vgt.f32 v4, $5.000000000e-01  }
0x31: {  	v3 =	vshll.u32 v3, $0x1;
	v4 =	vsel vm0, $0x1, v0;
	v6 =	vadd.s32 v5, v6  }
.Ltmp0:
0x32: {  	v3 =	vor.u32 v4, v3;
	v4 =	vshll.u32 v6, $0xF;
	v6 =	vsel vm0, $0x4000, v0;
	(pc) =	sbr.rel @p0 .LBB2_3-.Ltmp0, $4  }
0x33: {  	v3 =	vmul.u32 $0x41, v3;
	v4 =	vor.u32 v4, v6  }
0x34: {  	v4 =	vor.u32 v5, v4  }
0x35: {  	v3 =	vadd.s32 v3, v4  }
0x36: {  	[tilespmem:v2+s26+$0x0 ss:$0x1] =	vst.idx.msk $0xffff, v3;
	s26 =	sshra.s32 s28, $0x2;
	s28 =	sadd.s32 $0x40, s28  }
0x37: {  	v3 =	vld [tilespmem:s26+$0x18700];
	_ =	sdelay $0x1  }
0x38: {  	v4 =	vld [tilespmem:s26+$0x18F00];
	_ =	sdelay $0x2  }
0x39: {  	v3 =	vadd.f32 $3.200000000e+01, v3;
	_ =	sdelay $0x1  }
0x3a: {  	v4 =	vadd.f32 $3.200000000e+01, v4;
	v5 =	vadd.f32 $5.000000000e-01, v3;
	_ =	sdelay $0x1  }
0x3b: {  	v6 =	vadd.f32 $5.000000000e-01, v4;
	v5 =	vtrunc.f32 v5  }
0x3c: {  	v5 =	vcvt.f32.s32 v5  }
0x3d: {  	v6 =	vtrunc.f32 v6  }
0x3e: {  	v6 =	vcvt.f32.s32 v6;
	v7 =	vcvt.s32.f32 v5;
	_ =	sdelay $0x1  }
0x3f: {  	v56 =	vcvt.s32.f32 v6;
	v3 =	vsub.f32 v7, v3  }
0x40: {  	v8 =	vand.u32 $0x1, v5  }
0x41: {  	vm1 =	veq.s32 v8, $0x1;
	vm0 =	veq.f32 v3, $5.000000000e-01;
	v3 =	vsub.f32 v56, v4  }
0x42: {  	v57 =	vand.u32 $0x1, v6;
	vm0 =	vmand vm0, vm1  }
0x43: {  	vm12 =	veq.s32 v57, $0x1;
	v58 =	vsel vm0, $0xFFFFFFFF, v0;
	vm11 =	veq.f32 v3, $5.000000000e-01  }
0x44: {  	v59 =	vld [tilespmem:s26+$0x19700];
	v3 =	vadd.s32 v5, v58;
	vm0 =	vmand vm11, vm12  }
0x45: {  	vm13 =	vgt.s32 v3, $0x0;
	v60 =	vsel vm0, $0xFFFFFFFF, v0  }
0x46: {  	v3 =	vnsel vm13, $0x0, v3;
	v5 =	vadd.s32 v6, v60  }
0x47: {  	v3 =	vmin.u32 v3, $0x40;
	vm14 =	vgt.s32 v5, $0x0  }
0x48: {  	v5 =	vnsel vm14, $0x0, v5;
	v61 =	vmul.u32 $0x41, v3  }
0x49: {  	s25 =	sadd.s32 $0x1, s25;
	vm15 =	vgt.f32 v59, $5.000000000e-01;
	v5 =	vmin.u32 v5, $0x40  }
0x4a: {  	p0 =	sne.s32 s25, $0x32;
	v4 =	vsel vm15, $0x1, v0;
	v3 =	vshll.u32 v3, $0x1;
	v6 =	vadd.s32 v5, v61  }
.Ltmp1:
0x4b: {  	v63 =	vsel vm15, $0x4000, v0;
	v3 =	vor.u32 v4, v3;
	v62 =	vshll.u32 v6, $0xF;
	(pc) =	sbr.rel @p0 .LBB2_2-.Ltmp1, $4  }
0x4c: {  	v3 =	vmul.u32 $0x41, v3;
	v4 =	vor.u32 v62, v63  }
0x4d: {  	v4 =	vor.u32 v5, v4  }
0x4e: {  	v3 =	vadd.s32 v3, v4  }
0x4f: {  	s24 =	sadd.s32 $0x7D0, s24;
	[tilespmem:v2+s26+$0x0 ss:$0x1] =	vst.idx.msk $0xffff, v3;
	s26 =	simm.s32 $0x0  }
0x50: {  	s24 =	simm.s32 $0x0  }
.LBB2_6:
0x51: {  	s25 =	smul.u32 $0x7D0, s24;
	_ =	sdelay $0x1  }
0x52: {  	s28 =	sadd.s32 s10, s25  }
0x53: {  	s28 =	sshrl.u32 s28, $0x3  }
0x54: {  	s29 =	sadd.s32 s7, s28  }
0x55: {  	[tilespmem:s19], [sflag:$0x1] =	stream.linear.gather [hbm4b:s29+s26], $0x7D0, $0x38;
	[tilespmem:$0x1BF00] =	vst v63  }
0x56: {  	_ =	swait.ge [sflag:s16], $0x7D0  }
0x57: {  	[sflag:s16] =	ssyncset.done $0x0  }
0x58: {  	s28 =	sadd.s32 s8, s28;
	[sflag:s16] =	ssyncadd.s32 $0xFFFFF830  }
0x59: {  	[tilespmem:s20], [sflag:$0x1] =	stream.linear.gather [hbm4b:s28+s26], $0x7D0, $0x38;
	[tilespmem:$0x1BF00] =	vst v63  }
0x5a: {  	_ =	swait.ge [sflag:s16], $0x7D0  }
0x5b: {  	[sflag:s16] =	ssyncset.done $0x0  }
0x5c: {  	s29 =	simm.s32 $0x0;
	[sflag:s16] =	ssyncadd.s32 $0xFFFFF830  }
0x5d: {  	v2 =	vld [tilespmem:s29+$0x19F00];
	_ =	sdelay $0x1  }
0x5e: {  	v3 =	vld [tilespmem:s29+$0x1A700];
	_ =	sdelay $0x5  }
0x5f: {  	v5 =	vld.idx.msk [tilespmem:v2+s4+$0x0], $0xffff;
	_ =	sdelay $0x1  }
0x60: {  	v3 =	vld.idx.msk [tilespmem:v3+s4+$0x0], $0xffff;
	_ =	sdelay $0x2  }
0x61: {  	s28 =	simm.s32 $0x10;
	v2 =	vshra.s32 v5, $0xE  }
0x62: {  	v6 =	vmul.u32 $0x2102, v2;
	v2 =	vld [tilespmem:s28+$0x19F00]  }
0x63: {  	v4 =	vshra.s32 v3, $0xE;
	v7 =	vand.u32 $0x3FFF, v3;
	v3 =	vld [tilespmem:s28+$0x1A700];
	_ =	sdelay $0x2  }
0x64: {  	v4 =	vmul.u32 $0x2102, v4  }
0x65: {  	s30 =	simm.s32 $0x80;
	v5 =	vand.u32 $0x3FFF, v5;
	v6 =	vadd.s32 v6, v7  }
.LBB2_7:
0x66: {  	p0 =	sne.s32 s30, $0x1F00;
	[tilespmem:s29+$0x1AF00] =	vst v6;
	v4 =	vadd.s32 v5, v4;
	s31 =	smov.u32 s30;
	s30 =	sadd.s32 $0x40, s30  }
0x67: {  	[tilespmem:s29+$0x1B700] =	vst v4;
	s29 =	smov.u32 s28  }
0x68: {  	v5 =	vld.idx.msk [tilespmem:v2+s4+$0x0], $0xffff  }
0x69: {  	v4 =	vld.idx.msk [tilespmem:v3+s4+$0x0], $0xffff;
	_ =	sdelay $0x1  }
0x6a: {  	s28 =	sshra.s32 s31, $0x2  }
0x6b: {  	v2 =	vld [tilespmem:s28+$0x19F00]  }
.Ltmp2:
0x6c: {  	v3 =	vld [tilespmem:s28+$0x1A700];
	(pc) =	sbr.rel @p0 .LBB2_7-.Ltmp2, $4  }
0x6d: {  	v6 =	vshra.s32 v5, $0xE  }
0x6e: {  	v6 =	vmul.u32 $0x2102, v6;
	v7 =	vshra.s32 v4, $0xE  }
0x6f: {  	v5 =	vand.u32 $0x3FFF, v5;
	v8 =	vand.u32 $0x3FFF, v4;
	v4 =	vmul.u32 $0x2102, v7  }
0x70: {  	v6 =	vadd.s32 v6, v8  }
0x71: {  	_ =	sdelay $0x1  }
0x72: {  	[tilespmem:s29+$0x1AF00] =	vst v6;
	v4 =	vadd.s32 v5, v4  }
0x73: {  	[tilespmem:s29+$0x1B700] =	vst v4  }
0x74: {  	v2 =	vld.idx.msk [tilespmem:v2+s4+$0x0], $0xffff  }
0x75: {  	v3 =	vld.idx.msk [tilespmem:v3+s4+$0x0], $0xffff;
	_ =	sdelay $0x3  }
0x76: {  	v62 =	vshra.s32 v2, $0xE  }
0x77: {  	v63 =	vshra.s32 v3, $0xE;
	v4 =	vmul.u32 $0x2102, v62  }
0x78: {  	v3 =	vand.u32 $0x3FFF, v3;
	v5 =	vmul.u32 $0x2102, v63  }
0x79: {  	s30 =	sadd.s32 s6, s25;
	v2 =	vand.u32 $0x3FFF, v2;
	v3 =	vadd.s32 v4, v3  }
0x7a: {  	s29 =	sshrl.u32 s30, $0x3;
	v2 =	vadd.s32 v2, v5;
	[tilespmem:s28+$0x1AF00] =	vst v3  }
0x7b: {  	s30 =	simm.s32 $0x0;
	s31 =	sadd.s32 s9, s29;
	[tilespmem:s28+$0x1B700] =	vst v2  }
0x7c: {  	[hbm4b:s31+s30] =	stream.linear.scatter [tilespmem:s21], [sflag:$0x1], $0x7D0, $0x38;
	[tilespmem:$0x1BF00] =	vst v63  }
0x7d: {  	s24 =	sadd.s32 $0x1, s24;
	s31 =	sadd.s32 s25, s11;
	_ =	swait.ge [sflag:s16], $0x7D0  }
0x7e: {  	p0 =	sne.s32 s24, $0x19;
	s25 =	sshrl.u32 s31, $0x3;
	[sflag:s16] =	ssyncset.done $0x0  }
.Ltmp3:
0x7f: {  	s25 =	sadd.s32 s9, s25;
	[sflag:s16] =	ssyncadd.s32 $0xFFFFF830;
	(pc) =	sbr.rel @p0 .LBB2_6-.Ltmp3, $4  }
0x80: {  	[hbm4b:s25+s30] =	stream.linear.scatter [tilespmem:s22], [sflag:$0x1], $0x7D0, $0x38;
	[tilespmem:$0x1BF00] =	vst v63  }
0x81: {  	_ =	swait.ge [sflag:s16], $0x7D0  }
0x82: {  	[sflag:s16] =	ssyncset.done $0x0  }
0x83: {  	[sflag:s16] =	ssyncadd.s32 $0xFFFFF830  }
0x84: {  	s24 =	simm.s32 $0x40;
	s25 =	simm.s32 $0x0  }
.LBB2_10:
0x85: {  	p0 =	sne.s32 s24, $0x1F00;
	[tilespmem:s25+$0x1AF00] =	vst v1;
	s25 =	smov.u32 s24;
	s24 =	sadd.s32 $0x40, s24  }
.Ltmp4:
0x86: {  	(pc) =	sbr.rel @p0 .LBB2_10-.Ltmp4, $2  }
0x87: {  	_ =	sdelay $0x2  }
0x88: {  	s25 =	sshra.s32 s25, $0x2  }
0x89: {  	[tilespmem:s25+$0x1AF00] =	vst v1  }
0x8a: {  	[hbm4b:s12+s4] =	stream.linear.scatter [tilespmem:s21], [sflag:$0x1], $0x7D0, $0x38;
	[tilespmem:$0x1BF00] =	vst v63  }
0x8b: {  	s23 =	sadd.s32 $0x1, s23;
	_ =	swait.ge [sflag:s16], $0x7D0  }
0x8c: {  	p0 =	sne.s32 s23, s14;
	[sflag:s16] =	ssyncset.done $0x0  }
.Ltmp5:
0x8d: {  	[sflag:s16] =	ssyncadd.s32 $0xFFFFF830;
	(pc) =	sbr.rel @p0 .LBB2_1-.Ltmp5, $4  }
0x8e: {  	[hbm4b:s13+s4] =	stream.linear.scatter [tilespmem:s21], [sflag:$0x1], $0x190, $0x38;
	[tilespmem:$0x1BF00] =	vst v63  }
0x8f: {  	_ =	swait.ge [sflag:s16], $0x190  }
0x90: {  	[sflag:s16] =	ssyncset.done $0x0  }
0x91: {  	[sflag:s16] =	ssyncadd.s32 $0xFFFFFE70  }
0x92: {  	_ =	sfence.sel $0x180000  }
0x93: {  	[bflag:$0x0] =	sbarrier.arrive $0xFFFF  }
0x94: {  	p0 =	sne.s32 s2, $0x0;
	_ =	strace $0x90000047  }
0x95: {  	s0 =	sadd.s32 @!p0 $0x100000, s0;
	[bflag:$0x2] =	sbarrier.arrive $0xFFFF  }
0x96: {  	[sflag:s0] =	ssyncadd.tile.s32 @!p0 $0x1;
	_ =	shalt  }
.Lfunc_end2:
_tile_overlayer_lowered:
.L_overlay_start_2:
0x97: {  	(tag) =	ssettag $0x2  }
0x98: {  	s0 =	rddreg [dreg:$0x0];
	s2 =	stileid.u32  }
0x99: {  	s1 =	rddreg [dreg:$0x1];
	p0 =	sne.s32 s2, $0x0  }
0x9a: {  	s3 =	rddreg [dreg:$0x2];
	[bflag:$0x3] =	sbarrier.arrive $0xFFFF;
	s2 =	simm.s32 @!p0 $0x1C01  }
0x9b: {  	[timem:s3], [sflag:s2] =	dma.local @!p0 [hbm:s0], s1  }
0x9c: {  	s0 =	simm.s32 @!p0 $0x1  }
0x9d: {  	_ =	swait.ge @!p0 [sflag:s0], s1  }
0x9e: {  	s1 =	ssub.s32 @!p0 $0x0, s1;
	[sflag:s0] =	ssyncset.done @!p0 $0x0  }
0x9f: {  	[sflag:s0] =	ssyncadd.s32 @!p0 s1  }
0xa0: {  	[bflag:$0x3] =	sbarrier.arrive $0xFFFF  }
0xa1: {  	_ =	shalt  }

// kernel: kernel.7.cloned.1.call-start
scs
__scs_entry_jumppad:
0x0: {  	(pc) =	sbr.rel $0x88, $3  }
0x1: {  	(tag) =	ssettag $0x0;
	lr =	simm.s32 $0x1  }
0x2: {  	[smem:$0x3F9D] =	sst lr;
	_ =	strace $0xD0000000  }
0x3: {  	_ = 	snop  }
0x4: {  	_ = 	snop  }
0x5: {  	_ = 	snop  }
0x6: {  	_ = 	snop  }
0x7: {  	_ = 	snop  }
__scs_overlays_trampoline_lowered:
0x8: {  	[smem:$0x3FAC] =	sst s0  }
0x9: {  	[smem:$0x3FAD] =	sst s1  }
0xa: {  	[smem:$0x3FAE] =	sst s2  }
0xb: {  	[smem:$0x3FAF] =	sst s3  }
0xc: {  	[smem:$0x3FB0] =	sst s4  }
0xd: {  	[smem:$0x3FB1] =	sst s5  }
0xe: {  	[smem:$0x3FB2] =	sst s6  }
0xf: {  	[smem:$0x3FB3] =	sst s7  }
0x10: {  	[smem:$0x3FB4] =	sst s8  }
0x11: {  	[smem:$0x3FB5] =	sst s9;
	s0 =	simm.s32 @!p0 $0x0  }
0x12: {  	s1 =	sld [smem:$0x3F9B];
	s0 =	simm.s32 @p0 $0x1  }
0x13: {  	[smem:$0x3FB6] =	sst s0;
	s0 =	simm.s32 @!p1 $0x0  }
0x14: {  	s2 =	sld [smem:$0x3F9A];
	s0 =	simm.s32 @p1 $0x1  }
0x15: {  	[smem:$0x3FB7] =	sst s0;
	s0 =	simm.s32 @!p2 $0x0  }
0x16: {  	s3 =	sld [smem:$0x3FDB];
	s0 =	simm.s32 @p2 $0x1  }
0x17: {  	s4 =	simm.s32 $0x1BF5;
	[smem:$0x3FB9] =	sst s0  }
0x18: {  	s0 =	sld [smem:$0x3F9C];
	_ =	swait.ge [sflag:s4], $0x0  }
0x19: {  	s7 =	sld [smem:$0x3F9D]  }
0x1a: {  	s8 =	sadd.s32 $0xFFFFE003, lr  }
0x1b: {  	s9 =	sadd.s32 $0xFFFFFEF7, lr;
	s5 =	simm.s32 $0xFFFFFFFF;
	p2 =	slt.u32 s8, $0xFFFFF086  }
0x1c: {  	p1 =	slt.u32 s9, $0xF7A;
	s5 =	simm.s32 @!p2 $0x0  }
0x1d: {  	s5 =	simm.s32 @p1 $0x1;
	p0 =	seq.s32 s7, s2  }
0x1e: {  	s7 =	smul.u32 @!p0 $0xF7A, s2;
	p2 =	seq.s32 @!p0 s5, $0x0  }
0x1f: {  	s9 =	smul.u32 $0xF7A, s1;
	s8 =	simm.s32 @!p0 $0x1BF5;
	p2 =	por !p2, p0  }
0x20: {  	[sflag:s8] =	ssyncset.s32 @!p0 $0xFFFFF086;
	s6 =	sadd.s32 @!p0 s3, s7;
	s7 =	simm.s32 @!p0 $0x108  }
0x21: {  	s3 =	sadd.s32 s3, s9;
	s6 =	sadd.s32 @!p0 $0x88, s6;
	s7 =	simm.s32 @p2 $0x1082  }
0x22: {  	[simem:s7], [sflag:s8] =	dma.local @!p0 [hbm:s6], $0xF7A  }
0x23: {  	s9 =	sor.u32 $0xD0000000, s2;
	s6 =	simm.s32 $0x108;
	_ =	swait.ge @!p0 [sflag:s8], $0x0  }
0x24: {  	s3 =	sadd.s32 $0x88, s3;
	s6 =	simm.s32 @!p1 $0x1082;
	[sflag:s4] =	ssyncset.s32 $0xFFFFF086  }
0x25: {  	[simem:s6], [sflag:s4] =	dma.local [hbm:s3], $0xF7A  }
0x26: {  	[smem:$0x3F9D] =	sst s1;
	(tag) =	ssettag s2;
	_ =	strace s9  }
0x27: {  	s1 =	sld [smem:$0x3FAD]  }
0x28: {  	s2 =	sld [smem:$0x3FAE]  }
0x29: {  	s4 =	sld [smem:$0x3FB0]  }
0x2a: {  	p0 =	seq.s32 s5, $0x0;
	s5 =	sld [smem:$0x3FB1]  }
0x2b: {  	s6 =	sld [smem:$0x3FB2]  }
0x2c: {  	s7 =	sld [smem:$0x3FB3]  }
0x2d: {  	s3 =	simm.s32 $0x108;
	s8 =	sld [smem:$0x3FB4]  }
0x2e: {  	s3 =	simm.s32 @!p0 $0x1082;
	s9 =	sld [smem:$0x3FB5]  }
0x2f: {  	lr =	sadd.s32 s0, s3;
	s0 =	sld [smem:$0x3FAC]  }
0x30: {  	s3 =	sld [smem:$0x3FAF]  }
0x31: {  	[smem:$0x3FB8] =	sst s10  }
0x32: {  	s10 =	sld [smem:$0x3FB6];
	_ =	sdelay $0x3  }
0x33: {  	p0 =	seq.s32 s10, $0x1;
	s10 =	sld [smem:$0x3FB8];
	_ =	sdelay $0x3  }
0x34: {  	[smem:$0x3FB8] =	sst s10  }
0x35: {  	s10 =	sld [smem:$0x3FB7];
	_ =	sdelay $0x3  }
0x36: {  	p1 =	seq.s32 s10, $0x1;
	s10 =	sld [smem:$0x3FB8];
	_ =	sdelay $0x3  }
0x37: {  	[smem:$0x3FB8] =	sst s10  }
0x38: {  	s10 =	sld [smem:$0x3FB9]  }
0x39: {  	_ = 	snop;
	(pc) =	sbr.ind lr, $3  }
0x3a: {  	_ = 	snop  }
0x3b: {  	_ = 	snop  }
0x3c: {  	p2 =	seq.s32 s10, $0x1;
	s10 =	sld [smem:$0x3FB8]  }
0x3d: {  	_ =	shalt  }
0x3e: {  	_ =	shalt  }
0x3f: {  	_ =	shalt  }
0x40: {  	_ =	shalt  }
0x41: {  	_ =	shalt  }
0x42: {  	_ =	shalt  }
0x43: {  	_ =	shalt  }
0x44: {  	_ =	shalt  }
0x45: {  	_ =	shalt  }
0x46: {  	_ =	shalt  }
0x47: {  	_ =	shalt  }
0x48: {  	_ =	shalt  }
0x49: {  	_ =	shalt  }
0x4a: {  	_ =	shalt  }
0x4b: {  	_ =	shalt  }
0x4c: {  	_ =	shalt  }
0x4d: {  	_ =	shalt  }
0x4e: {  	_ =	shalt  }
0x4f: {  	_ =	shalt  }
0x50: {  	_ =	shalt  }
0x51: {  	_ =	shalt  }
0x52: {  	_ =	shalt  }
0x53: {  	_ =	shalt  }
0x54: {  	_ =	shalt  }
0x55: {  	_ =	shalt  }
0x56: {  	_ =	shalt  }
0x57: {  	_ =	shalt  }
0x58: {  	_ =	shalt  }
0x59: {  	_ =	shalt  }
0x5a: {  	_ =	shalt  }
0x5b: {  	_ =	shalt  }
0x5c: {  	_ =	shalt  }
0x5d: {  	_ =	shalt  }
0x5e: {  	_ =	shalt  }
0x5f: {  	_ =	shalt  }
0x60: {  	_ =	shalt  }
0x61: {  	_ =	shalt  }
0x62: {  	_ =	shalt  }
0x63: {  	_ =	shalt  }
0x64: {  	_ =	shalt  }
0x65: {  	_ =	shalt  }
0x66: {  	_ =	shalt  }
0x67: {  	_ =	shalt  }
0x68: {  	_ =	shalt  }
0x69: {  	_ =	shalt  }
0x6a: {  	_ =	shalt  }
0x6b: {  	_ =	shalt  }
0x6c: {  	_ =	shalt  }
0x6d: {  	_ =	shalt  }
0x6e: {  	_ =	shalt  }
0x6f: {  	_ =	shalt  }
0x70: {  	_ =	shalt  }
0x71: {  	_ =	shalt  }
0x72: {  	_ =	shalt  }
0x73: {  	_ =	shalt  }
0x74: {  	_ =	shalt  }
0x75: {  	_ =	shalt  }
0x76: {  	_ =	shalt  }
0x77: {  	_ =	shalt  }
0x78: {  	_ =	shalt  }
0x79: {  	_ =	shalt  }
0x7a: {  	_ =	shalt  }
0x7b: {  	_ =	shalt  }
0x7c: {  	_ =	shalt  }
0x7d: {  	_ =	shalt  }
0x7e: {  	_ =	shalt  }
0x7f: {  	_ =	shalt  }
0x80: {  	_ =	shalt  }
0x81: {  	_ =	shalt  }
0x82: {  	_ =	shalt  }
0x83: {  	_ =	shalt  }
0x84: {  	_ =	shalt  }
0x85: {  	_ =	shalt  }
0x86: {  	_ =	shalt  }
0x87: {  	_ =	shalt  }
.Lfunc_end0:
.L_simem_size_0:
called_computation.1_lowered:
.L_overlay_start_0:
0x88: {  	s2 =	sld [smem:$0x3FD9]  }
0x89: {  	s3 =	sld [smem:$0x3FFE];
	_ =	sdelay $0x1  }
0x8a: {  	s1 =	srdreg.scid  }
0x8b: {  	s0 =	sand.u32 $0x1, s1  }
0x8c: {  	s17 =	sshll.u32 s0, $0xA;
	s2 =	sadd.s32 s3, s2  }
0x8d: {  	s2 =	sadd.s32 s2, s17  }
0x8e: {  	[smem:$0x3FC4] =	sst s2  }
0x8f: {  	_ = 	snop  }
0x90: {  	s2 =	sld [smem:$0x3FD0];
	(tm) =	ssettm $0x1  }
0x91: {  	s18 =	sld [smem:$0x3FFB];
	_ =	sdelay $0x3  }
0x92: {  	_ =	strace s18  }
0x93: {  	s3 =	sld [smem:$0x3FFC];
	_ =	sdelay $0x3  }
0x94: {  	_ =	strace s3  }
0x95: {  	s3 =	sld [smem:$0x3FFD];
	_ =	sdelay $0x3  }
0x96: {  	_ =	strace s3  }
0x97: {  	_ =	strace $0x8FFFFFFF  }
0x98: {  	s19 =	sld [smem:$0x3FDB];
	_ =	sdelay $0x1  }
0x99: {  	s4 =	simm.s32 $_scs_section_size  }
0x9a: {  	s5 =	simm.s32 $_size__tile_overlayer_lowered;
	s6 =	simm.s32 $_tile_overlayer_lowered  }
0x9b: {  	s22 =	simm.s32 $0x1BFF;
	s21 =	sshll.u32 s6, $0x1;
	s3 =	sadd.s32 s4, s19  }
0x9c: {  	s7 =	simm.s32 $0x0;
	s20 =	sshll.u32 s5, $0x1;
	s5 =	sadd.s32 s21, s3  }
0x9d: {  	[timem:s7], [sflag:s22] =	dma.local [hbm:s5], s20  }
0x9e: {  	_ =	swait.ge [sflag:s22], s20  }
0x9f: {  	s4 =	ssub.s32 $0x0, s20;
	[sflag:s22] =	ssyncset.done $0x0  }
0xa0: {  	[sflag:s22] =	ssyncadd.s32 s4;
	_ =	sdelay $0x1  }
0xa1: {  	s23 =	simm.s32 $0x1B8B  }
0xa2: {  	_ =	swait.ge [sflag:s23], $0x1  }
0xa3: {  	[sflag:s23] =	ssyncset.done $0x0  }
0xa4: {  	s25 =	simm.s32 $0x1B8E;
	s24 =	sld [smem:$0x3FFE];
	[sflag:s23] =	ssyncadd.s32 $0xFFFFFFFF  }
0xa5: {  	s26 =	simm.s32 $execute0_lowered;
	[smem:$0x3FD2] =	sst s25  }
0xa6: {  	s5 =	sshll.u32 s26, $0x1;
	_ =	strace $0x80000049;
	[dreg:$0x1] =	wrdreg $0xFFFFFFFF  }
0xa7: {  	s28 =	simm.s32 $_size_execute0_lowered;
	s3 =	sadd.s32 s3, s5;
	[dreg:$0x0] =	wrdreg $0x0  }
0xa8: {  	s5 =	sshll.u32 s28, $0x1;
	[dreg:$0x2] =	wrdreg s3  }
0xa9: {  	[dreg:$0x3] =	wrdreg s5  }
0xaa: {  	[dreg:$0x4] =	wrdreg $0xC0  }
0xab: {  	_ =	task [dreg:s7], $0x5FFFF  }
0xac: {  	[dreg:$0x1] =	wrdreg $0xFFFFFFFF  }
0xad: {  	[dreg:$0x0] =	wrdreg $0x60  }
0xae: {  	[dreg:$0x2] =	wrdreg s24  }
0xaf: {  	[dreg:$0x3] =	wrdreg s2  }
0xb0: {  	[dreg:$0x4] =	wrdreg $0x5C800  }
0xb1: {  	[dreg:$0x5] =	wrdreg $0x9  }
0xb2: {  	_ =	task.clear_ibuf [dreg:s7], $0x6FFFF;
	_ =	strace $0x90000049  }
0xb3: {  	s29 =	simm.s32 $0x9;
	_ =	strace $0x8000004B  }
0xb4: {  	_ =	swait.ge [sflag:s29], $0x1  }
0xb5: {  	[sflag:s29] =	ssyncadd.s32 $0xFFFFFFFF  }
0xb6: {  	_ =	strace $0x9000004B  }
0xb7: {  	_ =	sfence  }
0xb8: {  	s30 =	sld [smem:$0x0];
	_ =	sdelay $0x2  }
0xb9: {  	s31 =	sshll.u32 s1, $0xD;
	s1 =	sshrl.u32 s1, $0x2  }
0xba: {  	s3 =	sand.u32 $0x4000, s31;
	s1 =	sadd.s32 s1, s30  }
0xbb: {  	s0 =	sor.u32 s3, s0;
	s1 =	sshll.u32 s1, $0x11  }
0xbc: {  	s0 =	sor.u32 s1, s0  }
0xbd: {  	s0 =	sadd.s32 $0x8F2B, s0  }
0xbe: {  	[sflag:s0] =	ssyncadd.remote.s32 $0x1  }
0xbf: {  	_ =	sfence.sel $0xFFFF  }
0xc0: {  	[dreg:$0x0] =	wrdreg $0xFFFFFFFF;
	(pc) =	sbr.abs _section_cstart, $3  }
0xc1: {  	[dreg:$0x1] =	wrdreg $0xFFFFFFFF  }
0xc2: {  	_ =	task.clear_ibuf [dreg:s7], $0x2FFFF;
	_ =	strace $0x9FFFFFFF  }
0xc3: {  	(tm) =	ssettm $0x7FFFFFFF  }
tec
execute0_lowered:
.L_overlay_start_1:
0x0: {  	(tag) =	ssettag $0x1  }
0x1: {  	s0 =	rddreg [dreg:$0x0]  }
0x2: {  	s8 =	rddreg [dreg:$0x1]  }
0x3: {  	s2 =	rddreg [dreg:$0x2];
	s4 =	simm.s32 $0x0;
	s1 =	srdreg.scid  }
0x4: {  	s5 =	stileid.u32;
	[smem:$0x7FF] =	sst s4  }
0x5: {  	s6 =	sand.u32 $0x1, s1;
	s9 =	smul.u32 $0x1A000, s5;
	s24 =	sadd.s32 $0x340, s8  }
0x6: {  	s7 =	sadd.s32 $0x68000, s0;
	_ =	strace $0x8000004A;
	[dreg:$0x7] =	wrdreg s24  }
0x7: {  	s11 =	sadd.s32 $0xCC000, s0;
	s0 =	sadd.s32 $0xCC340, s0;
	[dreg:$0x4] =	wrdreg s6  }
0x8: {  	[dreg:$0x11] =	wrdreg s0  }
0x9: {  	[dreg:$0x6] =	wrdreg s11;
	s10 =	sadd.s32 s9, s2  }
0xa: {  	[dreg:$0x5] =	wrdreg s9;
	s25 =	sadd.s32 $0x1A00, s10  }
0xb: {  	s26 =	sadd.s32 $0x3400, s10;
	[dreg:$0x8] =	wrdreg s25  }
0xc: {  	s28 =	smul.u32 $0x32000, s5;
	s29 =	sadd.s32 $0x4E00, s10;
	[dreg:$0x9] =	wrdreg s26  }
0xd: {  	s1 =	ssub.s32 $0x2, s6;
	s30 =	sadd.s32 $0x6800, s10;
	[dreg:$0xa] =	wrdreg s29  }
0xe: {  	s31 =	smul.u32 $0x1A0000, s6;
	s13 =	sadd.s32 $0x8200, s10;
	[dreg:$0xb] =	wrdreg s30  }
0xf: {  	s3 =	sshrl.u32 s1, $0x1;
	s14 =	sadd.s32 $0x9C00, s10;
	[dreg:$0xc] =	wrdreg s13  }
0x10: {  	s15 =	sshrl.u32 s28, $0x3;
	s12 =	sadd.s32 $0xB600, s10;
	[dreg:$0xd] =	wrdreg s14  }
0x11: {  	s20 =	sor.u32 $0x1000, s28;
	s5 =	sadd.s32 s9, s31;
	[dreg:$0xe] =	wrdreg s12  }
0x12: {  	s21 =	sor.u32 $0x1800, s28;
	s22 =	sadd.s32 $0xD000, s10;
	[dreg:$0x10] =	wrdreg s5  }
0x13: {  	s1 =	ssub.s32 s1, s3;
	s23 =	sadd.s32 $0xEA00, s10;
	[dreg:$0x15] =	wrdreg s22  }
0x14: {  	s6 =	sadd.s32 s7, s15;
	s24 =	sadd.s32 $0x10400, s10;
	[dreg:$0x16] =	wrdreg s23  }
0x15: {  	s28 =	sadd.s32 $0x15200, s10;
	s9 =	simm.s32 $0x2;
	[dreg:$0x17] =	wrdreg s24  }
0x16: {  	s3 =	simm.s32 $0x0;
	s16 =	sshrl.u32 s5, $0x3;
	[dreg:$0x1a] =	wrdreg s28  }
0x17: {  	s17 =	smax.u32 s1, $0x1;
	s25 =	sadd.s32 $0x11E00, s10;
	[dreg:$0xf] =	wrdreg s6  }
0x18: {  	s26 =	sadd.s32 $0x13800, s10;
	s29 =	sadd.s32 $0x16C00, s10;
	[dreg:$0x12] =	wrdreg s17  }
0x19: {  	s30 =	sadd.s32 $0x18600, s10;
	s31 =	sadd.s32 $0x100, s6;
	[dreg:$0x18] =	wrdreg s25  }
0x1a: {  	s1 =	simm.s32 $0x2080;
	s22 =	simm.s32 $0x1800;
	[dreg:$0x19] =	wrdreg s26  }
.Ltmp0:
0x1b: {  	s5 =	simm.s32 $0x2880;
	[dreg:$0x1b] =	wrdreg s29;
	(pc) =	sbr.rel .LBB2_1-.Ltmp0, $4  }
0x1c: {  	s6 =	simm.s32 $0x4280;
	s12 =	simm.s32 $0x3;
	[dreg:$0x1c] =	wrdreg s30  }
0x1d: {  	v0 =	vlaneseq.u32;
	s13 =	simm.s32 $0x4;
	s18 =	sadd.s32 s16, s8;
	[dreg:$0x1d] =	wrdreg s31  }
0x1e: {  	v1 =	vimm.f32 $1.000000000e+00;
	v2 =	vor.u32 $0x10, v0;
	s19 =	sadd.s32 s16, s11;
	s25 =	simm.s32 $0x800;
	[dreg:$0x13] =	wrdreg s18  }
0x1f: {  	v3 =	vor.u32 $0x20, v0;
	v4 =	vor.u32 $0x30, v0;
	v5 =	vor.u32 $0x1A0000, v0;
	s8 =	simm.s32 $0x1000;
	[dreg:$0x14] =	wrdreg s19;
	s19 =	simm.s32 $0x1  }
.LBB2_35:
0x20: {  	s3 =	rddreg [dreg:$0x1e]  }
0x21: {  	s0 =	rddreg [dreg:$0x12];
	s3 =	sadd.s32 $0x1, s3  }
0x22: {  	p0 =	sne.s32 s3, s0  }
.Ltmp1:
0x23: {  	_ = 	snop;
	(pc) =	sbr.rel @!p0 .LBB2_36-.Ltmp1, $1  }
0x24: {  	_ =	sdelay $0x3  }
.LBB2_1:
0x25: {  	[dreg:$0x1e] =	wrdreg s3;
	s0 =	simm.s32 $0x40;
	s3 =	simm.s32 $0x0  }
.LBB2_2:
0x26: {  	p0 =	sne.s32 s0, $0x1FC0;
	[tilespmem:s3+$0x1000] =	vst v1;
	s3 =	smov.u32 s0;
	s0 =	sadd.s32 $0x40, s0  }
.Ltmp2:
0x27: {  	(pc) =	sbr.rel @p0 .LBB2_2-.Ltmp2, $2  }
0x28: {  	_ =	sdelay $0x2  }
0x29: {  	s3 =	sshra.s32 s3, $0x2  }
.Ltmp3:
0x2a: {  	(pc) =	sbr.rel .LBB2_4-.Ltmp3, $4  }
0x2b: {  	_ = 	snop  }
0x2c: {  	s15 =	rddreg [dreg:$0x14]  }
0x2d: {  	s16 =	rddreg [dreg:$0x10]  }
0x2e: {  	[tilespmem:s3+$0x1000] =	vst v1;
	s14 =	simm.s32 $0x0;
	s17 =	rddreg [dreg:$0x13]  }
.LBB2_30:
0x2f: {  	[tilespmem:s5], [sflag:$0x3] =	stream.linear.gather [spmem:s10], $0x1A00, $0x38;
	[tilespmem:$0x1FC88] =	vst v63  }
0x30: {  	s0 =	rddreg [dreg:$0x8]  }
0x31: {  	[tilespmem:s6], [sflag:$0x3] =	stream.linear.gather [spmem:s0], $0x1A00, $0x38;
	[tilespmem:$0x1FC88] =	vst v63  }
0x32: {  	_ =	swait.ge [sflag:s12], $0x1A00  }
0x33: {  	s29 =	sshrl.u32 s18, $0x3;
	[sflag:s12] =	ssyncset.done $0x0;
	s3 =	rddreg [dreg:$0x6]  }
0x34: {  	[sflag:s12] =	ssyncadd.s32 $0xFFFFE600;
	s18 =	sadd.s32 s3, s29  }
0x35: {  	[hbm4b:s18+s4] =	stream.linear.scatter [tilespmem:s5], [sflag:$0x4], $0x1A00, $0x38;
	[tilespmem:$0x1FC88] =	vst v63  }
0x36: {  	_ =	swait.ge [sflag:s13], $0x1A00  }
0x37: {  	[sflag:s13] =	ssyncset.done $0x0  }
0x38: {  	s30 =	rddreg [dreg:$0x9];
	[sflag:s13] =	ssyncadd.s32 $0xFFFFE600  }
0x39: {  	[tilespmem:s5], [sflag:$0x3] =	stream.linear.gather [spmem:s30], $0x1A00, $0x38;
	[tilespmem:$0x1FC88] =	vst v63  }
0x3a: {  	_ =	swait.ge [sflag:s12], $0x1A00  }
0x3b: {  	[sflag:s12] =	ssyncset.done $0x0;
	s31 =	rddreg [dreg:$0x11]  }
0x3c: {  	[sflag:s12] =	ssyncadd.s32 $0xFFFFE600;
	s0 =	sadd.s32 s29, s31  }
0x3d: {  	[hbm4b:s0+s4] =	stream.linear.scatter [tilespmem:s6], [sflag:$0x4], $0x1A00, $0x38;
	[tilespmem:$0x1FC88] =	vst v63  }
0x3e: {  	_ =	swait.ge [sflag:s13], $0x1A00  }
0x3f: {  	[sflag:s13] =	ssyncset.done $0x0  }
0x40: {  	s3 =	rddreg [dreg:$0xa];
	[sflag:s13] =	ssyncadd.s32 $0xFFFFE600  }
0x41: {  	[tilespmem:s6], [sflag:$0x3] =	stream.linear.gather [spmem:s3], $0x1A00, $0x38;
	[tilespmem:$0x1FC88] =	vst v63  }
0x42: {  	_ =	swait.ge [sflag:s12], $0x1A00  }
0x43: {  	[sflag:s12] =	ssyncset.done $0x0  }
0x44: {  	s11 =	sadd.s32 $0x680, s18;
	[sflag:s12] =	ssyncadd.s32 $0xFFFFE600  }
0x45: {  	[hbm4b:s11+s4] =	stream.linear.scatter [tilespmem:s5], [sflag:$0x4], $0x1A00, $0x38;
	[tilespmem:$0x1FC88] =	vst v63  }
0x46: {  	_ =	swait.ge [sflag:s13], $0x1A00  }
0x47: {  	[sflag:s13] =	ssyncset.done $0x0  }
0x48: {  	s23 =	rddreg [dreg:$0xb];
	[sflag:s13] =	ssyncadd.s32 $0xFFFFE600  }
0x49: {  	[tilespmem:s5], [sflag:$0x3] =	stream.linear.gather [spmem:s23], $0x1A00, $0x38;
	[tilespmem:$0x1FC88] =	vst v63  }
0x4a: {  	_ =	swait.ge [sflag:s12], $0x1A00  }
0x4b: {  	[sflag:s12] =	ssyncset.done $0x0  }
0x4c: {  	s24 =	sadd.s32 $0x9C0, s18;
	[sflag:s12] =	ssyncadd.s32 $0xFFFFE600  }
0x4d: {  	[hbm4b:s24+s4] =	stream.linear.scatter [tilespmem:s6], [sflag:$0x4], $0x1A00, $0x38;
	[tilespmem:$0x1FC88] =	vst v63  }
0x4e: {  	_ =	swait.ge [sflag:s13], $0x1A00  }
0x4f: {  	[sflag:s13] =	ssyncset.done $0x0  }
0x50: {  	s26 =	rddreg [dreg:$0xc];
	[sflag:s13] =	ssyncadd.s32 $0xFFFFE600  }
0x51: {  	[tilespmem:s6], [sflag:$0x3] =	stream.linear.gather [spmem:s26], $0x1A00, $0x38;
	[tilespmem:$0x1FC88] =	vst v63  }
0x52: {  	_ =	swait.ge [sflag:s12], $0x1A00  }
0x53: {  	[sflag:s12] =	ssyncset.done $0x0  }
0x54: {  	s28 =	sadd.s32 $0xD00, s18;
	[sflag:s12] =	ssyncadd.s32 $0xFFFFE600  }
0x55: {  	[hbm4b:s28+s4] =	stream.linear.scatter [tilespmem:s5], [sflag:$0x4], $0x1A00, $0x38;
	[tilespmem:$0x1FC88] =	vst v63  }
0x56: {  	_ =	swait.ge [sflag:s13], $0x1A00  }
0x57: {  	[sflag:s13] =	ssyncset.done $0x0  }
0x58: {  	s29 =	rddreg [dreg:$0xd];
	[sflag:s13] =	ssyncadd.s32 $0xFFFFE600  }
0x59: {  	[tilespmem:s5], [sflag:$0x3] =	stream.linear.gather [spmem:s29], $0x1A00, $0x38;
	[tilespmem:$0x1FC88] =	vst v63  }
0x5a: {  	_ =	swait.ge [sflag:s12], $0x1A00  }
0x5b: {  	[sflag:s12] =	ssyncset.done $0x0  }
0x5c: {  	s30 =	sadd.s32 $0x1040, s18;
	[sflag:s12] =	ssyncadd.s32 $0xFFFFE600  }
0x5d: {  	[hbm4b:s30+s4] =	stream.linear.scatter [tilespmem:s6], [sflag:$0x4], $0x1A00, $0x38;
	[tilespmem:$0x1FC88] =	vst v63  }
0x5e: {  	_ =	swait.ge [sflag:s13], $0x1A00  }
0x5f: {  	[sflag:s13] =	ssyncset.done $0x0  }
0x60: {  	s31 =	rddreg [dreg:$0xe];
	[sflag:s13] =	ssyncadd.s32 $0xFFFFE600  }
0x61: {  	[tilespmem:s6], [sflag:$0x3] =	stream.linear.gather [spmem:s31], $0x1A00, $0x38;
	[tilespmem:$0x1FC88] =	vst v63  }
0x62: {  	_ =	swait.ge [sflag:s12], $0x1A00  }
0x63: {  	[sflag:s12] =	ssyncset.done $0x0  }
0x64: {  	s3 =	sadd.s32 $0x1380, s18;
	[sflag:s12] =	ssyncadd.s32 $0xFFFFE600  }
0x65: {  	[hbm4b:s3+s4] =	stream.linear.scatter [tilespmem:s5], [sflag:$0x4], $0x1A00, $0x38;
	[tilespmem:$0x1FC88] =	vst v63  }
0x66: {  	_ =	swait.ge [sflag:s13], $0x1A00  }
0x67: {  	[sflag:s13] =	ssyncset.done $0x0  }
0x68: {  	s11 =	rddreg [dreg:$0x15];
	[sflag:s13] =	ssyncadd.s32 $0xFFFFE600  }
0x69: {  	[tilespmem:s5], [sflag:$0x3] =	stream.linear.gather [spmem:s11], $0x1A00, $0x38;
	[tilespmem:$0x1FC88] =	vst v63  }
0x6a: {  	_ =	swait.ge [sflag:s12], $0x1A00  }
0x6b: {  	[sflag:s12] =	ssyncset.done $0x0  }
0x6c: {  	s23 =	sadd.s32 $0x16C0, s18;
	[sflag:s12] =	ssyncadd.s32 $0xFFFFE600  }
0x6d: {  	[hbm4b:s23+s4] =	stream.linear.scatter [tilespmem:s6], [sflag:$0x4], $0x1A00, $0x38;
	[tilespmem:$0x1FC88] =	vst v63  }
0x6e: {  	_ =	swait.ge [sflag:s13], $0x1A00  }
0x6f: {  	[sflag:s13] =	ssyncset.done $0x0  }
0x70: {  	s24 =	rddreg [dreg:$0x16];
	[sflag:s13] =	ssyncadd.s32 $0xFFFFE600  }
0x71: {  	[tilespmem:s6], [sflag:$0x3] =	stream.linear.gather [spmem:s24], $0x1A00, $0x38;
	[tilespmem:$0x1FC88] =	vst v63  }
0x72: {  	_ =	swait.ge [sflag:s12], $0x1A00  }
0x73: {  	[sflag:s12] =	ssyncset.done $0x0  }
0x74: {  	s26 =	sadd.s32 $0x1A00, s18;
	[sflag:s12] =	ssyncadd.s32 $0xFFFFE600  }
0x75: {  	[hbm4b:s26+s4] =	stream.linear.scatter [tilespmem:s5], [sflag:$0x4], $0x1A00, $0x38;
	[tilespmem:$0x1FC88] =	vst v63  }
0x76: {  	_ =	swait.ge [sflag:s13], $0x1A00  }
0x77: {  	[sflag:s13] =	ssyncset.done $0x0  }
0x78: {  	s28 =	rddreg [dreg:$0x17];
	[sflag:s13] =	ssyncadd.s32 $0xFFFFE600  }
0x79: {  	[tilespmem:s5], [sflag:$0x3] =	stream.linear.gather [spmem:s28], $0x1A00, $0x38;
	[tilespmem:$0x1FC88] =	vst v63  }
0x7a: {  	_ =	swait.ge [sflag:s12], $0x1A00  }
0x7b: {  	[sflag:s12] =	ssyncset.done $0x0  }
0x7c: {  	s29 =	sadd.s32 $0x1D40, s18;
	[sflag:s12] =	ssyncadd.s32 $0xFFFFE600  }
0x7d: {  	[hbm4b:s29+s4] =	stream.linear.scatter [tilespmem:s6], [sflag:$0x4], $0x1A00, $0x38;
	[tilespmem:$0x1FC88] =	vst v63  }
0x7e: {  	_ =	swait.ge [sflag:s13], $0x1A00  }
0x7f: {  	[sflag:s13] =	ssyncset.done $0x0  }
0x80: {  	s30 =	rddreg [dreg:$0x18];
	[sflag:s13] =	ssyncadd.s32 $0xFFFFE600  }
0x81: {  	[tilespmem:s6], [sflag:$0x3] =	stream.linear.gather [spmem:s30], $0x1A00, $0x38;
	[tilespmem:$0x1FC88] =	vst v63  }
0x82: {  	_ =	swait.ge [sflag:s12], $0x1A00  }
0x83: {  	[sflag:s12] =	ssyncset.done $0x0  }
0x84: {  	s31 =	sadd.s32 $0x2080, s18;
	[sflag:s12] =	ssyncadd.s32 $0xFFFFE600  }
0x85: {  	[hbm4b:s31+s4] =	stream.linear.scatter [tilespmem:s5], [sflag:$0x4], $0x1A00, $0x38;
	[tilespmem:$0x1FC88] =	vst v63  }
0x86: {  	_ =	swait.ge [sflag:s13], $0x1A00  }
0x87: {  	[sflag:s13] =	ssyncset.done $0x0  }
0x88: {  	s3 =	rddreg [dreg:$0x19];
	[sflag:s13] =	ssyncadd.s32 $0xFFFFE600  }
0x89: {  	[tilespmem:s5], [sflag:$0x3] =	stream.linear.gather [spmem:s3], $0x1A00, $0x38;
	[tilespmem:$0x1FC88] =	vst v63  }
0x8a: {  	_ =	swait.ge [sflag:s12], $0x1A00  }
0x8b: {  	[sflag:s12] =	ssyncset.done $0x0  }
0x8c: {  	s11 =	sadd.s32 $0x23C0, s18;
	[sflag:s12] =	ssyncadd.s32 $0xFFFFE600  }
0x8d: {  	[hbm4b:s11+s4] =	stream.linear.scatter [tilespmem:s6], [sflag:$0x4], $0x1A00, $0x38;
	[tilespmem:$0x1FC88] =	vst v63  }
0x8e: {  	_ =	swait.ge [sflag:s13], $0x1A00  }
0x8f: {  	[sflag:s13] =	ssyncset.done $0x0  }
0x90: {  	s23 =	rddreg [dreg:$0x1a];
	[sflag:s13] =	ssyncadd.s32 $0xFFFFE600  }
0x91: {  	[tilespmem:s6], [sflag:$0x3] =	stream.linear.gather [spmem:s23], $0x1A00, $0x38;
	[tilespmem:$0x1FC88] =	vst v63  }
0x92: {  	_ =	swait.ge [sflag:s12], $0x1A00  }
0x93: {  	[sflag:s12] =	ssyncset.done $0x0  }
0x94: {  	s24 =	sadd.s32 $0x2700, s18;
	[sflag:s12] =	ssyncadd.s32 $0xFFFFE600  }
0x95: {  	[hbm4b:s24+s4] =	stream.linear.scatter [tilespmem:s5], [sflag:$0x4], $0x1A00, $0x38;
	[tilespmem:$0x1FC88] =	vst v63  }
0x96: {  	_ =	swait.ge [sflag:s13], $0x1A00  }
0x97: {  	[sflag:s13] =	ssyncset.done $0x0  }
0x98: {  	s26 =	rddreg [dreg:$0x1b];
	[sflag:s13] =	ssyncadd.s32 $0xFFFFE600  }
0x99: {  	[tilespmem:s5], [sflag:$0x3] =	stream.linear.gather [spmem:s26], $0x1A00, $0x38;
	[tilespmem:$0x1FC88] =	vst v63  }
0x9a: {  	_ =	swait.ge [sflag:s12], $0x1A00  }
0x9b: {  	[sflag:s12] =	ssyncset.done $0x0  }
0x9c: {  	s28 =	sadd.s32 $0x2A40, s18;
	[sflag:s12] =	ssyncadd.s32 $0xFFFFE600  }
0x9d: {  	[hbm4b:s28+s4] =	stream.linear.scatter [tilespmem:s6], [sflag:$0x4], $0x1A00, $0x38;
	[tilespmem:$0x1FC88] =	vst v63  }
0x9e: {  	_ =	swait.ge [sflag:s13], $0x1A00  }
0x9f: {  	[sflag:s13] =	ssyncset.done $0x0  }
0xa0: {  	s29 =	rddreg [dreg:$0x1c];
	[sflag:s13] =	ssyncadd.s32 $0xFFFFE600  }
0xa1: {  	[tilespmem:s6], [sflag:$0x3] =	stream.linear.gather [spmem:s29], $0x1A00, $0x38;
	[tilespmem:$0x1FC88] =	vst v63  }
0xa2: {  	_ =	swait.ge [sflag:s12], $0x1A00  }
0xa3: {  	[sflag:s12] =	ssyncset.done $0x0  }
0xa4: {  	s30 =	sadd.s32 $0x2D80, s18;
	[sflag:s12] =	ssyncadd.s32 $0xFFFFE600  }
0xa5: {  	[hbm4b:s30+s4] =	stream.linear.scatter [tilespmem:s5], [sflag:$0x4], $0x1A00, $0x38;
	[tilespmem:$0x1FC88] =	vst v63  }
0xa6: {  	_ =	swait.ge [sflag:s12], $0x1A00  }
0xa7: {  	[sflag:s12] =	ssyncset.done $0x0  }
0xa8: {  	s31 =	sadd.s32 $0x30C0, s18;
	[sflag:s12] =	ssyncadd.s32 $0xFFFFE600  }
0xa9: {  	[hbm4b:s31+s4] =	stream.linear.scatter [tilespmem:s6], [sflag:$0x4], $0x1A00, $0x38;
	[tilespmem:$0x1FC88] =	vst v63  }
0xaa: {  	_ =	swait.ge [sflag:s13], $0x1A00  }
0xab: {  	[sflag:s13] =	ssyncset.done $0x0  }
0xac: {  	[sflag:s13] =	ssyncadd.s32 $0xFFFFE600  }
0xad: {  	_ =	swait.ge [sflag:s13], $0x1A00  }
0xae: {  	[sflag:s13] =	ssyncset.done $0x0  }
0xaf: {  	[sflag:s13] =	ssyncadd.s32 $0xFFFFE600  }
.LBB2_34:
0xb0: {  	s14 =	sadd.s32 $0x1, s14  }
0xb1: {  	p0 =	sne.s32 s14, $0x15  }
.Ltmp4:
0xb2: {  	_ = 	snop;
	(pc) =	sbr.rel @!p0 .LBB2_35-.Ltmp4, $2  }
0xb3: {  	_ =	sdelay $0x2  }
0xb4: {  	s17 =	sadd.s32 $0x68000, s17;
	s16 =	sadd.s32 $0x340000, s16;
	s15 =	sadd.s32 $0x68000, s15  }
.LBB2_4:
0xb5: {  	p0 =	seq.s32 s14, $0x14  }
.Ltmp5:
0xb6: {  	s0 =	sshll.u32 s14, $0x1;
	s3 =	rddreg [dreg:$0x4];
	(pc) =	sbr.rel @!p0 .LBB2_5-.Ltmp5, $4  }
0xb7: {  	s0 =	sor.u32 s3, s0  }
0xb8: {  	s26 =	smul.u32 $0x1A0000, s0  }
0xb9: {  	s31 =	rddreg [dreg:$0x5]  }
0xba: {  	s18 =	sadd.s32 s31, s26  }
0xbb: {  	p1 =	sgt.u32 s16, $0x4416A04  }
0xbc: {  	p2 =	sgt.u32 @p1 s16, $0x4418403  }
0xbd: {  	p2 =	por p2, !p1  }
0xbe: {  	s0 =	sadd.s32 @!p2 $0x0, s17  }
0xbf: {  	s3 =	simm.s32 @!p2 $0x0;
	s28 =	simm.s32 @!p2 $0x2880;
	s29 =	simm.s32 @!p2 $0x6  }
0xc0: {  	[tilespmem:s28], [sflag:$0x6] =	stream.linear.gather @!p2 [hbm4b:s0+s3], $0xE04, $0x38;
	[tilespmem:$0x1FC88] =	vst v63  }
0xc1: {  	_ =	swait.ge @!p2 [sflag:s29], $0xE04  }
0xc2: {  	[sflag:s29] =	ssyncset.done @!p2 $0x0  }
0xc3: {  	s3 =	simm.s32 @!p2 $0x5;
	[sflag:s29] =	ssyncadd.s32 @!p2 $0xFFFFF1FC  }
0xc4: {  	[spmem:s10] =	stream.linear.scatter @!p2 [tilespmem:s28], [sflag:$0x5], $0xE04, $0x38;
	[tilespmem:$0x1FC88] =	vst v63  }
0xc5: {  	p1 =	por p1, p1;
	_ =	swait.ge @!p2 [sflag:s3], $0xE04  }
0xc6: {  	s0 =	simm.s32 @!p1 $0x6;
	s29 =	simm.s32 @!p1 $0x0;
	[sflag:s3] =	ssyncset.done @!p2 $0x0  }
0xc7: {  	s28 =	simm.s32 @!p1 $0x2880;
	[sflag:s3] =	ssyncadd.s32 @!p2 $0xFFFFF1FC;
	s3 =	sadd.s32 @!p1 $0x0, s17  }
0xc8: {  	[tilespmem:s28], [sflag:$0x6] =	stream.linear.gather @!p1 [hbm4b:s3+s29], $0x1A00, $0x38;
	[tilespmem:$0x1FC88] =	vst v63  }
0xc9: {  	_ =	swait.ge @!p1 [sflag:s0], $0x1A00  }
0xca: {  	s30 =	sadd.s32 $0x1A00, s16;
	s31 =	simm.s32 $0x680;
	[sflag:s0] =	ssyncset.done @!p1 $0x0  }
0xcb: {  	p2 =	sgt.u32 s30, $0x4416A04;
	s29 =	simm.s32 $0x340;
	[sflag:s0] =	ssyncadd.s32 @!p1 $0xFFFFE600  }
0xcc: {  	[spmem:s10] =	stream.linear.scatter @!p1 [tilespmem:s28], [sflag:$0x6], $0x1A00, $0x38;
	[tilespmem:$0x1FC88] =	vst v63  }
0xcd: {  	p4 =	sgt.u32 @p2 s30, $0x4418403;
	s28 =	sadd.s32 $0x1A00, s10;
	_ =	swait.ge @!p1 [sflag:s0], $0x1A00  }
.LBB2_7:
0xce: {  	p4 =	por p4, !p2  }
0xcf: {  	[sflag:s0] =	ssyncset.done @!p1 $0x0;
	s3 =	smov.u32 s31;
	s31 =	sadd.s32 $0x340, s31  }
0xd0: {  	s23 =	sadd.s32 @!p4 s29, s17;
	s24 =	simm.s32 @!p4 $0x0;
	[sflag:s0] =	ssyncadd.s32 @!p1 $0xFFFFE600  }
0xd1: {  	p3 =	sne.s32 s31, $0x3400;
	s0 =	simm.s32 @!p4 $0x2880;
	s11 =	simm.s32 @!p4 $0x6  }
0xd2: {  	[tilespmem:s0], [sflag:$0x6] =	stream.linear.gather @!p4 [hbm4b:s23+s24], $0xE04, $0x38;
	[tilespmem:$0x1FC88] =	vst v63  }
0xd3: {  	p1 =	por p2, p2;
	_ =	swait.ge @!p4 [sflag:s11], $0xE04  }
0xd4: {  	[sflag:s11] =	ssyncset.done @!p4 $0x0  }
0xd5: {  	[sflag:s11] =	ssyncadd.s32 @!p4 $0xFFFFF1FC;
	s11 =	simm.s32 @!p4 $0x5  }
0xd6: {  	[spmem:s28] =	stream.linear.scatter @!p4 [tilespmem:s0], [sflag:$0x5], $0xE04, $0x38;
	[tilespmem:$0x1FC88] =	vst v63  }
0xd7: {  	_ =	swait.ge @!p4 [sflag:s11], $0xE04  }
0xd8: {  	s23 =	simm.s32 @!p1 $0x2880;
	s0 =	simm.s32 @!p1 $0x6;
	[sflag:s11] =	ssyncset.done @!p4 $0x0  }
0xd9: {  	s24 =	simm.s32 @!p1 $0x0;
	[sflag:s11] =	ssyncadd.s32 @!p4 $0xFFFFF1FC;
	s11 =	sadd.s32 @!p1 s29, s17  }
0xda: {  	[tilespmem:s23], [sflag:$0x6] =	stream.linear.gather @!p1 [hbm4b:s11+s24], $0x1A00, $0x38;
	[tilespmem:$0x1FC88] =	vst v63  }
.Ltmp6:
0xdb: {  	s29 =	smov.u32 s3;
	_ =	swait.ge @!p1 [sflag:s0], $0x1A00;
	(pc) =	sbr.rel @p3 .LBB2_7-.Ltmp6, $4  }
0xdc: {  	s30 =	sadd.s32 $0x1A00, s30;
	[sflag:s0] =	ssyncset.done @!p1 $0x0  }
0xdd: {  	p2 =	sgt.u32 s30, $0x4416A04;
	[sflag:s0] =	ssyncadd.s32 @!p1 $0xFFFFE600  }
0xde: {  	[spmem:s28] =	stream.linear.scatter @!p1 [tilespmem:s23], [sflag:$0x6], $0x1A00, $0x38;
	[tilespmem:$0x1FC88] =	vst v63  }
0xdf: {  	p4 =	sgt.u32 @p2 s30, $0x4418403;
	s28 =	sadd.s32 $0x1A00, s28;
	_ =	swait.ge @!p1 [sflag:s0], $0x1A00  }
0xe0: {  	p3 =	por p4, !p2  }
0xe1: {  	[sflag:s0] =	ssyncset.done @!p1 $0x0;
	s3 =	sadd.s32 @!p3 s29, s17;
	s11 =	simm.s32 @!p3 $0x0  }
0xe2: {  	[sflag:s0] =	ssyncadd.s32 @!p1 $0xFFFFE600;
	s0 =	simm.s32 @!p3 $0x2880;
	s23 =	simm.s32 @!p3 $0x6  }
0xe3: {  	[tilespmem:s0], [sflag:$0x6] =	stream.linear.gather @!p3 [hbm4b:s3+s11], $0xE04, $0x38;
	[tilespmem:$0x1FC88] =	vst v63  }
0xe4: {  	_ =	swait.ge @!p3 [sflag:s23], $0xE04  }
0xe5: {  	[sflag:s23] =	ssyncset.done @!p3 $0x0  }
0xe6: {  	s3 =	simm.s32 @!p3 $0x5;
	[sflag:s23] =	ssyncadd.s32 @!p3 $0xFFFFF1FC  }
0xe7: {  	[spmem:s28] =	stream.linear.scatter @!p3 [tilespmem:s0], [sflag:$0x5], $0xE04, $0x38;
	[tilespmem:$0x1FC88] =	vst v63  }
0xe8: {  	p1 =	por p2, p2;
	_ =	swait.ge @!p3 [sflag:s3], $0xE04  }
0xe9: {  	s11 =	simm.s32 @!p1 $0x6;
	s23 =	simm.s32 @!p1 $0x0;
	[sflag:s3] =	ssyncset.done @!p3 $0x0  }
0xea: {  	s0 =	simm.s32 @!p1 $0x2880;
	[sflag:s3] =	ssyncadd.s32 @!p3 $0xFFFFF1FC;
	s3 =	sadd.s32 @!p1 s29, s17  }
0xeb: {  	[tilespmem:s0], [sflag:$0x6] =	stream.linear.gather @!p1 [hbm4b:s3+s23], $0x1A00, $0x38;
	[tilespmem:$0x1FC88] =	vst v63  }
0xec: {  	_ =	swait.ge @!p1 [sflag:s11], $0x1A00  }
0xed: {  	[sflag:s11] =	ssyncset.done @!p1 $0x0  }
.Ltmp7:
0xee: {  	[sflag:s11] =	ssyncadd.s32 @!p1 $0xFFFFE600;
	(pc) =	sbr.rel .LBB2_9-.Ltmp7, $4  }
0xef: {  	[spmem:s28] =	stream.linear.scatter @!p1 [tilespmem:s0], [sflag:$0x6], $0x1A00, $0x38;
	[tilespmem:$0x1FC88] =	vst v63  }
0xf0: {  	_ =	swait.ge @!p1 [sflag:s11], $0x1A00  }
0xf1: {  	[sflag:s11] =	ssyncset.done @!p1 $0x0  }
0xf2: {  	[sflag:s11] =	ssyncadd.s32 @!p1 $0xFFFFE600  }
.LBB2_5:
0xf3: {  	s0 =	sshrl.u32 s18, $0x3;
	s3 =	rddreg [dreg:$0x1]  }
0xf4: {  	s30 =	rddreg [dreg:$0x7];
	s28 =	sadd.s32 s3, s0  }
0xf5: {  	[tilespmem:s5], [sflag:$0x3] =	stream.linear.gather [hbm4b:s28+s4], $0x1A00, $0x38;
	[tilespmem:$0x1FC88] =	vst v63  }
0xf6: {  	s0 =	sadd.s32 s0, s30  }
0xf7: {  	[tilespmem:s6], [sflag:$0x3] =	stream.linear.gather [hbm4b:s0+s4], $0x1A00, $0x38;
	[tilespmem:$0x1FC88] =	vst v63  }
0xf8: {  	_ =	swait.ge [sflag:s12], $0x1A00  }
0xf9: {  	[sflag:s12] =	ssyncset.done $0x0  }
0xfa: {  	[sflag:s12] =	ssyncadd.s32 $0xFFFFE600  }
0xfb: {  	[spmem:s10] =	stream.linear.scatter [tilespmem:s5], [sflag:$0x4], $0x1A00, $0x38;
	[tilespmem:$0x1FC88] =	vst v63  }
0xfc: {  	_ =	swait.ge [sflag:s13], $0x1A00  }
0xfd: {  	[sflag:s13] =	ssyncset.done $0x0  }
0xfe: {  	s31 =	sadd.s32 $0x680, s28;
	[sflag:s13] =	ssyncadd.s32 $0xFFFFE600  }
0xff: {  	[tilespmem:s5], [sflag:$0x3] =	stream.linear.gather [hbm4b:s31+s4], $0x1A00, $0x38;
	[tilespmem:$0x1FC88] =	vst v63  }
0x100: {  	_ =	swait.ge [sflag:s12], $0x1A00  }
0x101: {  	[sflag:s12] =	ssyncset.done $0x0  }
0x102: {  	s3 =	rddreg [dreg:$0x8];
	[sflag:s12] =	ssyncadd.s32 $0xFFFFE600  }
0x103: {  	[spmem:s3] =	stream.linear.scatter [tilespmem:s6], [sflag:$0x4], $0x1A00, $0x38;
	[tilespmem:$0x1FC88] =	vst v63  }
0x104: {  	_ =	swait.ge [sflag:s13], $0x1A00  }
0x105: {  	[sflag:s13] =	ssyncset.done $0x0  }
0x106: {  	s11 =	sadd.s32 $0x9C0, s28;
	[sflag:s13] =	ssyncadd.s32 $0xFFFFE600  }
0x107: {  	[tilespmem:s6], [sflag:$0x3] =	stream.linear.gather [hbm4b:s11+s4], $0x1A00, $0x38;
	[tilespmem:$0x1FC88] =	vst v63  }
0x108: {  	_ =	swait.ge [sflag:s12], $0x1A00  }
0x109: {  	[sflag:s12] =	ssyncset.done $0x0  }
0x10a: {  	s23 =	rddreg [dreg:$0x9];
	[sflag:s12] =	ssyncadd.s32 $0xFFFFE600  }
0x10b: {  	[spmem:s23] =	stream.linear.scatter [tilespmem:s5], [sflag:$0x4], $0x1A00, $0x38;
	[tilespmem:$0x1FC88] =	vst v63  }
0x10c: {  	_ =	swait.ge [sflag:s13], $0x1A00  }
0x10d: {  	[sflag:s13] =	ssyncset.done $0x0  }
0x10e: {  	s24 =	sadd.s32 $0xD00, s28;
	[sflag:s13] =	ssyncadd.s32 $0xFFFFE600  }
0x10f: {  	[tilespmem:s5], [sflag:$0x3] =	stream.linear.gather [hbm4b:s24+s4], $0x1A00, $0x38;
	[tilespmem:$0x1FC88] =	vst v63  }
0x110: {  	_ =	swait.ge [sflag:s12], $0x1A00  }
0x111: {  	[sflag:s12] =	ssyncset.done $0x0  }
0x112: {  	s29 =	rddreg [dreg:$0xa];
	[sflag:s12] =	ssyncadd.s32 $0xFFFFE600  }
0x113: {  	[spmem:s29] =	stream.linear.scatter [tilespmem:s6], [sflag:$0x4], $0x1A00, $0x38;
	[tilespmem:$0x1FC88] =	vst v63  }
0x114: {  	_ =	swait.ge [sflag:s13], $0x1A00  }
0x115: {  	[sflag:s13] =	ssyncset.done $0x0  }
0x116: {  	s30 =	sadd.s32 $0x1040, s28;
	[sflag:s13] =	ssyncadd.s32 $0xFFFFE600  }
0x117: {  	[tilespmem:s6], [sflag:$0x3] =	stream.linear.gather [hbm4b:s30+s4], $0x1A00, $0x38;
	[tilespmem:$0x1FC88] =	vst v63  }
0x118: {  	_ =	swait.ge [sflag:s12], $0x1A00  }
0x119: {  	[sflag:s12] =	ssyncset.done $0x0  }
0x11a: {  	s31 =	rddreg [dreg:$0xb];
	[sflag:s12] =	ssyncadd.s32 $0xFFFFE600  }
0x11b: {  	[spmem:s31] =	stream.linear.scatter [tilespmem:s5], [sflag:$0x4], $0x1A00, $0x38;
	[tilespmem:$0x1FC88] =	vst v63  }
0x11c: {  	_ =	swait.ge [sflag:s13], $0x1A00  }
0x11d: {  	[sflag:s13] =	ssyncset.done $0x0  }
0x11e: {  	s3 =	sadd.s32 $0x1380, s28;
	[sflag:s13] =	ssyncadd.s32 $0xFFFFE600  }
0x11f: {  	[tilespmem:s5], [sflag:$0x3] =	stream.linear.gather [hbm4b:s3+s4], $0x1A00, $0x38;
	[tilespmem:$0x1FC88] =	vst v63  }
0x120: {  	_ =	swait.ge [sflag:s12], $0x1A00  }
0x121: {  	[sflag:s12] =	ssyncset.done $0x0  }
0x122: {  	s11 =	rddreg [dreg:$0xc];
	[sflag:s12] =	ssyncadd.s32 $0xFFFFE600  }
0x123: {  	[spmem:s11] =	stream.linear.scatter [tilespmem:s6], [sflag:$0x4], $0x1A00, $0x38;
	[tilespmem:$0x1FC88] =	vst v63  }
0x124: {  	_ =	swait.ge [sflag:s13], $0x1A00  }
0x125: {  	[sflag:s13] =	ssyncset.done $0x0  }
0x126: {  	s23 =	sadd.s32 $0x16C0, s28;
	[sflag:s13] =	ssyncadd.s32 $0xFFFFE600  }
0x127: {  	[tilespmem:s6], [sflag:$0x3] =	stream.linear.gather [hbm4b:s23+s4], $0x1A00, $0x38;
	[tilespmem:$0x1FC88] =	vst v63  }
0x128: {  	_ =	swait.ge [sflag:s12], $0x1A00  }
0x129: {  	[sflag:s12] =	ssyncset.done $0x0  }
0x12a: {  	s24 =	rddreg [dreg:$0xd];
	[sflag:s12] =	ssyncadd.s32 $0xFFFFE600  }
0x12b: {  	[spmem:s24] =	stream.linear.scatter [tilespmem:s5], [sflag:$0x4], $0x1A00, $0x38;
	[tilespmem:$0x1FC88] =	vst v63  }
0x12c: {  	_ =	swait.ge [sflag:s13], $0x1A00  }
0x12d: {  	[sflag:s13] =	ssyncset.done $0x0  }
0x12e: {  	s29 =	sadd.s32 $0x1A00, s28;
	[sflag:s13] =	ssyncadd.s32 $0xFFFFE600  }
0x12f: {  	[tilespmem:s5], [sflag:$0x3] =	stream.linear.gather [hbm4b:s29+s4], $0x1A00, $0x38;
	[tilespmem:$0x1FC88] =	vst v63  }
0x130: {  	_ =	swait.ge [sflag:s12], $0x1A00  }
0x131: {  	[sflag:s12] =	ssyncset.done $0x0  }
0x132: {  	s30 =	rddreg [dreg:$0xe];
	[sflag:s12] =	ssyncadd.s32 $0xFFFFE600  }
0x133: {  	[spmem:s30] =	stream.linear.scatter [tilespmem:s6], [sflag:$0x4], $0x1A00, $0x38;
	[tilespmem:$0x1FC88] =	vst v63  }
0x134: {  	_ =	swait.ge [sflag:s13], $0x1A00  }
0x135: {  	[sflag:s13] =	ssyncset.done $0x0  }
0x136: {  	s31 =	sadd.s32 $0x1D40, s28;
	[sflag:s13] =	ssyncadd.s32 $0xFFFFE600  }
0x137: {  	[tilespmem:s6], [sflag:$0x3] =	stream.linear.gather [hbm4b:s31+s4], $0x1A00, $0x38;
	[tilespmem:$0x1FC88] =	vst v63  }
0x138: {  	_ =	swait.ge [sflag:s12], $0x1A00  }
0x139: {  	[sflag:s12] =	ssyncset.done $0x0  }
0x13a: {  	s3 =	rddreg [dreg:$0x15];
	[sflag:s12] =	ssyncadd.s32 $0xFFFFE600  }
0x13b: {  	[spmem:s3] =	stream.linear.scatter [tilespmem:s5], [sflag:$0x4], $0x1A00, $0x38;
	[tilespmem:$0x1FC88] =	vst v63  }
0x13c: {  	_ =	swait.ge [sflag:s13], $0x1A00  }
0x13d: {  	[sflag:s13] =	ssyncset.done $0x0  }
0x13e: {  	s11 =	sadd.s32 $0x2080, s28;
	[sflag:s13] =	ssyncadd.s32 $0xFFFFE600  }
0x13f: {  	[tilespmem:s5], [sflag:$0x3] =	stream.linear.gather [hbm4b:s11+s4], $0x1A00, $0x38;
	[tilespmem:$0x1FC88] =	vst v63  }
0x140: {  	_ =	swait.ge [sflag:s12], $0x1A00  }
0x141: {  	[sflag:s12] =	ssyncset.done $0x0  }
0x142: {  	s23 =	rddreg [dreg:$0x16];
	[sflag:s12] =	ssyncadd.s32 $0xFFFFE600  }
0x143: {  	[spmem:s23] =	stream.linear.scatter [tilespmem:s6], [sflag:$0x4], $0x1A00, $0x38;
	[tilespmem:$0x1FC88] =	vst v63  }
0x144: {  	_ =	swait.ge [sflag:s13], $0x1A00  }
0x145: {  	[sflag:s13] =	ssyncset.done $0x0  }
0x146: {  	s24 =	sadd.s32 $0x23C0, s28;
	[sflag:s13] =	ssyncadd.s32 $0xFFFFE600  }
0x147: {  	[tilespmem:s6], [sflag:$0x3] =	stream.linear.gather [hbm4b:s24+s4], $0x1A00, $0x38;
	[tilespmem:$0x1FC88] =	vst v63  }
0x148: {  	_ =	swait.ge [sflag:s12], $0x1A00  }
0x149: {  	[sflag:s12] =	ssyncset.done $0x0  }
0x14a: {  	s29 =	rddreg [dreg:$0x17];
	[sflag:s12] =	ssyncadd.s32 $0xFFFFE600  }
0x14b: {  	[spmem:s29] =	stream.linear.scatter [tilespmem:s5], [sflag:$0x4], $0x1A00, $0x38;
	[tilespmem:$0x1FC88] =	vst v63  }
0x14c: {  	_ =	swait.ge [sflag:s13], $0x1A00  }
0x14d: {  	[sflag:s13] =	ssyncset.done $0x0  }
0x14e: {  	s30 =	sadd.s32 $0x2700, s28;
	[sflag:s13] =	ssyncadd.s32 $0xFFFFE600  }
0x14f: {  	[tilespmem:s5], [sflag:$0x3] =	stream.linear.gather [hbm4b:s30+s4], $0x1A00, $0x38;
	[tilespmem:$0x1FC88] =	vst v63  }
0x150: {  	_ =	swait.ge [sflag:s12], $0x1A00  }
0x151: {  	[sflag:s12] =	ssyncset.done $0x0  }
0x152: {  	s31 =	rddreg [dreg:$0x18];
	[sflag:s12] =	ssyncadd.s32 $0xFFFFE600  }
0x153: {  	[spmem:s31] =	stream.linear.scatter [tilespmem:s6], [sflag:$0x4], $0x1A00, $0x38;
	[tilespmem:$0x1FC88] =	vst v63  }
0x154: {  	_ =	swait.ge [sflag:s13], $0x1A00  }
0x155: {  	[sflag:s13] =	ssyncset.done $0x0  }
0x156: {  	s3 =	sadd.s32 $0x2A40, s28;
	[sflag:s13] =	ssyncadd.s32 $0xFFFFE600  }
0x157: {  	[tilespmem:s6], [sflag:$0x3] =	stream.linear.gather [hbm4b:s3+s4], $0x1A00, $0x38;
	[tilespmem:$0x1FC88] =	vst v63  }
0x158: {  	_ =	swait.ge [sflag:s12], $0x1A00  }
0x159: {  	[sflag:s12] =	ssyncset.done $0x0  }
0x15a: {  	s11 =	rddreg [dreg:$0x19];
	[sflag:s12] =	ssyncadd.s32 $0xFFFFE600  }
0x15b: {  	[spmem:s11] =	stream.linear.scatter [tilespmem:s5], [sflag:$0x4], $0x1A00, $0x38;
	[tilespmem:$0x1FC88] =	vst v63  }
0x15c: {  	_ =	swait.ge [sflag:s13], $0x1A00  }
0x15d: {  	[sflag:s13] =	ssyncset.done $0x0  }
0x15e: {  	s23 =	sadd.s32 $0x2D80, s28;
	[sflag:s13] =	ssyncadd.s32 $0xFFFFE600  }
0x15f: {  	[tilespmem:s5], [sflag:$0x3] =	stream.linear.gather [hbm4b:s23+s4], $0x1A00, $0x38;
	[tilespmem:$0x1FC88] =	vst v63  }
0x160: {  	_ =	swait.ge [sflag:s12], $0x1A00  }
0x161: {  	[sflag:s12] =	ssyncset.done $0x0  }
0x162: {  	s24 =	rddreg [dreg:$0x1a];
	[sflag:s12] =	ssyncadd.s32 $0xFFFFE600  }
0x163: {  	[spmem:s24] =	stream.linear.scatter [tilespmem:s6], [sflag:$0x4], $0x1A00, $0x38;
	[tilespmem:$0x1FC88] =	vst v63  }
0x164: {  	_ =	swait.ge [sflag:s13], $0x1A00  }
0x165: {  	[sflag:s13] =	ssyncset.done $0x0  }
0x166: {  	s29 =	sadd.s32 $0x30C0, s28;
	[sflag:s13] =	ssyncadd.s32 $0xFFFFE600  }
0x167: {  	[tilespmem:s6], [sflag:$0x3] =	stream.linear.gather [hbm4b:s29+s4], $0x1A00, $0x38;
	[tilespmem:$0x1FC88] =	vst v63  }
0x168: {  	_ =	swait.ge [sflag:s12], $0x1A00  }
0x169: {  	[sflag:s12] =	ssyncset.done $0x0  }
0x16a: {  	s30 =	rddreg [dreg:$0x1b];
	[sflag:s12] =	ssyncadd.s32 $0xFFFFE600  }
0x16b: {  	[spmem:s30] =	stream.linear.scatter [tilespmem:s5], [sflag:$0x4], $0x1A00, $0x38;
	[tilespmem:$0x1FC88] =	vst v63  }
0x16c: {  	_ =	swait.ge [sflag:s12], $0x1A00  }
0x16d: {  	[sflag:s12] =	ssyncset.done $0x0  }
0x16e: {  	s31 =	rddreg [dreg:$0x1c];
	[sflag:s12] =	ssyncadd.s32 $0xFFFFE600  }
0x16f: {  	[spmem:s31] =	stream.linear.scatter [tilespmem:s6], [sflag:$0x4], $0x1A00, $0x38;
	[tilespmem:$0x1FC88] =	vst v63  }
0x170: {  	_ =	swait.ge [sflag:s13], $0x1A00  }
0x171: {  	[sflag:s13] =	ssyncset.done $0x0  }
0x172: {  	[sflag:s13] =	ssyncadd.s32 $0xFFFFE600  }
0x173: {  	_ =	swait.ge [sflag:s13], $0x1A00  }
0x174: {  	[sflag:s13] =	ssyncset.done $0x0  }
0x175: {  	[sflag:s13] =	ssyncadd.s32 $0xFFFFE600  }
.LBB2_9:
0x176: {  	[bflag:$0x0] =	sbarrier.arrive $0xFFFF  }
0x177: {  	s28 =	simm.s32 $0x0;
	s0 =	rddreg [dreg:$0xf]  }
0x178: {  	[tilespmem:s28], [sflag:$0x1] =	stream.linear.gather [hbm4b:s0+s28], $0x800, $0x38;
	[tilespmem:$0x1FC88] =	vst v63  }
0x179: {  	v6 =	vmov s26;
	s26 =	simm.s32 $0x0;
	s31 =	rddreg [dreg:$0x1d]  }
0x17a: {  	[tilespmem:s25], [sflag:$0x1] =	stream.linear.gather [hbm4b:s31+s28], $0x800, $0x38;
	[tilespmem:$0x1FC88] =	vst v63  }
.LBB2_10:
.Ltmp8:
0x17b: {  	(pc) =	sbr.rel .LBB2_11-.Ltmp8, $4  }
0x17c: {  	_ = 	snop  }
0x17d: {  	_ =	swait.ge [sflag:s19], $0x800  }
0x17e: {  	[sflag:s19] =	ssyncset.done $0x0  }
0x17f: {  	s29 =	simm.s32 $0x0;
	[sflag:s19] =	ssyncadd.s32 $0xFFFFF800  }
.LBB2_15:
0x180: {  	s29 =	sadd.s32 $0x1, s29  }
0x181: {  	p1 =	sne.s32 s29, $0x20  }
.Ltmp9:
0x182: {  	_ = 	snop;
	(pc) =	sbr.rel @!p1 .LBB2_16-.Ltmp9, $1  }
0x183: {  	_ =	sdelay $0x3  }
.LBB2_11:
0x184: {  	s0 =	sshll.u32 s29, $0x6  }
0x185: {  	s0 =	sand.u32 $0x3FFFFFC0, s0  }
0x186: {  	v7 =	vld [tilespmem:s0+$0x0];
	_ =	sdelay $0x4  }
0x187: {  	v7 =	vsub.s32 v7, v6  }
0x188: {  	vm0 =	vlt.u32 v7, $0x1A0000  }
0x189: {  	[tilespmem:s28+$0x1800] =	vst.msk vm0, v7;
	v7 =	vmpcnt.ones.xlane vm0  }
0x18a: {  	v8 =	vld [tilespmem:s0+$0x10]  }
0x18b: {  	(v2sf) =	vpush v7, $0x0;
	_ =	sdelay $0x3  }
0x18c: {  	v7 =	vsub.s32 v8, v6  }
0x18d: {  	vm13 =	vlt.u32 v7, $0x1A0000  }
0x18e: {  	v8 =	vmpcnt.ones.xlane vm13;
	_ =	sdelay $0x1  }
0x18f: {  	(v2sf) =	vpush v8, $0x0;
	_ =	sdelay $0x6  }
0x190: {  	s3 =	spop (v2sf)  }
0x191: {  	s3 =	sadd.s32 s28, s3  }
0x192: {  	[tilespmem:s3+$0x1800] =	vst.msk vm13, v7  }
0x193: {  	v7 =	vld [tilespmem:s0+$0x20];
	_ =	sdelay $0x4  }
0x194: {  	s11 =	spop (v2sf);
	v7 =	vsub.s32 v7, v6  }
0x195: {  	s3 =	sadd.s32 s3, s11;
	vm14 =	vlt.u32 v7, $0x1A0000  }
0x196: {  	[tilespmem:s3+$0x1800] =	vst.msk vm14, v7  }
0x197: {  	v7 =	vld [tilespmem:s0+$0x30];
	_ =	sdelay $0x4  }
0x198: {  	v7 =	vsub.s32 v7, v6  }
0x199: {  	v8 =	vmpcnt.ones.xlane vm14;
	vm15 =	vlt.u32 v7, $0x1A0000  }
0x19a: {  	v9 =	vmpcnt.ones.xlane vm15  }
0x19b: {  	(v2sf) =	vpush v8, $0x0  }
0x19c: {  	(v2sf) =	vpush v9, $0x0;
	_ =	sdelay $0xd  }
0x19d: {  	s30 =	spop (v2sf)  }
0x19e: {  	s0 =	sadd.s32 s3, s30;
	s31 =	spop (v2sf)  }
0x19f: {  	s28 =	sadd.s32 s0, s31  }
0x1a0: {  	p1 =	slt.s32 s28, $0x800  }
.Ltmp10:
0x1a1: {  	_ = 	snop;
	(pc) =	sbr.rel @p1 .LBB2_15-.Ltmp10, $2  }
0x1a2: {  	_ =	sdelay $0x2  }
0x1a3: {  	s3 =	simm.s32 $0x0;
	[tilespmem:s0+$0x1800] =	vst.msk vm15, v7  }
0x1a4: {  	s0 =	sshra.s32 s3, $0x2  }
0x1a5: {  	s30 =	sadd.s32 $0x40, s3;
	v7 =	vld [tilespmem:s0+$0x1800]  }
.LBB2_13:
0x1a6: {  	p1 =	sne.s32 s30, $0x1FC0  }
.Ltmp11:
0x1a7: {  	_ = 	snop;
	(pc) =	sbr.rel @p1 .LBB2_13-.Ltmp11, $3  }
0x1a8: {  	_ =	sdelay $0x1  }
0x1a9: {  	[tilespmem:s0+$0x2080] =	vst v7;
	s0 =	sshra.s32 s30, $0x2;
	s30 =	sadd.s32 $0x40, s30  }
0x1aa: {  	v7 =	vld [tilespmem:s0+$0x1800]  }
0x1ab: {  	_ =	sdelay $0x3  }
0x1ac: {  	[tilespmem:s0+$0x2080] =	vst v7  }
0x1ad: {  	[spmem:s2] =	stream.indirect.scatter.add.f32 [tilespmem:s8], [sflag:$0x2], $0x1, s1, s25, $0xb8;
	[tilespmem:$0x1FC88] =	vst v63  }
0x1ae: {  	s28 =	sadd.s32 $0xFFFFF800, s28;
	_ =	swait.ge [sflag:s9], $0x800  }
0x1af: {  	v7 =	vmov s28;
	[sflag:s9] =	ssyncset.done $0x0  }
0x1b0: {  	vm0 =	vgt.s32 v7, v0;
	[sflag:s9] =	ssyncadd.s32 $0xFFFFF800  }
0x1b1: {  	v8 =	vld [tilespmem:$0x2000];
	_ =	sdelay $0x4  }
0x1b2: {  	vm13 =	vgt.s32 v7, v2;
	[tilespmem:v0+s22+$0x0] =	vst.idx.msk vm0, v8  }
0x1b3: {  	v8 =	vld [tilespmem:$0x2010];
	_ =	sdelay $0x4  }
0x1b4: {  	vm14 =	vgt.s32 v7, v3;
	[tilespmem:v2+s22+$0x0] =	vst.idx.msk vm13, v8  }
0x1b5: {  	v8 =	vld [tilespmem:$0x2020];
	_ =	sdelay $0x4  }
0x1b6: {  	vm15 =	vgt.s32 v7, v4;
	[tilespmem:v3+s22+$0x0] =	vst.idx.msk vm14, v8  }
0x1b7: {  	v7 =	vld [tilespmem:$0x2030]  }
.Ltmp12:
0x1b8: {  	_ = 	snop;
	(pc) =	sbr.rel .LBB2_15-.Ltmp12, $2  }
0x1b9: {  	_ =	sdelay $0x2  }
0x1ba: {  	[tilespmem:v4+s22+$0x0] =	vst.idx.msk vm15, v7  }
.LBB2_16:
0x1bb: {  	s29 =	sshll.u32 s26, $0xC;
	p1 =	seq.s32 s26, $0x31  }
0x1bc: {  	s0 =	sadd.s32 @!p1 s29, s20  }
0x1bd: {  	s0 =	sshrl.u32 @!p1 s0, $0x3  }
.Ltmp13:
0x1be: {  	s3 =	simm.s32 @!p1 $0x0;
	s0 =	sadd.s32 @!p1 s7, s0;
	(pc) =	sbr.rel .LBB2_17-.Ltmp13, $4  }
0x1bf: {  	[tilespmem:s3], [sflag:$0x1] =	stream.linear.gather @!p1 [hbm4b:s0+s3], $0x800, $0x38;
	[tilespmem:$0x1FC88] =	vst v63  }
0x1c0: {  	_ =	swait.ge [sflag:s19], $0x800  }
0x1c1: {  	[sflag:s19] =	ssyncset.done $0x0  }
0x1c2: {  	s30 =	simm.s32 $0x0;
	s31 =	simm.s32 $0x0;
	[sflag:s19] =	ssyncadd.s32 $0xFFFFF800  }
.LBB2_21:
0x1c3: {  	s31 =	sadd.s32 $0x1, s31  }
0x1c4: {  	p2 =	sne.s32 s31, $0x20  }
.Ltmp14:
0x1c5: {  	_ = 	snop;
	(pc) =	sbr.rel @!p2 .LBB2_22-.Ltmp14, $1  }
0x1c6: {  	_ =	sdelay $0x3  }
.LBB2_17:
0x1c7: {  	s0 =	sshll.u32 s31, $0x6  }
0x1c8: {  	s0 =	sand.u32 $0x3FFFFFC0, s0  }
0x1c9: {  	v7 =	vld [tilespmem:s0+$0x800];
	_ =	sdelay $0x4  }
0x1ca: {  	v7 =	vsub.s32 v7, v6  }
0x1cb: {  	vm0 =	vlt.u32 v7, $0x1A0000  }
0x1cc: {  	[tilespmem:s28+$0x1800] =	vst.msk vm0, v7;
	v7 =	vmpcnt.ones.xlane vm0  }
0x1cd: {  	v8 =	vld [tilespmem:s0+$0x810]  }
0x1ce: {  	(v2sf) =	vpush v7, $0x0;
	_ =	sdelay $0x3  }
0x1cf: {  	v7 =	vsub.s32 v8, v6  }
0x1d0: {  	vm13 =	vlt.u32 v7, $0x1A0000  }
0x1d1: {  	v8 =	vmpcnt.ones.xlane vm13;
	_ =	sdelay $0x1  }
0x1d2: {  	(v2sf) =	vpush v8, $0x0;
	_ =	sdelay $0x6  }
0x1d3: {  	s3 =	spop (v2sf)  }
0x1d4: {  	s3 =	sadd.s32 s28, s3  }
0x1d5: {  	[tilespmem:s3+$0x1800] =	vst.msk vm13, v7  }
0x1d6: {  	v7 =	vld [tilespmem:s0+$0x820];
	_ =	sdelay $0x4  }
0x1d7: {  	s11 =	spop (v2sf);
	v7 =	vsub.s32 v7, v6  }
0x1d8: {  	s3 =	sadd.s32 s3, s11;
	vm14 =	vlt.u32 v7, $0x1A0000  }
0x1d9: {  	[tilespmem:s3+$0x1800] =	vst.msk vm14, v7  }
0x1da: {  	v7 =	vld [tilespmem:s0+$0x830];
	_ =	sdelay $0x4  }
0x1db: {  	v7 =	vsub.s32 v7, v6  }
0x1dc: {  	v8 =	vmpcnt.ones.xlane vm14;
	vm15 =	vlt.u32 v7, $0x1A0000  }
0x1dd: {  	v9 =	vmpcnt.ones.xlane vm15  }
0x1de: {  	(v2sf) =	vpush v8, $0x0  }
0x1df: {  	(v2sf) =	vpush v9, $0x0;
	_ =	sdelay $0xd  }
0x1e0: {  	s23 =	spop (v2sf)  }
0x1e1: {  	s0 =	sadd.s32 s3, s23;
	s24 =	spop (v2sf)  }
0x1e2: {  	s28 =	sadd.s32 s0, s24  }
0x1e3: {  	p2 =	slt.s32 s28, $0x800  }
.Ltmp15:
0x1e4: {  	_ = 	snop;
	(pc) =	sbr.rel @p2 .LBB2_21-.Ltmp15, $2  }
0x1e5: {  	_ =	sdelay $0x2  }
0x1e6: {  	[tilespmem:s0+$0x1800] =	vst.msk vm15, v7  }
0x1e7: {  	s0 =	sshra.s32 s30, $0x2  }
0x1e8: {  	s3 =	sadd.s32 $0x40, s30;
	v7 =	vld [tilespmem:s0+$0x1800]  }
.LBB2_19:
0x1e9: {  	p2 =	sne.s32 s3, $0x1FC0  }
.Ltmp16:
0x1ea: {  	_ = 	snop;
	(pc) =	sbr.rel @p2 .LBB2_19-.Ltmp16, $3  }
0x1eb: {  	_ =	sdelay $0x1  }
0x1ec: {  	[tilespmem:s0+$0x2080] =	vst v7;
	s0 =	sshra.s32 s3, $0x2;
	s3 =	sadd.s32 $0x40, s3  }
0x1ed: {  	v7 =	vld [tilespmem:s0+$0x1800]  }
0x1ee: {  	_ =	sdelay $0x3  }
0x1ef: {  	[tilespmem:s0+$0x2080] =	vst v7  }
0x1f0: {  	[spmem:s2] =	stream.indirect.scatter.add.f32 [tilespmem:s8], [sflag:$0x2], $0x1, s1, s25, $0xb8;
	[tilespmem:$0x1FC88] =	vst v63  }
0x1f1: {  	s28 =	sadd.s32 $0xFFFFF800, s28;
	_ =	swait.ge [sflag:s9], $0x800  }
0x1f2: {  	v7 =	vmov s28;
	[sflag:s9] =	ssyncset.done $0x0  }
0x1f3: {  	vm0 =	vgt.s32 v7, v0;
	[sflag:s9] =	ssyncadd.s32 $0xFFFFF800  }
0x1f4: {  	v8 =	vld [tilespmem:$0x2000];
	_ =	sdelay $0x4  }
0x1f5: {  	vm13 =	vgt.s32 v7, v2;
	[tilespmem:v0+s22+$0x0] =	vst.idx.msk vm0, v8  }
0x1f6: {  	v8 =	vld [tilespmem:$0x2010];
	_ =	sdelay $0x4  }
0x1f7: {  	vm14 =	vgt.s32 v7, v3;
	[tilespmem:v2+s22+$0x0] =	vst.idx.msk vm13, v8  }
0x1f8: {  	v8 =	vld [tilespmem:$0x2020];
	_ =	sdelay $0x4  }
0x1f9: {  	vm15 =	vgt.s32 v7, v4;
	[tilespmem:v3+s22+$0x0] =	vst.idx.msk vm14, v8  }
0x1fa: {  	v7 =	vld [tilespmem:$0x2030]  }
.Ltmp17:
0x1fb: {  	_ = 	snop;
	(pc) =	sbr.rel .LBB2_21-.Ltmp17, $2  }
0x1fc: {  	_ =	sdelay $0x2  }
0x1fd: {  	[tilespmem:v4+s22+$0x0] =	vst.idx.msk vm15, v7  }
.LBB2_22:
.Ltmp18:
0x1fe: {  	(pc) =	sbr.rel @p1 .LBB2_24-.Ltmp18, $1  }
0x1ff: {  	_ =	sdelay $0x3  }
.Ltmp19:
0x200: {  	(pc) =	sbr.rel .LBB2_10-.Ltmp19, $4  }
0x201: {  	s0 =	sadd.s32 s29, s21  }
0x202: {  	s0 =	sshrl.u32 s0, $0x3  }
0x203: {  	s26 =	sadd.s32 $0x1, s26;
	s0 =	sadd.s32 s7, s0  }
0x204: {  	[tilespmem:s25], [sflag:$0x1] =	stream.linear.gather [hbm4b:s0+s4], $0x800, $0x38;
	[tilespmem:$0x1FC88] =	vst v63  }
.LBB2_24:
0x205: {  	s0 =	ssub.s32 $0x80F, s28  }
0x206: {  	s3 =	sshra.s32 s0, $0x4  }
0x207: {  	p1 =	slt.s32 s3, $0x1  }
.Ltmp20:
0x208: {  	_ = 	snop;
	(pc) =	sbr.rel @p1 .LBB2_27-.Ltmp20, $1  }
0x209: {  	_ =	sdelay $0x3  }
0x20a: {  	p1 =	sne.s32 s3, $0x1  }
.Ltmp21:
0x20b: {  	_ = 	snop;
	(pc) =	sbr.rel @!p1 .LBB2_27-.Ltmp21, $3  }
0x20c: {  	_ =	sdelay $0x1  }
0x20d: {  	s0 =	sadd.s32 $0x1800, s28  }
0x20e: {  	s26 =	sadd.s32 $0xFFFFFFFF, s3;
	[tilespmem:s0+$0x0] =	vst v5  }
.LBB2_26:
0x20f: {  	p1 =	sne.s32 s26, $0x1  }
.Ltmp22:
0x210: {  	_ = 	snop;
	(pc) =	sbr.rel @p1 .LBB2_26-.Ltmp22, $3  }
0x211: {  	_ =	sdelay $0x1  }
0x212: {  	s26 =	sadd.s32 $0xFFFFFFFF, s26;
	s0 =	sadd.s32 $0x10, s0  }
0x213: {  	[tilespmem:s0+$0x0] =	vst v5  }
.LBB2_27:
0x214: {  	s0 =	simm.s32 $0x0  }
0x215: {  	s3 =	simm.s32 $0x40;
	v6 =	vld [tilespmem:s0+$0x1800]  }
.LBB2_28:
0x216: {  	p1 =	sne.s32 s3, $0x1FC0  }
.Ltmp23:
0x217: {  	_ = 	snop;
	(pc) =	sbr.rel @p1 .LBB2_28-.Ltmp23, $3  }
0x218: {  	_ =	sdelay $0x1  }
0x219: {  	[tilespmem:s0+$0x2080] =	vst v6;
	s0 =	sshra.s32 s3, $0x2;
	s3 =	sadd.s32 $0x40, s3  }
0x21a: {  	v6 =	vld [tilespmem:s0+$0x1800]  }
0x21b: {  	_ =	sdelay $0x3  }
0x21c: {  	[tilespmem:s0+$0x2080] =	vst v6  }
0x21d: {  	[spmem:s2] =	stream.indirect.scatter.add.f32 [tilespmem:s8], [sflag:$0x2], $0x1, s1, s25, $0xb8;
	[tilespmem:$0x1FC88] =	vst v63  }
.Ltmp24:
0x21e: {  	_ =	swait.ge [sflag:s9], $0x800;
	(pc) =	sbr.rel @!p0 .LBB2_30-.Ltmp24, $3  }
0x21f: {  	[sflag:s9] =	ssyncset.done $0x0  }
0x220: {  	[sflag:s9] =	ssyncadd.s32 $0xFFFFF800  }
0x221: {  	[bflag:$0x0] =	sbarrier.arrive $0xFFFF;
	_ =	sdelay $0x1  }
0x222: {  	p0 =	sgt.u32 s16, $0x4416A04  }
0x223: {  	p1 =	sgt.u32 @p0 s16, $0x4418403  }
0x224: {  	p2 =	por p1, !p0  }
0x225: {  	s0 =	simm.s32 @!p2 $0x2880;
	s3 =	simm.s32 @!p2 $0x6  }
0x226: {  	[tilespmem:s0], [sflag:$0x6] =	stream.linear.gather @!p2 [spmem:s10], $0xE04, $0x38;
	[tilespmem:$0x1FC88] =	vst v63  }
0x227: {  	_ =	swait.ge @!p2 [sflag:s3], $0xE04  }
0x228: {  	s11 =	simm.s32 @!p2 $0x5;
	[sflag:s3] =	ssyncset.done @!p2 $0x0  }
0x229: {  	s18 =	simm.s32 @!p2 $0x0;
	[sflag:s3] =	ssyncadd.s32 @!p2 $0xFFFFF1FC;
	s3 =	sadd.s32 @!p2 $0x0, s15  }
0x22a: {  	[hbm4b:s3+s18] =	stream.linear.scatter @!p2 [tilespmem:s0], [sflag:$0x5], $0xE04, $0x38;
	[tilespmem:$0x1FC88] =	vst v63  }
0x22b: {  	_ =	swait.ge @!p2 [sflag:s11], $0xE04  }
0x22c: {  	p1 =	por p0, p0;
	[sflag:s11] =	ssyncset.done @!p2 $0x0  }
0x22d: {  	s3 =	simm.s32 @!p1 $0x2880;
	s0 =	simm.s32 @!p1 $0x6;
	[sflag:s11] =	ssyncadd.s32 @!p2 $0xFFFFF1FC  }
0x22e: {  	[tilespmem:s3], [sflag:$0x6] =	stream.linear.gather @!p1 [spmem:s10], $0x1A00, $0x38;
	[tilespmem:$0x1FC88] =	vst v63  }
0x22f: {  	s28 =	sadd.s32 $0x1A00, s16;
	_ =	swait.ge @!p1 [sflag:s0], $0x1A00  }
0x230: {  	p0 =	sgt.u32 s28, $0x4416A04;
	s18 =	sadd.s32 @!p1 $0x0, s15;
	[sflag:s0] =	ssyncset.done @!p1 $0x0  }
0x231: {  	s11 =	simm.s32 @!p1 $0x0;
	p2 =	sgt.u32 @p0 s28, $0x4418403;
	[sflag:s0] =	ssyncadd.s32 @!p1 $0xFFFFE600  }
0x232: {  	[hbm4b:s18+s11] =	stream.linear.scatter @!p1 [tilespmem:s3], [sflag:$0x6], $0x1A00, $0x38;
	[tilespmem:$0x1FC88] =	vst v63  }
0x233: {  	s29 =	simm.s32 $0x680;
	p2 =	por p2, !p0;
	_ =	swait.ge @!p1 [sflag:s0], $0x1A00  }
0x234: {  	s18 =	simm.s32 $0x340;
	[sflag:s0] =	ssyncset.done @!p1 $0x0;
	s26 =	rddreg [dreg:$0x8]  }
.LBB2_32:
0x235: {  	s3 =	simm.s32 @!p2 $0x2880;
	s11 =	simm.s32 @!p2 $0x6;
	[sflag:s0] =	ssyncadd.s32 @!p1 $0xFFFFE600  }
0x236: {  	[tilespmem:s3], [sflag:$0x6] =	stream.linear.gather @!p2 [spmem:s26], $0xE04, $0x38;
	[tilespmem:$0x1FC88] =	vst v63  }
0x237: {  	s23 =	smov.u32 s29;
	s29 =	sadd.s32 $0x340, s29;
	_ =	swait.ge @!p2 [sflag:s11], $0xE04  }
0x238: {  	s0 =	simm.s32 @!p2 $0x5;
	p3 =	sne.s32 s29, $0x3400;
	[sflag:s11] =	ssyncset.done @!p2 $0x0  }
0x239: {  	s24 =	simm.s32 @!p2 $0x0;
	[sflag:s11] =	ssyncadd.s32 @!p2 $0xFFFFF1FC;
	s11 =	sadd.s32 @!p2 s18, s15  }
0x23a: {  	[hbm4b:s11+s24] =	stream.linear.scatter @!p2 [tilespmem:s3], [sflag:$0x5], $0xE04, $0x38;
	[tilespmem:$0x1FC88] =	vst v63  }
0x23b: {  	p1 =	por p0, p0;
	_ =	swait.ge @!p2 [sflag:s0], $0xE04  }
0x23c: {  	[sflag:s0] =	ssyncset.done @!p2 $0x0  }
0x23d: {  	s3 =	simm.s32 @!p1 $0x2880;
	[sflag:s0] =	ssyncadd.s32 @!p2 $0xFFFFF1FC;
	s0 =	simm.s32 @!p1 $0x6  }
0x23e: {  	[tilespmem:s3], [sflag:$0x6] =	stream.linear.gather @!p1 [spmem:s26], $0x1A00, $0x38;
	[tilespmem:$0x1FC88] =	vst v63  }
0x23f: {  	s28 =	sadd.s32 $0x1A00, s28;
	_ =	swait.ge @!p1 [sflag:s0], $0x1A00  }
.Ltmp25:
0x240: {  	s11 =	simm.s32 @!p1 $0x0;
	[sflag:s0] =	ssyncset.done @!p1 $0x0;
	(pc) =	sbr.rel @p3 .LBB2_32-.Ltmp25, $4  }
0x241: {  	p0 =	sgt.u32 s28, $0x4416A04;
	s18 =	sadd.s32 @!p1 s18, s15;
	[sflag:s0] =	ssyncadd.s32 @!p1 $0xFFFFE600  }
0x242: {  	[hbm4b:s18+s11] =	stream.linear.scatter @!p1 [tilespmem:s3], [sflag:$0x6], $0x1A00, $0x38;
	[tilespmem:$0x1FC88] =	vst v63  }
0x243: {  	p2 =	sgt.u32 @p0 s28, $0x4418403;
	s18 =	smov.u32 s23;
	_ =	swait.ge @!p1 [sflag:s0], $0x1A00  }
0x244: {  	p2 =	por p2, !p0;
	s26 =	sadd.s32 $0x1A00, s26;
	[sflag:s0] =	ssyncset.done @!p1 $0x0  }
0x245: {  	s3 =	simm.s32 @!p2 $0x2880;
	s11 =	simm.s32 @!p2 $0x6;
	[sflag:s0] =	ssyncadd.s32 @!p1 $0xFFFFE600  }
0x246: {  	[tilespmem:s3], [sflag:$0x6] =	stream.linear.gather @!p2 [spmem:s26], $0xE04, $0x38;
	[tilespmem:$0x1FC88] =	vst v63  }
0x247: {  	_ =	swait.ge @!p2 [sflag:s11], $0xE04  }
0x248: {  	s0 =	simm.s32 @!p2 $0x5;
	[sflag:s11] =	ssyncset.done @!p2 $0x0  }
0x249: {  	s23 =	simm.s32 @!p2 $0x0;
	[sflag:s11] =	ssyncadd.s32 @!p2 $0xFFFFF1FC;
	s11 =	sadd.s32 @!p2 s18, s15  }
0x24a: {  	[hbm4b:s11+s23] =	stream.linear.scatter @!p2 [tilespmem:s3], [sflag:$0x5], $0xE04, $0x38;
	[tilespmem:$0x1FC88] =	vst v63  }
0x24b: {  	_ =	swait.ge @!p2 [sflag:s0], $0xE04  }
0x24c: {  	p0 =	por p0, p0;
	[sflag:s0] =	ssyncset.done @!p2 $0x0  }
0x24d: {  	s3 =	simm.s32 @!p0 $0x6;
	[sflag:s0] =	ssyncadd.s32 @!p2 $0xFFFFF1FC;
	s0 =	simm.s32 @!p0 $0x2880  }
0x24e: {  	[tilespmem:s0], [sflag:$0x6] =	stream.linear.gather @!p0 [spmem:s26], $0x1A00, $0x38;
	[tilespmem:$0x1FC88] =	vst v63  }
0x24f: {  	_ =	swait.ge @!p0 [sflag:s3], $0x1A00  }
0x250: {  	s18 =	sadd.s32 @!p0 s18, s15;
	[sflag:s3] =	ssyncset.done @!p0 $0x0  }
.Ltmp26:
0x251: {  	s11 =	simm.s32 @!p0 $0x0;
	[sflag:s3] =	ssyncadd.s32 @!p0 $0xFFFFE600;
	(pc) =	sbr.rel .LBB2_34-.Ltmp26, $4  }
0x252: {  	[hbm4b:s18+s11] =	stream.linear.scatter @!p0 [tilespmem:s0], [sflag:$0x6], $0x1A00, $0x38;
	[tilespmem:$0x1FC88] =	vst v63  }
0x253: {  	_ =	swait.ge @!p0 [sflag:s3], $0x1A00  }
0x254: {  	[sflag:s3] =	ssyncset.done @!p0 $0x0  }
0x255: {  	[sflag:s3] =	ssyncadd.s32 @!p0 $0xFFFFE600  }
.LBB2_36:
0x256: {  	_ =	sfence.sel $0x180000  }
0x257: {  	[bflag:$0x0] =	sbarrier.arrive $0xFFFF  }
0x258: {  	_ =	strace $0x9000004A  }
0x259: {  	s0 =	stileid.u32;
	[bflag:$0x2] =	sbarrier.arrive $0xFFFF  }
0x25a: {  	p0 =	sne.s32 s0, $0x0;
	s0 =	rddreg [dreg:$0x3]  }
0x25b: {  	s0 =	sadd.s32 @!p0 $0x100000, s0  }
0x25c: {  	[sflag:s0] =	ssyncadd.tile.s32 @!p0 $0x1;
	_ =	shalt  }
.Lfunc_end2:
_tile_overlayer_lowered:
.L_overlay_start_2:
0x25d: {  	(tag) =	ssettag $0x2  }
0x25e: {  	s0 =	rddreg [dreg:$0x0];
	s2 =	stileid.u32  }
0x25f: {  	s1 =	rddreg [dreg:$0x1];
	p0 =	sne.s32 s2, $0x0  }
0x260: {  	s3 =	rddreg [dreg:$0x2];
	[bflag:$0x3] =	sbarrier.arrive $0xFFFF;
	s2 =	simm.s32 @!p0 $0x1C05  }
0x261: {  	[timem:s3], [sflag:s2] =	dma.local @!p0 [hbm:s0], s1  }
0x262: {  	s0 =	simm.s32 @!p0 $0x5  }
0x263: {  	_ =	swait.ge @!p0 [sflag:s0], s1  }
0x264: {  	s1 =	ssub.s32 @!p0 $0x0, s1;
	[sflag:s0] =	ssyncset.done @!p0 $0x0  }
0x265: {  	[sflag:s0] =	ssyncadd.s32 @!p0 s1  }
0x266: {  	[bflag:$0x3] =	sbarrier.arrive $0xFFFF  }
0x267: {  	_ =	shalt  }

</sc_bundles>
